<compile_context>
chip_gen: v7x
topology: tpu7x:2x2x1
jax: 0.10.2.dev20260603
libtpu: 0.0.44.dev20260713+nightly
codegen_flags: <defaults>
</compile_context>

<pallas_src>
import functools

import jax
import jax.numpy as jnp
from jax import lax
from jax.experimental import pallas as pl
from jax.experimental.pallas import tpu as pltpu
from jax.experimental.pallas import tpu_sc as plsc

VOCAB = 100000
EMBED = 64
EPS = 1e-12

NC = 2
NS = 16
NW = NC * NS
LANES = 16

SEQ = 16384
WIDTH = 50
B = SEQ * WIDTH
BPW = B // NW
SPW = SEQ // NW
CHUNK = 200
CSEQ = CHUNK // WIDTH
NCHUNK = BPW // CHUNK
SUB = 2
SUBN = CHUNK // SUB
NBUF = 2


def _rsqrt(x):
    i = lax.bitcast_convert_type(x, jnp.int32)
    i = jnp.int32(0x5F3759DF) - lax.shift_right_logical(i, 1)
    y = lax.bitcast_convert_type(i, jnp.float32)
    for _ in range(3):
        y = y * (1.5 - 0.5 * x * y * y)
    return y


_UNROLL = 8


def _emb_ln_body(ids_hbm, table_hbm, scale_hbm, bias_hbm, out_hbm,
                 idx0, idx1, rows0, rows1, ob0, ob1, sbv,
                 isem0, isem1, gsem0, gsem1, osem0, osem1):
    idxb = (idx0, idx1)
    rowsb = (rows0, rows1)
    outb = (ob0, ob1)
    isem = (isem0, isem1)
    gsem = (gsem0, gsem1)
    osem = (osem0, osem1)

    wid = lax.axis_index("s") * NC + lax.axis_index("c")
    base_seq = wid * SPW
    base_idxrow = wid * (BPW // SUBN)

    pltpu.sync_copy(scale_hbm, sbv.at[pl.ds(0, EMBED)])
    pltpu.sync_copy(bias_hbm, sbv.at[pl.ds(EMBED, EMBED)])

    def start_idx(c, b):
        pltpu.async_copy(ids_hbm.at[pl.ds(base_idxrow + c * SUB, SUB)],
                         idxb[b], isem[b])

    def wait_idx(b):
        pltpu.make_async_copy(ids_hbm.at[pl.ds(base_idxrow, SUB)],
                              idxb[b], isem[b]).wait()

    def fire_gather(b):
        for k in range(SUB):
            pltpu.async_copy(table_hbm.at[idxb[b].at[k]],
                             rowsb[b].at[pl.ds(k * SUBN, SUBN)], gsem[b])

    def wait_gather(b):
        for k in range(SUB):
            pltpu.make_async_copy(table_hbm.at[idxb[b].at[k]],
                                  rowsb[b].at[pl.ds(k * SUBN, SUBN)],
                                  gsem[b]).wait()

    def start_out(c, b):
        pltpu.async_copy(outb[b],
                         out_hbm.at[pl.ds(base_seq + c * CSEQ, CSEQ)],
                         osem[b])

    def wait_out(b):
        pltpu.make_async_copy(outb[b],
                              out_hbm.at[pl.ds(base_seq, CSEQ)],
                              osem[b]).wait()

    def compute_chunk(b):
        rows = rowsb[b]
        ob = outb[b]
        sv = [sbv[pl.ds(LANES * k, LANES)] for k in range(4)]
        bv = [sbv[pl.ds(EMBED + LANES * k, LANES)] for k in range(4)]

        @plsc.parallel_loop(0, CHUNK, 1, unroll=_UNROLL)
        def row_body(r):
            v = [rows[r, pl.ds(LANES * k, LANES)] for k in range(4)]
            s = (v[0] + v[1]) + (v[2] + v[3])
            mean = jnp.full((LANES,), jnp.sum(s) * (1.0 / EMBED))
            d = [v[k] - mean for k in range(4)]
            q = (d[0] * d[0] + d[1] * d[1]) + (d[2] * d[2] + d[3] * d[3])
            var = jnp.full((LANES,), jnp.sum(q) * (1.0 / EMBED))
            rstd = _rsqrt(var + EPS)
            rs = r // WIDTH
            rw = r - rs * WIDTH
            for k in range(4):
                ob[rs, pl.ds(rw * EMBED + LANES * k, LANES)] = \
                    d[k] * rstd * sv[k] + bv[k]

    for b in range(NBUF):
        start_idx(b, b)
        wait_idx(b)
        fire_gather(b)

    def chunk_iter(i, carry):
        for b in range(NBUF):
            cc = i * NBUF + b
            wait_gather(b)

            @pl.when(cc + NBUF < NCHUNK)
            def _():
                start_idx(cc + NBUF, b)

            compute_chunk(b)

            @pl.when(cc >= NBUF)
            def _():
                wait_out(b)

            start_out(cc, b)

            @pl.when(cc + NBUF < NCHUNK)
            def _():
                wait_idx(b)
                fire_gather(b)

        return carry

    lax.fori_loop(0, NCHUNK // NBUF, chunk_iter, 0)

    for b in range(NBUF):
        wait_out(b)


_emb_ln = functools.partial(
    pl.kernel,
    mesh=plsc.VectorSubcoreMesh(core_axis_name="c", subcore_axis_name="s"),
    compiler_params=pltpu.CompilerParams(needs_layout_passes=False,
                                         use_tc_tiling_on_sc=False),
    out_type=jax.ShapeDtypeStruct((SEQ, WIDTH * EMBED), jnp.float32),
    scratch_types=[
        pltpu.VMEM((SUB, SUBN), jnp.int32),
        pltpu.VMEM((SUB, SUBN), jnp.int32),
        pltpu.VMEM((CHUNK, EMBED), jnp.float32),
        pltpu.VMEM((CHUNK, EMBED), jnp.float32),
        pltpu.VMEM((CSEQ, WIDTH * EMBED), jnp.float32),
        pltpu.VMEM((CSEQ, WIDTH * EMBED), jnp.float32),
        pltpu.VMEM((2 * EMBED,), jnp.float32),
        pltpu.SemaphoreType.DMA,
        pltpu.SemaphoreType.DMA,
        pltpu.SemaphoreType.DMA,
        pltpu.SemaphoreType.DMA,
        pltpu.SemaphoreType.DMA,
        pltpu.SemaphoreType.DMA,
    ],
)(_emb_ln_body)


def kernel(input_ids, attention_mask, table, ln_scale, ln_bias):
    del attention_mask
    seq, width = input_ids.shape
    assert seq * width == B and table.shape == (VOCAB, EMBED)
    ids = input_ids.astype(jnp.int32).reshape(B // SUBN, SUBN)
    out = _emb_ln(ids, table, ln_scale, ln_bias)
    return out.reshape(seq, width, EMBED)


__all__ = ["kernel"]

# --- scband reference (transcript-rebuilt; emitter-appended) ---
"""Pipeline reference for scband-embeddings-18133351924393 (READ-ONLY COPY).

The authoritative reference and input builder live on the scoring server;
editing this copy changes nothing except your own understanding.
"""

import jax, jax.numpy as jnp
import numpy as np

VOCAB = 100000
EMBED = 64
EPS = 1e-12

def setup_inputs(seed: int = 0) -> dict:
    key = jax.random.key(seed)
    k1, k2, k3 = jax.random.split(key, 3)
    input_ids = jax.random.randint(k1, (16384, 50), 0, VOCAB, dtype=jnp.int64)
    attention_mask = jnp.ones((16384, 50), dtype=jnp.int32)
    table = jax.random.normal(k2, (VOCAB, EMBED), dtype=jnp.float32) * 0.02
    ln_scale = jnp.ones((EMBED,), dtype=jnp.float32)
    ln_bias = jnp.zeros((EMBED,), dtype=jnp.float32)
    return {"input_ids": input_ids, "attention_mask": attention_mask,
            "table": table, "ln_scale": ln_scale, "ln_bias": ln_bias}

def reference(input_ids, attention_mask, table, ln_scale, ln_bias):
    # word embedding lookup (gather)
    ids = input_ids.astype(jnp.int32)
    inputs_embeds = jnp.take(table, ids, axis=0)
    # layer norm over last axis
    mean = jnp.mean(inputs_embeds, axis=-1, keepdims=True)
    var = jnp.mean(jnp.square(inputs_embeds - mean), axis=-1, keepdims=True)
    normed = (inputs_embeds - mean) * jax.lax.rsqrt(var + EPS)
    out = normed * ln_scale + ln_bias
    # dropout: deterministic / rate 0.0 -> identity
    return out.astype(jnp.float32)

if __name__ == "__main__":
    import jax
    _d = setup_inputs()
    print(jax.jit(kernel)(*tuple(_d.values())))

</pallas_src>

<mosaic_0001>
#map = affine_map<(d0, d1) -> (0, 0)>
#map1 = affine_map<(d0, d1) -> (0)>
module attributes {stable_mosaic.version = 14 : i64} {
  func.func @_emb_ln_body(%arg0: i32, %arg1: i32, %arg2: memref<8192x100xi32, #tpu.memory_space<hbm>>, %arg3: memref<100000x64xf32, #tpu.memory_space<hbm>>, %arg4: memref<64xf32, #tpu.memory_space<hbm>>, %arg5: memref<64xf32, #tpu.memory_space<hbm>>, %arg6: memref<16384x3200xf32, #tpu.memory_space<hbm>>, %arg7: memref<2x100xi32, #tpu.memory_space<vmem>>, %arg8: memref<2x100xi32, #tpu.memory_space<vmem>>, %arg9: memref<200x64xf32, #tpu.memory_space<vmem>>, %arg10: memref<200x64xf32, #tpu.memory_space<vmem>>, %arg11: memref<4x3200xf32, #tpu.memory_space<vmem>>, %arg12: memref<4x3200xf32, #tpu.memory_space<vmem>>, %arg13: memref<128xf32, #tpu.memory_space<vmem>>, %arg14: memref<!tpu.dma_semaphore, #tpu.memory_space<semaphore_mem>>, %arg15: memref<!tpu.dma_semaphore, #tpu.memory_space<semaphore_mem>>, %arg16: memref<!tpu.dma_semaphore, #tpu.memory_space<semaphore_mem>>, %arg17: memref<!tpu.dma_semaphore, #tpu.memory_space<semaphore_mem>>, %arg18: memref<!tpu.dma_semaphore, #tpu.memory_space<semaphore_mem>>, %arg19: memref<!tpu.dma_semaphore, #tpu.memory_space<semaphore_mem>>) attributes {dimension_semantics = [#tpu.dimension_semantics<core_parallel>, #tpu.dimension_semantics<subcore_parallel>], iteration_bounds = array<i64: 2, 16>, scalar_prefetch = 0 : i64, scratch_operands = 13 : i64, tpu.core_type = #tpu.core_type<sc_vector_subcore>, window_params = [{transform_indices = #map}, {transform_indices = #map}, {transform_indices = #map1}, {transform_indices = #map1}, {transform_indices = #map}]} {
    %mul3A = arith.constant 2 : i32
    %mul3A_0 = arith.muli %arg1, %mul3A : i32
    %add3A = arith.addi %mul3A_0, %arg0 : i32
    %mul3A_1 = arith.constant 512 : i32
    %mul3A_2 = arith.muli %add3A, %mul3A_1 : i32
    %mul3A_3 = arith.constant 256 : i32
    %mul3A_4 = arith.muli %add3A, %mul3A_3 : i32
    "tpu.region"() ({
      %run_scoped3A = tpu.sem_alloc : memref<!tpu.dma_semaphore, #tpu.memory_space<semaphore_mem>>
      %dma_start3A_76 = arith.constant 0 : i32
      %dma_start3A_77 = tpu.memref_slice %arg13[%dma_start3A_76] : memref<128xf32, #tpu.memory_space<vmem>> -> memref<64xf32, #tpu.memory_space<vmem>>
      %dma_start3A_78 = arith.constant 0 : i32
      %dma_start3A_79 = tpu.memref_slice %arg13[%dma_start3A_78] : memref<128xf32, #tpu.memory_space<vmem>> -> memref<64xf32, #tpu.memory_space<vmem>>
      tpu.enqueue_dma source(%arg4 : memref<64xf32, #tpu.memory_space<hbm>>) target(%dma_start3A_79 : memref<64xf32, #tpu.memory_space<vmem>>) target_semaphore(%run_scoped3A : memref<!tpu.dma_semaphore, #tpu.memory_space<semaphore_mem>>)
      %dma_wait3A_80 = arith.constant 0 : i32
      %dma_wait3A_81 = tpu.memref_slice %arg13[%dma_wait3A_80] : memref<128xf32, #tpu.memory_space<vmem>> -> memref<64xf32, #tpu.memory_space<vmem>>
      %dma_wait3A_82 = arith.constant 0 : i32
      %dma_wait3A_83 = tpu.memref_slice %arg13[%dma_wait3A_82] : memref<128xf32, #tpu.memory_space<vmem>> -> memref<64xf32, #tpu.memory_space<vmem>>
      tpu.wait_dma2 semaphore(%run_scoped3A : memref<!tpu.dma_semaphore, #tpu.memory_space<semaphore_mem>>) src(%arg4 : memref<64xf32, #tpu.memory_space<hbm>>) dst(%dma_wait3A_83 : memref<64xf32, #tpu.memory_space<vmem>>)
      tpu.yield
    }) : () -> ()
    "tpu.region"() ({
      %run_scoped3A = tpu.sem_alloc : memref<!tpu.dma_semaphore, #tpu.memory_space<semaphore_mem>>
      %dma_start3A_76 = arith.constant 64 : i32
      %dma_start3A_77 = tpu.memref_slice %arg13[%dma_start3A_76] : memref<128xf32, #tpu.memory_space<vmem>> -> memref<64xf32, #tpu.memory_space<vmem>>
      %dma_start3A_78 = arith.constant 64 : i32
      %dma_start3A_79 = tpu.memref_slice %arg13[%dma_start3A_78] : memref<128xf32, #tpu.memory_space<vmem>> -> memref<64xf32, #tpu.memory_space<vmem>>
      tpu.enqueue_dma source(%arg5 : memref<64xf32, #tpu.memory_space<hbm>>) target(%dma_start3A_79 : memref<64xf32, #tpu.memory_space<vmem>>) target_semaphore(%run_scoped3A : memref<!tpu.dma_semaphore, #tpu.memory_space<semaphore_mem>>)
      %dma_wait3A_80 = arith.constant 64 : i32
      %dma_wait3A_81 = tpu.memref_slice %arg13[%dma_wait3A_80] : memref<128xf32, #tpu.memory_space<vmem>> -> memref<64xf32, #tpu.memory_space<vmem>>
      %dma_wait3A_82 = arith.constant 64 : i32
      %dma_wait3A_83 = tpu.memref_slice %arg13[%dma_wait3A_82] : memref<128xf32, #tpu.memory_space<vmem>> -> memref<64xf32, #tpu.memory_space<vmem>>
      tpu.wait_dma2 semaphore(%run_scoped3A : memref<!tpu.dma_semaphore, #tpu.memory_space<semaphore_mem>>) src(%arg5 : memref<64xf32, #tpu.memory_space<hbm>>) dst(%dma_wait3A_83 : memref<64xf32, #tpu.memory_space<vmem>>)
      tpu.yield
    }) : () -> ()
    %add3A_5 = arith.constant 0 : i32
    %add3A_6 = arith.addi %mul3A_4, %add3A_5 : i32
    %dma_start3A = arith.constant 0 : i32
    %dma_start3A_7 = tpu.memref_slice %arg2[%add3A_6, %dma_start3A] : memref<8192x100xi32, #tpu.memory_space<hbm>> -> memref<2x100xi32, #tpu.memory_space<hbm>>
    %dma_start3A_8 = arith.constant 0 : i32
    %dma_start3A_9 = tpu.memref_slice %arg2[%add3A_6, %dma_start3A_8] : memref<8192x100xi32, #tpu.memory_space<hbm>> -> memref<2x100xi32, #tpu.memory_space<hbm>>
    tpu.enqueue_dma source(%dma_start3A_9 : memref<2x100xi32, #tpu.memory_space<hbm>>) target(%arg7 : memref<2x100xi32, #tpu.memory_space<vmem>>) target_semaphore(%arg14 : memref<!tpu.dma_semaphore, #tpu.memory_space<semaphore_mem>>)
    %dma_wait3A = arith.constant 0 : i32
    %dma_wait3A_10 = tpu.memref_slice %arg2[%mul3A_4, %dma_wait3A] : memref<8192x100xi32, #tpu.memory_space<hbm>> -> memref<2x100xi32, #tpu.memory_space<hbm>>
    %dma_wait3A_11 = arith.constant 0 : i32
    %dma_wait3A_12 = tpu.memref_slice %arg2[%mul3A_4, %dma_wait3A_11] : memref<8192x100xi32, #tpu.memory_space<hbm>> -> memref<2x100xi32, #tpu.memory_space<hbm>>
    tpu.wait_dma2 semaphore(%arg14 : memref<!tpu.dma_semaphore, #tpu.memory_space<semaphore_mem>>) src(%dma_wait3A_12 : memref<2x100xi32, #tpu.memory_space<hbm>>) dst(%arg7 : memref<2x100xi32, #tpu.memory_space<vmem>>)
    %dma_start3A_13 = arith.constant 0 : i32
    %dma_start3A_14 = arith.constant 0 : i32
    %dma_start3A_15 = arith.constant 0 : i32
    %dma_start3A_16 = tpu.memref_slice %arg9[%dma_start3A_14, %dma_start3A_15] : memref<200x64xf32, #tpu.memory_space<vmem>> -> memref<100x64xf32, #tpu.memory_space<vmem>>
    %dma_start3A_17 = arith.constant 0 : i32
    %dma_start3A_18 = tpu.memref_slice %arg7[%dma_start3A_13, %dma_start3A_17] : memref<2x100xi32, #tpu.memory_space<vmem>> -> memref<1x100xi32, #tpu.memory_space<vmem>>
    %dma_start3A_19 = tpu.memref_squeeze %dma_start3A_18 : memref<1x100xi32, #tpu.memory_space<vmem>> -> memref<100xi32, #tpu.memory_space<vmem>>
    %dma_start3A_20 = arith.constant 0 : i32
    %dma_start3A_21 = arith.constant 0 : i32
    %dma_start3A_22 = tpu.memref_slice %arg3[%dma_start3A_20, %dma_start3A_21] : memref<100000x64xf32, #tpu.memory_space<hbm>> -> memref<100000x64xf32, #tpu.memory_space<hbm>>
    tpu.enqueue_indirect_dma source(%dma_start3A_22 : memref<100000x64xf32, #tpu.memory_space<hbm>>) target(%dma_start3A_16 : memref<100x64xf32, #tpu.memory_space<vmem>>) offsets(%dma_start3A_19 : memref<100xi32, #tpu.memory_space<vmem>>) semaphore(%arg16 : memref<!tpu.dma_semaphore, #tpu.memory_space<semaphore_mem>>)
    %dma_start3A_23 = arith.constant 1 : i32
    %dma_start3A_24 = arith.constant 100 : i32
    %dma_start3A_25 = arith.constant 0 : i32
    %dma_start3A_26 = tpu.memref_slice %arg9[%dma_start3A_24, %dma_start3A_25] : memref<200x64xf32, #tpu.memory_space<vmem>> -> memref<100x64xf32, #tpu.memory_space<vmem>>
    %dma_start3A_27 = arith.constant 0 : i32
    %dma_start3A_28 = tpu.memref_slice %arg7[%dma_start3A_23, %dma_start3A_27] : memref<2x100xi32, #tpu.memory_space<vmem>> -> memref<1x100xi32, #tpu.memory_space<vmem>>
    %dma_start3A_29 = tpu.memref_squeeze %dma_start3A_28 : memref<1x100xi32, #tpu.memory_space<vmem>> -> memref<100xi32, #tpu.memory_space<vmem>>
    %dma_start3A_30 = arith.constant 0 : i32
    %dma_start3A_31 = arith.constant 0 : i32
    %dma_start3A_32 = tpu.memref_slice %arg3[%dma_start3A_30, %dma_start3A_31] : memref<100000x64xf32, #tpu.memory_space<hbm>> -> memref<100000x64xf32, #tpu.memory_space<hbm>>
    tpu.enqueue_indirect_dma source(%dma_start3A_32 : memref<100000x64xf32, #tpu.memory_space<hbm>>) target(%dma_start3A_26 : memref<100x64xf32, #tpu.memory_space<vmem>>) offsets(%dma_start3A_29 : memref<100xi32, #tpu.memory_space<vmem>>) semaphore(%arg16 : memref<!tpu.dma_semaphore, #tpu.memory_space<semaphore_mem>>)
    %add3A_33 = arith.constant 2 : i32
    %add3A_34 = arith.addi %mul3A_4, %add3A_33 : i32
    %dma_start3A_35 = arith.constant 0 : i32
    %dma_start3A_36 = tpu.memref_slice %arg2[%add3A_34, %dma_start3A_35] : memref<8192x100xi32, #tpu.memory_space<hbm>> -> memref<2x100xi32, #tpu.memory_space<hbm>>
    %dma_start3A_37 = arith.constant 0 : i32
    %dma_start3A_38 = tpu.memref_slice %arg2[%add3A_34, %dma_start3A_37] : memref<8192x100xi32, #tpu.memory_space<hbm>> -> memref<2x100xi32, #tpu.memory_space<hbm>>
    tpu.enqueue_dma source(%dma_start3A_38 : memref<2x100xi32, #tpu.memory_space<hbm>>) target(%arg8 : memref<2x100xi32, #tpu.memory_space<vmem>>) target_semaphore(%arg15 : memref<!tpu.dma_semaphore, #tpu.memory_space<semaphore_mem>>)
    %dma_wait3A_39 = arith.constant 0 : i32
    %dma_wait3A_40 = tpu.memref_slice %arg2[%mul3A_4, %dma_wait3A_39] : memref<8192x100xi32, #tpu.memory_space<hbm>> -> memref<2x100xi32, #tpu.memory_space<hbm>>
    %dma_wait3A_41 = arith.constant 0 : i32
    %dma_wait3A_42 = tpu.memref_slice %arg2[%mul3A_4, %dma_wait3A_41] : memref<8192x100xi32, #tpu.memory_space<hbm>> -> memref<2x100xi32, #tpu.memory_space<hbm>>
    tpu.wait_dma2 semaphore(%arg15 : memref<!tpu.dma_semaphore, #tpu.memory_space<semaphore_mem>>) src(%dma_wait3A_42 : memref<2x100xi32, #tpu.memory_space<hbm>>) dst(%arg8 : memref<2x100xi32, #tpu.memory_space<vmem>>)
    %dma_start3A_43 = arith.constant 0 : i32
    %dma_start3A_44 = arith.constant 0 : i32
    %dma_start3A_45 = arith.constant 0 : i32
    %dma_start3A_46 = tpu.memref_slice %arg10[%dma_start3A_44, %dma_start3A_45] : memref<200x64xf32, #tpu.memory_space<vmem>> -> memref<100x64xf32, #tpu.memory_space<vmem>>
    %dma_start3A_47 = arith.constant 0 : i32
    %dma_start3A_48 = tpu.memref_slice %arg8[%dma_start3A_43, %dma_start3A_47] : memref<2x100xi32, #tpu.memory_space<vmem>> -> memref<1x100xi32, #tpu.memory_space<vmem>>
    %dma_start3A_49 = tpu.memref_squeeze %dma_start3A_48 : memref<1x100xi32, #tpu.memory_space<vmem>> -> memref<100xi32, #tpu.memory_space<vmem>>
    %dma_start3A_50 = arith.constant 0 : i32
    %dma_start3A_51 = arith.constant 0 : i32
    %dma_start3A_52 = tpu.memref_slice %arg3[%dma_start3A_50, %dma_start3A_51] : memref<100000x64xf32, #tpu.memory_space<hbm>> -> memref<100000x64xf32, #tpu.memory_space<hbm>>
    tpu.enqueue_indirect_dma source(%dma_start3A_52 : memref<100000x64xf32, #tpu.memory_space<hbm>>) target(%dma_start3A_46 : memref<100x64xf32, #tpu.memory_space<vmem>>) offsets(%dma_start3A_49 : memref<100xi32, #tpu.memory_space<vmem>>) semaphore(%arg17 : memref<!tpu.dma_semaphore, #tpu.memory_space<semaphore_mem>>)
    %dma_start3A_53 = arith.constant 1 : i32
    %dma_start3A_54 = arith.constant 100 : i32
    %dma_start3A_55 = arith.constant 0 : i32
    %dma_start3A_56 = tpu.memref_slice %arg10[%dma_start3A_54, %dma_start3A_55] : memref<200x64xf32, #tpu.memory_space<vmem>> -> memref<100x64xf32, #tpu.memory_space<vmem>>
    %dma_start3A_57 = arith.constant 0 : i32
    %dma_start3A_58 = tpu.memref_slice %arg8[%dma_start3A_53, %dma_start3A_57] : memref<2x100xi32, #tpu.memory_space<vmem>> -> memref<1x100xi32, #tpu.memory_space<vmem>>
    %dma_start3A_59 = tpu.memref_squeeze %dma_start3A_58 : memref<1x100xi32, #tpu.memory_space<vmem>> -> memref<100xi32, #tpu.memory_space<vmem>>
    %dma_start3A_60 = arith.constant 0 : i32
    %dma_start3A_61 = arith.constant 0 : i32
    %dma_start3A_62 = tpu.memref_slice %arg3[%dma_start3A_60, %dma_start3A_61] : memref<100000x64xf32, #tpu.memory_space<hbm>> -> memref<100000x64xf32, #tpu.memory_space<hbm>>
    tpu.enqueue_indirect_dma source(%dma_start3A_62 : memref<100000x64xf32, #tpu.memory_space<hbm>>) target(%dma_start3A_56 : memref<100x64xf32, #tpu.memory_space<vmem>>) offsets(%dma_start3A_59 : memref<100xi32, #tpu.memory_space<vmem>>) semaphore(%arg17 : memref<!tpu.dma_semaphore, #tpu.memory_space<semaphore_mem>>)
    %scan3A = arith.constant 0 : i32
    %scan3A_63 = arith.constant 0 : i32
    %scan3A_64 = arith.constant 64 : i32
    %scan3A_65 = arith.addi %scan3A_63, %scan3A_64 : i32
    %scan3A_66 = arith.constant 1 : i32
    scf.for %scan3A_76 = %scan3A_63 to %scan3A_65 step %scan3A_66  : i32 {
      %mul3A_77 = arith.constant 2 : i32
      %mul3A_78 = arith.muli %scan3A_76, %mul3A_77 : i32
      %add3A_79 = arith.constant 0 : i32
      %add3A_80 = arith.addi %mul3A_78, %add3A_79 : i32
      %dma_wait3A_81 = arith.constant 0 : i32
      %dma_wait3A_82 = arith.constant 0 : i32
      %dma_wait3A_83 = arith.constant 0 : i32
      %dma_wait3A_84 = tpu.memref_slice %arg9[%dma_wait3A_82, %dma_wait3A_83] : memref<200x64xf32, #tpu.memory_space<vmem>> -> memref<100x64xf32, #tpu.memory_space<vmem>>
      %dma_wait3A_85 = arith.constant 0 : i32
      %dma_wait3A_86 = tpu.memref_slice %arg7[%dma_wait3A_81, %dma_wait3A_85] : memref<2x100xi32, #tpu.memory_space<vmem>> -> memref<1x100xi32, #tpu.memory_space<vmem>>
      %dma_wait3A_87 = tpu.memref_squeeze %dma_wait3A_86 : memref<1x100xi32, #tpu.memory_space<vmem>> -> memref<100xi32, #tpu.memory_space<vmem>>
      %dma_wait3A_88 = arith.constant 0 : i32
      %dma_wait3A_89 = arith.constant 0 : i32
      %dma_wait3A_90 = tpu.memref_slice %arg3[%dma_wait3A_88, %dma_wait3A_89] : memref<100000x64xf32, #tpu.memory_space<hbm>> -> memref<100000x64xf32, #tpu.memory_space<hbm>>
      tpu.wait_indirect_dma semaphore(%arg16 : memref<!tpu.dma_semaphore, #tpu.memory_space<semaphore_mem>>) src(%dma_wait3A_90 : memref<100000x64xf32, #tpu.memory_space<hbm>>) dst(%dma_wait3A_84 : memref<100x64xf32, #tpu.memory_space<vmem>>)
      %dma_wait3A_91 = arith.constant 1 : i32
      %dma_wait3A_92 = arith.constant 100 : i32
      %dma_wait3A_93 = arith.constant 0 : i32
      %dma_wait3A_94 = tpu.memref_slice %arg9[%dma_wait3A_92, %dma_wait3A_93] : memref<200x64xf32, #tpu.memory_space<vmem>> -> memref<100x64xf32, #tpu.memory_space<vmem>>
      %dma_wait3A_95 = arith.constant 0 : i32
      %dma_wait3A_96 = tpu.memref_slice %arg7[%dma_wait3A_91, %dma_wait3A_95] : memref<2x100xi32, #tpu.memory_space<vmem>> -> memref<1x100xi32, #tpu.memory_space<vmem>>
      %dma_wait3A_97 = tpu.memref_squeeze %dma_wait3A_96 : memref<1x100xi32, #tpu.memory_space<vmem>> -> memref<100xi32, #tpu.memory_space<vmem>>
      %dma_wait3A_98 = arith.constant 0 : i32
      %dma_wait3A_99 = arith.constant 0 : i32
      %dma_wait3A_100 = tpu.memref_slice %arg3[%dma_wait3A_98, %dma_wait3A_99] : memref<100000x64xf32, #tpu.memory_space<hbm>> -> memref<100000x64xf32, #tpu.memory_space<hbm>>
      tpu.wait_indirect_dma semaphore(%arg16 : memref<!tpu.dma_semaphore, #tpu.memory_space<semaphore_mem>>) src(%dma_wait3A_100 : memref<100000x64xf32, #tpu.memory_space<hbm>>) dst(%dma_wait3A_94 : memref<100x64xf32, #tpu.memory_space<vmem>>)
      %add3A_101 = arith.constant 2 : i32
      %add3A_102 = arith.addi %add3A_80, %add3A_101 : i32
      %lt3A = arith.constant 128 : i32
      %lt3A_103 = arith.cmpi slt, %add3A_102, %lt3A : i32
      %convert_element_type3A = arith.extui %lt3A_103 : i1 to i32
      %cond3A = arith.constant 0 : i32
      %cond3A_104 = arith.cmpi ne, %convert_element_type3A, %cond3A : i32
      scf.if %cond3A_104 {
        %add3A_209 = arith.constant 2 : i32
        %add3A_210 = arith.addi %add3A_80, %add3A_209 : i32
        %mul3A_211 = arith.constant 2 : i32
        %mul3A_212 = arith.muli %add3A_210, %mul3A_211 : i32
        %add3A_213 = arith.addi %mul3A_4, %mul3A_212 : i32
        %dma_start3A_214 = arith.constant 0 : i32
        %dma_start3A_215 = tpu.memref_slice %arg2[%add3A_213, %dma_start3A_214] : memref<8192x100xi32, #tpu.memory_space<hbm>> -> memref<2x100xi32, #tpu.memory_space<hbm>>
        %dma_start3A_216 = arith.constant 0 : i32
        %dma_start3A_217 = tpu.memref_slice %arg2[%add3A_213, %dma_start3A_216] : memref<8192x100xi32, #tpu.memory_space<hbm>> -> memref<2x100xi32, #tpu.memory_space<hbm>>
        tpu.enqueue_dma source(%dma_start3A_217 : memref<2x100xi32, #tpu.memory_space<hbm>>) target(%arg7 : memref<2x100xi32, #tpu.memory_space<vmem>>) target_semaphore(%arg14 : memref<!tpu.dma_semaphore, #tpu.memory_space<semaphore_mem>>)
      } else {
      }
      %get3A = arith.constant 0 : index
      %get3A_105 = tpu.vector_load %arg13[%get3A] {strides = array<i32>} : memref<128xf32, #tpu.memory_space<vmem>>, vector<16xf32>,
      %get3A_106 = arith.constant 16 : index
      %get3A_107 = tpu.vector_load %arg13[%get3A_106] {strides = array<i32>} : memref<128xf32, #tpu.memory_space<vmem>>, vector<16xf32>,
      %get3A_108 = arith.constant 32 : index
      %get3A_109 = tpu.vector_load %arg13[%get3A_108] {strides = array<i32>} : memref<128xf32, #tpu.memory_space<vmem>>, vector<16xf32>,
      %get3A_110 = arith.constant 48 : index
      %get3A_111 = tpu.vector_load %arg13[%get3A_110] {strides = array<i32>} : memref<128xf32, #tpu.memory_space<vmem>>, vector<16xf32>,
      %get3A_112 = arith.constant 64 : index
      %get3A_113 = tpu.vector_load %arg13[%get3A_112] {strides = array<i32>} : memref<128xf32, #tpu.memory_space<vmem>>, vector<16xf32>,
      %get3A_114 = arith.constant 80 : index
      %get3A_115 = tpu.vector_load %arg13[%get3A_114] {strides = array<i32>} : memref<128xf32, #tpu.memory_space<vmem>>, vector<16xf32>,
      %get3A_116 = arith.constant 96 : index
      %get3A_117 = tpu.vector_load %arg13[%get3A_116] {strides = array<i32>} : memref<128xf32, #tpu.memory_space<vmem>>, vector<16xf32>,
      %get3A_118 = arith.constant 112 : index
      %get3A_119 = tpu.vector_load %arg13[%get3A_118] {strides = array<i32>} : memref<128xf32, #tpu.memory_space<vmem>>, vector<16xf32>,
      %parallel_loop3A = arith.constant 0 : i32
      %parallel_loop3A_120 = arith.constant 200 : i32
      %parallel_loop3A_121 = arith.constant 1 : i32
      scf.for %parallel_loop3A_209 = %parallel_loop3A to %parallel_loop3A_120 step %parallel_loop3A_121  : i32 {
        %parallel_loop3A_210 = arith.index_cast %parallel_loop3A_209 : i32 to index
        %parallel_loop3A_211 = arith.constant 0 : index
        %parallel_loop3A_212 = tpu.vector_load %arg9[%parallel_loop3A_210, %parallel_loop3A_211] {strides = array<i32>} : memref<200x64xf32, #tpu.memory_space<vmem>>, vector<16xf32>,
        %parallel_loop3A_213 = arith.index_cast %parallel_loop3A_209 : i32 to index
        %parallel_loop3A_214 = arith.constant 16 : index
        %parallel_loop3A_215 = tpu.vector_load %arg9[%parallel_loop3A_213, %parallel_loop3A_214] {strides = array<i32>} : memref<200x64xf32, #tpu.memory_space<vmem>>, vector<16xf32>,
        %parallel_loop3A_216 = arith.index_cast %parallel_loop3A_209 : i32 to index
        %parallel_loop3A_217 = arith.constant 32 : index
        %parallel_loop3A_218 = tpu.vector_load %arg9[%parallel_loop3A_216, %parallel_loop3A_217] {strides = array<i32>} : memref<200x64xf32, #tpu.memory_space<vmem>>, vector<16xf32>,
        %parallel_loop3A_219 = arith.index_cast %parallel_loop3A_209 : i32 to index
        %parallel_loop3A_220 = arith.constant 48 : index
        %parallel_loop3A_221 = tpu.vector_load %arg9[%parallel_loop3A_219, %parallel_loop3A_220] {strides = array<i32>} : memref<200x64xf32, #tpu.memory_space<vmem>>, vector<16xf32>,
        %parallel_loop3A_222 = arith.addf %parallel_loop3A_212, %parallel_loop3A_215 : vector<16xf32>
        %parallel_loop3A_223 = arith.addf %parallel_loop3A_218, %parallel_loop3A_221 : vector<16xf32>
        %parallel_loop3A_224 = arith.addf %parallel_loop3A_222, %parallel_loop3A_223 : vector<16xf32>
        %parallel_loop3A_225 = arith.constant true
        %parallel_loop3A_226 = vector.broadcast %parallel_loop3A_225 : i1 to vector<16xi1>
        %parallel_loop3A_227 = tpu.scan <sum>, %parallel_loop3A_224 masked %parallel_loop3A_226 : vector<16xf32>, vector<16xi1> -> vector<16xf32>
        %parallel_loop3A_228 = vector.extract %parallel_loop3A_227[15] : f32 from vector<16xf32>
        %parallel_loop3A_229 = arith.constant 1.562500e-02 : f32
        %parallel_loop3A_230 = arith.mulf %parallel_loop3A_228, %parallel_loop3A_229 : f32
        %parallel_loop3A_231 = vector.broadcast %parallel_loop3A_230 : f32 to vector<16xf32>
        %parallel_loop3A_232 = arith.subf %parallel_loop3A_212, %parallel_loop3A_231 : vector<16xf32>
        %parallel_loop3A_233 = arith.subf %parallel_loop3A_215, %parallel_loop3A_231 : vector<16xf32>
        %parallel_loop3A_234 = arith.subf %parallel_loop3A_218, %parallel_loop3A_231 : vector<16xf32>
        %parallel_loop3A_235 = arith.subf %parallel_loop3A_221, %parallel_loop3A_231 : vector<16xf32>
        %parallel_loop3A_236 = arith.mulf %parallel_loop3A_232, %parallel_loop3A_232 : vector<16xf32>
        %parallel_loop3A_237 = arith.mulf %parallel_loop3A_233, %parallel_loop3A_233 : vector<16xf32>
        %parallel_loop3A_238 = arith.addf %parallel_loop3A_236, %parallel_loop3A_237 : vector<16xf32>
        %parallel_loop3A_239 = arith.mulf %parallel_loop3A_234, %parallel_loop3A_234 : vector<16xf32>
        %parallel_loop3A_240 = arith.mulf %parallel_loop3A_235, %parallel_loop3A_235 : vector<16xf32>
        %parallel_loop3A_241 = arith.addf %parallel_loop3A_239, %parallel_loop3A_240 : vector<16xf32>
        %parallel_loop3A_242 = arith.addf %parallel_loop3A_238, %parallel_loop3A_241 : vector<16xf32>
        %parallel_loop3A_243 = arith.constant true
        %parallel_loop3A_244 = vector.broadcast %parallel_loop3A_243 : i1 to vector<16xi1>
        %parallel_loop3A_245 = tpu.scan <sum>, %parallel_loop3A_242 masked %parallel_loop3A_244 : vector<16xf32>, vector<16xi1> -> vector<16xf32>
        %parallel_loop3A_246 = vector.extract %parallel_loop3A_245[15] : f32 from vector<16xf32>
        %parallel_loop3A_247 = arith.constant 1.562500e-02 : f32
        %parallel_loop3A_248 = arith.mulf %parallel_loop3A_246, %parallel_loop3A_247 : f32
        %parallel_loop3A_249 = vector.broadcast %parallel_loop3A_248 : f32 to vector<16xf32>
        %parallel_loop3A_250 = arith.constant 9.99999996E-13 : f32
        %parallel_loop3A_251 = vector.broadcast %parallel_loop3A_250 : f32 to vector<16xf32>
        %parallel_loop3A_252 = arith.addf %parallel_loop3A_249, %parallel_loop3A_251 : vector<16xf32>
        %parallel_loop3A_253 = tpu.bitcast %parallel_loop3A_252 : vector<16xf32> -> vector<16xi32>
        %parallel_loop3A_254 = arith.constant 1 : i32
        %parallel_loop3A_255 = vector.broadcast %parallel_loop3A_254 : i32 to vector<16xi32>
        %parallel_loop3A_256 = arith.shrui %parallel_loop3A_253, %parallel_loop3A_255 : vector<16xi32>
        %parallel_loop3A_257 = arith.constant 1597463007 : i32
        %parallel_loop3A_258 = vector.broadcast %parallel_loop3A_257 : i32 to vector<16xi32>
        %parallel_loop3A_259 = arith.subi %parallel_loop3A_258, %parallel_loop3A_256 : vector<16xi32>
        %parallel_loop3A_260 = tpu.bitcast %parallel_loop3A_259 : vector<16xi32> -> vector<16xf32>
        %parallel_loop3A_261 = arith.constant 5.000000e-01 : f32
        %parallel_loop3A_262 = vector.broadcast %parallel_loop3A_261 : f32 to vector<16xf32>
        %parallel_loop3A_263 = arith.mulf %parallel_loop3A_262, %parallel_loop3A_252 : vector<16xf32>
        %parallel_loop3A_264 = arith.mulf %parallel_loop3A_263, %parallel_loop3A_260 : vector<16xf32>
        %parallel_loop3A_265 = arith.mulf %parallel_loop3A_264, %parallel_loop3A_260 : vector<16xf32>
        %parallel_loop3A_266 = arith.constant 1.500000e+00 : f32
        %parallel_loop3A_267 = vector.broadcast %parallel_loop3A_266 : f32 to vector<16xf32>
        %parallel_loop3A_268 = arith.subf %parallel_loop3A_267, %parallel_loop3A_265 : vector<16xf32>
        %parallel_loop3A_269 = arith.mulf %parallel_loop3A_260, %parallel_loop3A_268 : vector<16xf32>
        %parallel_loop3A_270 = arith.constant 5.000000e-01 : f32
        %parallel_loop3A_271 = vector.broadcast %parallel_loop3A_270 : f32 to vector<16xf32>
        %parallel_loop3A_272 = arith.mulf %parallel_loop3A_271, %parallel_loop3A_252 : vector<16xf32>
        %parallel_loop3A_273 = arith.mulf %parallel_loop3A_272, %parallel_loop3A_269 : vector<16xf32>
        %parallel_loop3A_274 = arith.mulf %parallel_loop3A_273, %parallel_loop3A_269 : vector<16xf32>
        %parallel_loop3A_275 = arith.constant 1.500000e+00 : f32
        %parallel_loop3A_276 = vector.broadcast %parallel_loop3A_275 : f32 to vector<16xf32>
        %parallel_loop3A_277 = arith.subf %parallel_loop3A_276, %parallel_loop3A_274 : vector<16xf32>
        %parallel_loop3A_278 = arith.mulf %parallel_loop3A_269, %parallel_loop3A_277 : vector<16xf32>
        %parallel_loop3A_279 = arith.constant 5.000000e-01 : f32
        %parallel_loop3A_280 = vector.broadcast %parallel_loop3A_279 : f32 to vector<16xf32>
        %parallel_loop3A_281 = arith.mulf %parallel_loop3A_280, %parallel_loop3A_252 : vector<16xf32>
        %parallel_loop3A_282 = arith.mulf %parallel_loop3A_281, %parallel_loop3A_278 : vector<16xf32>
        %parallel_loop3A_283 = arith.mulf %parallel_loop3A_282, %parallel_loop3A_278 : vector<16xf32>
        %parallel_loop3A_284 = arith.constant 1.500000e+00 : f32
        %parallel_loop3A_285 = vector.broadcast %parallel_loop3A_284 : f32 to vector<16xf32>
        %parallel_loop3A_286 = arith.subf %parallel_loop3A_285, %parallel_loop3A_283 : vector<16xf32>
        %parallel_loop3A_287 = arith.mulf %parallel_loop3A_278, %parallel_loop3A_286 : vector<16xf32>
        %parallel_loop3A_288 = arith.constant 50 : i32
        %parallel_loop3A_289 = arith.divsi %parallel_loop3A_209, %parallel_loop3A_288 : i32
        %parallel_loop3A_290 = arith.constant 0 : i32
        %parallel_loop3A_291 = arith.cmpi sgt, %parallel_loop3A_209, %parallel_loop3A_290 : i32
        %parallel_loop3A_292 = arith.extui %parallel_loop3A_291 : i1 to i32
        %parallel_loop3A_293 = arith.constant 0 : i32
        %parallel_loop3A_294 = arith.cmpi slt, %parallel_loop3A_209, %parallel_loop3A_293 : i32
        %parallel_loop3A_295 = arith.extui %parallel_loop3A_294 : i1 to i32
        %parallel_loop3A_296 = arith.subi %parallel_loop3A_292, %parallel_loop3A_295 : i32
        %parallel_loop3A_297 = arith.constant 0 : i32
        %parallel_loop3A_298 = arith.cmpi sgt, %parallel_loop3A_288, %parallel_loop3A_297 : i32
        %parallel_loop3A_299 = arith.extui %parallel_loop3A_298 : i1 to i32
        %parallel_loop3A_300 = arith.constant 0 : i32
        %parallel_loop3A_301 = arith.cmpi slt, %parallel_loop3A_288, %parallel_loop3A_300 : i32
        %parallel_loop3A_302 = arith.extui %parallel_loop3A_301 : i1 to i32
        %parallel_loop3A_303 = arith.subi %parallel_loop3A_299, %parallel_loop3A_302 : i32
        %parallel_loop3A_304 = arith.cmpi ne, %parallel_loop3A_296, %parallel_loop3A_303 : i32
        %parallel_loop3A_305 = arith.remsi %parallel_loop3A_209, %parallel_loop3A_288 : i32
        %parallel_loop3A_306 = arith.constant 0 : i32
        %parallel_loop3A_307 = arith.cmpi ne, %parallel_loop3A_305, %parallel_loop3A_306 : i32
        %parallel_loop3A_308 = arith.andi %parallel_loop3A_304, %parallel_loop3A_307 : i1
        %parallel_loop3A_309 = arith.constant 1 : i32
        %parallel_loop3A_310 = arith.subi %parallel_loop3A_289, %parallel_loop3A_309 : i32
        %parallel_loop3A_311 = arith.select %parallel_loop3A_308, %parallel_loop3A_310, %parallel_loop3A_289 : i32
        %parallel_loop3A_312 = arith.constant 50 : i32
        %parallel_loop3A_313 = arith.muli %parallel_loop3A_311, %parallel_loop3A_312 : i32
        %parallel_loop3A_314 = arith.subi %parallel_loop3A_209, %parallel_loop3A_313 : i32
        %parallel_loop3A_315 = arith.mulf %parallel_loop3A_232, %parallel_loop3A_287 : vector<16xf32>
        %parallel_loop3A_316 = arith.mulf %parallel_loop3A_315, %get3A_105 : vector<16xf32>
        %parallel_loop3A_317 = arith.addf %parallel_loop3A_316, %get3A_113 : vector<16xf32>
        %parallel_loop3A_318 = arith.constant 64 : i32
        %parallel_loop3A_319 = arith.muli %parallel_loop3A_314, %parallel_loop3A_318 : i32
        %parallel_loop3A_320 = arith.constant 0 : i32
        %parallel_loop3A_321 = arith.addi %parallel_loop3A_319, %parallel_loop3A_320 : i32
        %parallel_loop3A_322 = arith.index_cast %parallel_loop3A_311 : i32 to index
        %parallel_loop3A_323 = arith.index_cast %parallel_loop3A_321 : i32 to index
        %parallel_loop3A_324 = tpu.vector_load %arg11[%parallel_loop3A_322, %parallel_loop3A_323] {strides = array<i32>} : memref<4x3200xf32, #tpu.memory_space<vmem>>, vector<16xf32>,
        tpu.vector_store %arg11[%parallel_loop3A_322, %parallel_loop3A_323], %parallel_loop3A_317 {strides = array<i32>} : memref<4x3200xf32, #tpu.memory_space<vmem>>, vector<16xf32>,
        %parallel_loop3A_325 = arith.mulf %parallel_loop3A_233, %parallel_loop3A_287 : vector<16xf32>
        %parallel_loop3A_326 = arith.mulf %parallel_loop3A_325, %get3A_107 : vector<16xf32>
        %parallel_loop3A_327 = arith.addf %parallel_loop3A_326, %get3A_115 : vector<16xf32>
        %parallel_loop3A_328 = arith.constant 64 : i32
        %parallel_loop3A_329 = arith.muli %parallel_loop3A_314, %parallel_loop3A_328 : i32
        %parallel_loop3A_330 = arith.constant 16 : i32
        %parallel_loop3A_331 = arith.addi %parallel_loop3A_329, %parallel_loop3A_330 : i32
        %parallel_loop3A_332 = arith.index_cast %parallel_loop3A_311 : i32 to index
        %parallel_loop3A_333 = arith.index_cast %parallel_loop3A_331 : i32 to index
        %parallel_loop3A_334 = tpu.vector_load %arg11[%parallel_loop3A_332, %parallel_loop3A_333] {strides = array<i32>} : memref<4x3200xf32, #tpu.memory_space<vmem>>, vector<16xf32>,
        tpu.vector_store %arg11[%parallel_loop3A_332, %parallel_loop3A_333], %parallel_loop3A_327 {strides = array<i32>} : memref<4x3200xf32, #tpu.memory_space<vmem>>, vector<16xf32>,
        %parallel_loop3A_335 = arith.mulf %parallel_loop3A_234, %parallel_loop3A_287 : vector<16xf32>
        %parallel_loop3A_336 = arith.mulf %parallel_loop3A_335, %get3A_109 : vector<16xf32>
        %parallel_loop3A_337 = arith.addf %parallel_loop3A_336, %get3A_117 : vector<16xf32>
        %parallel_loop3A_338 = arith.constant 64 : i32
        %parallel_loop3A_339 = arith.muli %parallel_loop3A_314, %parallel_loop3A_338 : i32
        %parallel_loop3A_340 = arith.constant 32 : i32
        %parallel_loop3A_341 = arith.addi %parallel_loop3A_339, %parallel_loop3A_340 : i32
        %parallel_loop3A_342 = arith.index_cast %parallel_loop3A_311 : i32 to index
        %parallel_loop3A_343 = arith.index_cast %parallel_loop3A_341 : i32 to index
        %parallel_loop3A_344 = tpu.vector_load %arg11[%parallel_loop3A_342, %parallel_loop3A_343] {strides = array<i32>} : memref<4x3200xf32, #tpu.memory_space<vmem>>, vector<16xf32>,
        tpu.vector_store %arg11[%parallel_loop3A_342, %parallel_loop3A_343], %parallel_loop3A_337 {strides = array<i32>} : memref<4x3200xf32, #tpu.memory_space<vmem>>, vector<16xf32>,
        %parallel_loop3A_345 = arith.mulf %parallel_loop3A_235, %parallel_loop3A_287 : vector<16xf32>
        %parallel_loop3A_346 = arith.mulf %parallel_loop3A_345, %get3A_111 : vector<16xf32>
        %parallel_loop3A_347 = arith.addf %parallel_loop3A_346, %get3A_119 : vector<16xf32>
        %parallel_loop3A_348 = arith.constant 64 : i32
        %parallel_loop3A_349 = arith.muli %parallel_loop3A_314, %parallel_loop3A_348 : i32
        %parallel_loop3A_350 = arith.constant 48 : i32
        %parallel_loop3A_351 = arith.addi %parallel_loop3A_349, %parallel_loop3A_350 : i32
        %parallel_loop3A_352 = arith.index_cast %parallel_loop3A_311 : i32 to index
        %parallel_loop3A_353 = arith.index_cast %parallel_loop3A_351 : i32 to index
        %parallel_loop3A_354 = tpu.vector_load %arg11[%parallel_loop3A_352, %parallel_loop3A_353] {strides = array<i32>} : memref<4x3200xf32, #tpu.memory_space<vmem>>, vector<16xf32>,
        tpu.vector_store %arg11[%parallel_loop3A_352, %parallel_loop3A_353], %parallel_loop3A_347 {strides = array<i32>} : memref<4x3200xf32, #tpu.memory_space<vmem>>, vector<16xf32>,
      } {sc.loop_unroll_factor = 8 : i64, sc.parallel_access}
      %ge3A = arith.constant 2 : i32
      %ge3A_122 = arith.cmpi sge, %add3A_80, %ge3A : i32
      %convert_element_type3A_123 = arith.extui %ge3A_122 : i1 to i32
      %cond3A_124 = arith.constant 0 : i32
      %cond3A_125 = arith.cmpi ne, %convert_element_type3A_123, %cond3A_124 : i32
      scf.if %cond3A_125 {
        %dma_wait3A_209 = arith.constant 0 : i32
        %dma_wait3A_210 = tpu.memref_slice %arg6[%mul3A_2, %dma_wait3A_209] : memref<16384x3200xf32, #tpu.memory_space<hbm>> -> memref<4x3200xf32, #tpu.memory_space<hbm>>
        %dma_wait3A_211 = arith.constant 0 : i32
        %dma_wait3A_212 = tpu.memref_slice %arg6[%mul3A_2, %dma_wait3A_211] : memref<16384x3200xf32, #tpu.memory_space<hbm>> -> memref<4x3200xf32, #tpu.memory_space<hbm>>
        tpu.wait_dma2 semaphore(%arg18 : memref<!tpu.dma_semaphore, #tpu.memory_space<semaphore_mem>>) src(%arg11 : memref<4x3200xf32, #tpu.memory_space<vmem>>) dst(%dma_wait3A_212 : memref<4x3200xf32, #tpu.memory_space<hbm>>)
      } else {
      }
      %mul3A_126 = arith.constant 4 : i32
      %mul3A_127 = arith.muli %add3A_80, %mul3A_126 : i32
      %add3A_128 = arith.addi %mul3A_2, %mul3A_127 : i32
      %dma_start3A_129 = arith.constant 0 : i32
      %dma_start3A_130 = tpu.memref_slice %arg6[%add3A_128, %dma_start3A_129] : memref<16384x3200xf32, #tpu.memory_space<hbm>> -> memref<4x3200xf32, #tpu.memory_space<hbm>>
      %dma_start3A_131 = arith.constant 0 : i32
      %dma_start3A_132 = tpu.memref_slice %arg6[%add3A_128, %dma_start3A_131] : memref<16384x3200xf32, #tpu.memory_space<hbm>> -> memref<4x3200xf32, #tpu.memory_space<hbm>>
      tpu.enqueue_dma source(%arg11 : memref<4x3200xf32, #tpu.memory_space<vmem>>) target(%dma_start3A_132 : memref<4x3200xf32, #tpu.memory_space<hbm>>) target_semaphore(%arg18 : memref<!tpu.dma_semaphore, #tpu.memory_space<semaphore_mem>>)
      %add3A_133 = arith.constant 2 : i32
      %add3A_134 = arith.addi %add3A_80, %add3A_133 : i32
      %lt3A_135 = arith.constant 128 : i32
      %lt3A_136 = arith.cmpi slt, %add3A_134, %lt3A_135 : i32
      %convert_element_type3A_137 = arith.extui %lt3A_136 : i1 to i32
      %cond3A_138 = arith.constant 0 : i32
      %cond3A_139 = arith.cmpi ne, %convert_element_type3A_137, %cond3A_138 : i32
      scf.if %cond3A_139 {
        %dma_wait3A_209 = arith.constant 0 : i32
        %dma_wait3A_210 = tpu.memref_slice %arg2[%mul3A_4, %dma_wait3A_209] : memref<8192x100xi32, #tpu.memory_space<hbm>> -> memref<2x100xi32, #tpu.memory_space<hbm>>
        %dma_wait3A_211 = arith.constant 0 : i32
        %dma_wait3A_212 = tpu.memref_slice %arg2[%mul3A_4, %dma_wait3A_211] : memref<8192x100xi32, #tpu.memory_space<hbm>> -> memref<2x100xi32, #tpu.memory_space<hbm>>
        tpu.wait_dma2 semaphore(%arg14 : memref<!tpu.dma_semaphore, #tpu.memory_space<semaphore_mem>>) src(%dma_wait3A_212 : memref<2x100xi32, #tpu.memory_space<hbm>>) dst(%arg7 : memref<2x100xi32, #tpu.memory_space<vmem>>)
        %dma_start3A_213 = arith.constant 0 : i32
        %dma_start3A_214 = arith.constant 0 : i32
        %dma_start3A_215 = arith.constant 0 : i32
        %dma_start3A_216 = tpu.memref_slice %arg9[%dma_start3A_214, %dma_start3A_215] : memref<200x64xf32, #tpu.memory_space<vmem>> -> memref<100x64xf32, #tpu.memory_space<vmem>>
        %dma_start3A_217 = arith.constant 0 : i32
        %dma_start3A_218 = tpu.memref_slice %arg7[%dma_start3A_213, %dma_start3A_217] : memref<2x100xi32, #tpu.memory_space<vmem>> -> memref<1x100xi32, #tpu.memory_space<vmem>>
        %dma_start3A_219 = tpu.memref_squeeze %dma_start3A_218 : memref<1x100xi32, #tpu.memory_space<vmem>> -> memref<100xi32, #tpu.memory_space<vmem>>
        %dma_start3A_220 = arith.constant 0 : i32
        %dma_start3A_221 = arith.constant 0 : i32
        %dma_start3A_222 = tpu.memref_slice %arg3[%dma_start3A_220, %dma_start3A_221] : memref<100000x64xf32, #tpu.memory_space<hbm>> -> memref<100000x64xf32, #tpu.memory_space<hbm>>
        tpu.enqueue_indirect_dma source(%dma_start3A_222 : memref<100000x64xf32, #tpu.memory_space<hbm>>) target(%dma_start3A_216 : memref<100x64xf32, #tpu.memory_space<vmem>>) offsets(%dma_start3A_219 : memref<100xi32, #tpu.memory_space<vmem>>) semaphore(%arg16 : memref<!tpu.dma_semaphore, #tpu.memory_space<semaphore_mem>>)
        %dma_start3A_223 = arith.constant 1 : i32
        %dma_start3A_224 = arith.constant 100 : i32
        %dma_start3A_225 = arith.constant 0 : i32
        %dma_start3A_226 = tpu.memref_slice %arg9[%dma_start3A_224, %dma_start3A_225] : memref<200x64xf32, #tpu.memory_space<vmem>> -> memref<100x64xf32, #tpu.memory_space<vmem>>
        %dma_start3A_227 = arith.constant 0 : i32
        %dma_start3A_228 = tpu.memref_slice %arg7[%dma_start3A_223, %dma_start3A_227] : memref<2x100xi32, #tpu.memory_space<vmem>> -> memref<1x100xi32, #tpu.memory_space<vmem>>
        %dma_start3A_229 = tpu.memref_squeeze %dma_start3A_228 : memref<1x100xi32, #tpu.memory_space<vmem>> -> memref<100xi32, #tpu.memory_space<vmem>>
        %dma_start3A_230 = arith.constant 0 : i32
        %dma_start3A_231 = arith.constant 0 : i32
        %dma_start3A_232 = tpu.memref_slice %arg3[%dma_start3A_230, %dma_start3A_231] : memref<100000x64xf32, #tpu.memory_space<hbm>> -> memref<100000x64xf32, #tpu.memory_space<hbm>>
        tpu.enqueue_indirect_dma source(%dma_start3A_232 : memref<100000x64xf32, #tpu.memory_space<hbm>>) target(%dma_start3A_226 : memref<100x64xf32, #tpu.memory_space<vmem>>) offsets(%dma_start3A_229 : memref<100xi32, #tpu.memory_space<vmem>>) semaphore(%arg16 : memref<!tpu.dma_semaphore, #tpu.memory_space<semaphore_mem>>)
      } else {
      }
      %mul3A_140 = arith.constant 2 : i32
      %mul3A_141 = arith.muli %scan3A_76, %mul3A_140 : i32
      %add3A_142 = arith.constant 1 : i32
      %add3A_143 = arith.addi %mul3A_141, %add3A_142 : i32
      %dma_wait3A_144 = arith.constant 0 : i32
      %dma_wait3A_145 = arith.constant 0 : i32
      %dma_wait3A_146 = arith.constant 0 : i32
      %dma_wait3A_147 = tpu.memref_slice %arg10[%dma_wait3A_145, %dma_wait3A_146] : memref<200x64xf32, #tpu.memory_space<vmem>> -> memref<100x64xf32, #tpu.memory_space<vmem>>
      %dma_wait3A_148 = arith.constant 0 : i32
      %dma_wait3A_149 = tpu.memref_slice %arg8[%dma_wait3A_144, %dma_wait3A_148] : memref<2x100xi32, #tpu.memory_space<vmem>> -> memref<1x100xi32, #tpu.memory_space<vmem>>
      %dma_wait3A_150 = tpu.memref_squeeze %dma_wait3A_149 : memref<1x100xi32, #tpu.memory_space<vmem>> -> memref<100xi32, #tpu.memory_space<vmem>>
      %dma_wait3A_151 = arith.constant 0 : i32
      %dma_wait3A_152 = arith.constant 0 : i32
      %dma_wait3A_153 = tpu.memref_slice %arg3[%dma_wait3A_151, %dma_wait3A_152] : memref<100000x64xf32, #tpu.memory_space<hbm>> -> memref<100000x64xf32, #tpu.memory_space<hbm>>
      tpu.wait_indirect_dma semaphore(%arg17 : memref<!tpu.dma_semaphore, #tpu.memory_space<semaphore_mem>>) src(%dma_wait3A_153 : memref<100000x64xf32, #tpu.memory_space<hbm>>) dst(%dma_wait3A_147 : memref<100x64xf32, #tpu.memory_space<vmem>>)
      %dma_wait3A_154 = arith.constant 1 : i32
      %dma_wait3A_155 = arith.constant 100 : i32
      %dma_wait3A_156 = arith.constant 0 : i32
      %dma_wait3A_157 = tpu.memref_slice %arg10[%dma_wait3A_155, %dma_wait3A_156] : memref<200x64xf32, #tpu.memory_space<vmem>> -> memref<100x64xf32, #tpu.memory_space<vmem>>
      %dma_wait3A_158 = arith.constant 0 : i32
      %dma_wait3A_159 = tpu.memref_slice %arg8[%dma_wait3A_154, %dma_wait3A_158] : memref<2x100xi32, #tpu.memory_space<vmem>> -> memref<1x100xi32, #tpu.memory_space<vmem>>
      %dma_wait3A_160 = tpu.memref_squeeze %dma_wait3A_159 : memref<1x100xi32, #tpu.memory_space<vmem>> -> memref<100xi32, #tpu.memory_space<vmem>>
      %dma_wait3A_161 = arith.constant 0 : i32
      %dma_wait3A_162 = arith.constant 0 : i32
      %dma_wait3A_163 = tpu.memref_slice %arg3[%dma_wait3A_161, %dma_wait3A_162] : memref<100000x64xf32, #tpu.memory_space<hbm>> -> memref<100000x64xf32, #tpu.memory_space<hbm>>
      tpu.wait_indirect_dma semaphore(%arg17 : memref<!tpu.dma_semaphore, #tpu.memory_space<semaphore_mem>>) src(%dma_wait3A_163 : memref<100000x64xf32, #tpu.memory_space<hbm>>) dst(%dma_wait3A_157 : memref<100x64xf32, #tpu.memory_space<vmem>>)
      %add3A_164 = arith.constant 2 : i32
      %add3A_165 = arith.addi %add3A_143, %add3A_164 : i32
      %lt3A_166 = arith.constant 128 : i32
      %lt3A_167 = arith.cmpi slt, %add3A_165, %lt3A_166 : i32
      %convert_element_type3A_168 = arith.extui %lt3A_167 : i1 to i32
      %cond3A_169 = arith.constant 0 : i32
      %cond3A_170 = arith.cmpi ne, %convert_element_type3A_168, %cond3A_169 : i32
      scf.if %cond3A_170 {
        %add3A_209 = arith.constant 2 : i32
        %add3A_210 = arith.addi %add3A_143, %add3A_209 : i32
        %mul3A_211 = arith.constant 2 : i32
        %mul3A_212 = arith.muli %add3A_210, %mul3A_211 : i32
        %add3A_213 = arith.addi %mul3A_4, %mul3A_212 : i32
        %dma_start3A_214 = arith.constant 0 : i32
        %dma_start3A_215 = tpu.memref_slice %arg2[%add3A_213, %dma_start3A_214] : memref<8192x100xi32, #tpu.memory_space<hbm>> -> memref<2x100xi32, #tpu.memory_space<hbm>>
        %dma_start3A_216 = arith.constant 0 : i32
        %dma_start3A_217 = tpu.memref_slice %arg2[%add3A_213, %dma_start3A_216] : memref<8192x100xi32, #tpu.memory_space<hbm>> -> memref<2x100xi32, #tpu.memory_space<hbm>>
        tpu.enqueue_dma source(%dma_start3A_217 : memref<2x100xi32, #tpu.memory_space<hbm>>) target(%arg8 : memref<2x100xi32, #tpu.memory_space<vmem>>) target_semaphore(%arg15 : memref<!tpu.dma_semaphore, #tpu.memory_space<semaphore_mem>>)
      } else {
      }
      %get3A_171 = arith.constant 0 : index
      %get3A_172 = tpu.vector_load %arg13[%get3A_171] {strides = array<i32>} : memref<128xf32, #tpu.memory_space<vmem>>, vector<16xf32>,
      %get3A_173 = arith.constant 16 : index
      %get3A_174 = tpu.vector_load %arg13[%get3A_173] {strides = array<i32>} : memref<128xf32, #tpu.memory_space<vmem>>, vector<16xf32>,
      %get3A_175 = arith.constant 32 : index
      %get3A_176 = tpu.vector_load %arg13[%get3A_175] {strides = array<i32>} : memref<128xf32, #tpu.memory_space<vmem>>, vector<16xf32>,
      %get3A_177 = arith.constant 48 : index
      %get3A_178 = tpu.vector_load %arg13[%get3A_177] {strides = array<i32>} : memref<128xf32, #tpu.memory_space<vmem>>, vector<16xf32>,
      %get3A_179 = arith.constant 64 : index
      %get3A_180 = tpu.vector_load %arg13[%get3A_179] {strides = array<i32>} : memref<128xf32, #tpu.memory_space<vmem>>, vector<16xf32>,
      %get3A_181 = arith.constant 80 : index
      %get3A_182 = tpu.vector_load %arg13[%get3A_181] {strides = array<i32>} : memref<128xf32, #tpu.memory_space<vmem>>, vector<16xf32>,
      %get3A_183 = arith.constant 96 : index
      %get3A_184 = tpu.vector_load %arg13[%get3A_183] {strides = array<i32>} : memref<128xf32, #tpu.memory_space<vmem>>, vector<16xf32>,
      %get3A_185 = arith.constant 112 : index
      %get3A_186 = tpu.vector_load %arg13[%get3A_185] {strides = array<i32>} : memref<128xf32, #tpu.memory_space<vmem>>, vector<16xf32>,
      %parallel_loop3A_187 = arith.constant 0 : i32
      %parallel_loop3A_188 = arith.constant 200 : i32
      %parallel_loop3A_189 = arith.constant 1 : i32
      scf.for %parallel_loop3A_209 = %parallel_loop3A_187 to %parallel_loop3A_188 step %parallel_loop3A_189  : i32 {
        %parallel_loop3A_210 = arith.index_cast %parallel_loop3A_209 : i32 to index
        %parallel_loop3A_211 = arith.constant 0 : index
        %parallel_loop3A_212 = tpu.vector_load %arg10[%parallel_loop3A_210, %parallel_loop3A_211] {strides = array<i32>} : memref<200x64xf32, #tpu.memory_space<vmem>>, vector<16xf32>,
        %parallel_loop3A_213 = arith.index_cast %parallel_loop3A_209 : i32 to index
        %parallel_loop3A_214 = arith.constant 16 : index
        %parallel_loop3A_215 = tpu.vector_load %arg10[%parallel_loop3A_213, %parallel_loop3A_214] {strides = array<i32>} : memref<200x64xf32, #tpu.memory_space<vmem>>, vector<16xf32>,
        %parallel_loop3A_216 = arith.index_cast %parallel_loop3A_209 : i32 to index
        %parallel_loop3A_217 = arith.constant 32 : index
        %parallel_loop3A_218 = tpu.vector_load %arg10[%parallel_loop3A_216, %parallel_loop3A_217] {strides = array<i32>} : memref<200x64xf32, #tpu.memory_space<vmem>>, vector<16xf32>,
        %parallel_loop3A_219 = arith.index_cast %parallel_loop3A_209 : i32 to index
        %parallel_loop3A_220 = arith.constant 48 : index
        %parallel_loop3A_221 = tpu.vector_load %arg10[%parallel_loop3A_219, %parallel_loop3A_220] {strides = array<i32>} : memref<200x64xf32, #tpu.memory_space<vmem>>, vector<16xf32>,
        %parallel_loop3A_222 = arith.addf %parallel_loop3A_212, %parallel_loop3A_215 : vector<16xf32>
        %parallel_loop3A_223 = arith.addf %parallel_loop3A_218, %parallel_loop3A_221 : vector<16xf32>
        %parallel_loop3A_224 = arith.addf %parallel_loop3A_222, %parallel_loop3A_223 : vector<16xf32>
        %parallel_loop3A_225 = arith.constant true
        %parallel_loop3A_226 = vector.broadcast %parallel_loop3A_225 : i1 to vector<16xi1>
        %parallel_loop3A_227 = tpu.scan <sum>, %parallel_loop3A_224 masked %parallel_loop3A_226 : vector<16xf32>, vector<16xi1> -> vector<16xf32>
        %parallel_loop3A_228 = vector.extract %parallel_loop3A_227[15] : f32 from vector<16xf32>
        %parallel_loop3A_229 = arith.constant 1.562500e-02 : f32
        %parallel_loop3A_230 = arith.mulf %parallel_loop3A_228, %parallel_loop3A_229 : f32
        %parallel_loop3A_231 = vector.broadcast %parallel_loop3A_230 : f32 to vector<16xf32>
        %parallel_loop3A_232 = arith.subf %parallel_loop3A_212, %parallel_loop3A_231 : vector<16xf32>
        %parallel_loop3A_233 = arith.subf %parallel_loop3A_215, %parallel_loop3A_231 : vector<16xf32>
        %parallel_loop3A_234 = arith.subf %parallel_loop3A_218, %parallel_loop3A_231 : vector<16xf32>
        %parallel_loop3A_235 = arith.subf %parallel_loop3A_221, %parallel_loop3A_231 : vector<16xf32>
        %parallel_loop3A_236 = arith.mulf %parallel_loop3A_232, %parallel_loop3A_232 : vector<16xf32>
        %parallel_loop3A_237 = arith.mulf %parallel_loop3A_233, %parallel_loop3A_233 : vector<16xf32>
        %parallel_loop3A_238 = arith.addf %parallel_loop3A_236, %parallel_loop3A_237 : vector<16xf32>
        %parallel_loop3A_239 = arith.mulf %parallel_loop3A_234, %parallel_loop3A_234 : vector<16xf32>
        %parallel_loop3A_240 = arith.mulf %parallel_loop3A_235, %parallel_loop3A_235 : vector<16xf32>
        %parallel_loop3A_241 = arith.addf %parallel_loop3A_239, %parallel_loop3A_240 : vector<16xf32>
        %parallel_loop3A_242 = arith.addf %parallel_loop3A_238, %parallel_loop3A_241 : vector<16xf32>
        %parallel_loop3A_243 = arith.constant true
        %parallel_loop3A_244 = vector.broadcast %parallel_loop3A_243 : i1 to vector<16xi1>
        %parallel_loop3A_245 = tpu.scan <sum>, %parallel_loop3A_242 masked %parallel_loop3A_244 : vector<16xf32>, vector<16xi1> -> vector<16xf32>
        %parallel_loop3A_246 = vector.extract %parallel_loop3A_245[15] : f32 from vector<16xf32>
        %parallel_loop3A_247 = arith.constant 1.562500e-02 : f32
        %parallel_loop3A_248 = arith.mulf %parallel_loop3A_246, %parallel_loop3A_247 : f32
        %parallel_loop3A_249 = vector.broadcast %parallel_loop3A_248 : f32 to vector<16xf32>
        %parallel_loop3A_250 = arith.constant 9.99999996E-13 : f32
        %parallel_loop3A_251 = vector.broadcast %parallel_loop3A_250 : f32 to vector<16xf32>
        %parallel_loop3A_252 = arith.addf %parallel_loop3A_249, %parallel_loop3A_251 : vector<16xf32>
        %parallel_loop3A_253 = tpu.bitcast %parallel_loop3A_252 : vector<16xf32> -> vector<16xi32>
        %parallel_loop3A_254 = arith.constant 1 : i32
        %parallel_loop3A_255 = vector.broadcast %parallel_loop3A_254 : i32 to vector<16xi32>
        %parallel_loop3A_256 = arith.shrui %parallel_loop3A_253, %parallel_loop3A_255 : vector<16xi32>
        %parallel_loop3A_257 = arith.constant 1597463007 : i32
        %parallel_loop3A_258 = vector.broadcast %parallel_loop3A_257 : i32 to vector<16xi32>
        %parallel_loop3A_259 = arith.subi %parallel_loop3A_258, %parallel_loop3A_256 : vector<16xi32>
        %parallel_loop3A_260 = tpu.bitcast %parallel_loop3A_259 : vector<16xi32> -> vector<16xf32>
        %parallel_loop3A_261 = arith.constant 5.000000e-01 : f32
        %parallel_loop3A_262 = vector.broadcast %parallel_loop3A_261 : f32 to vector<16xf32>
        %parallel_loop3A_263 = arith.mulf %parallel_loop3A_262, %parallel_loop3A_252 : vector<16xf32>
        %parallel_loop3A_264 = arith.mulf %parallel_loop3A_263, %parallel_loop3A_260 : vector<16xf32>
        %parallel_loop3A_265 = arith.mulf %parallel_loop3A_264, %parallel_loop3A_260 : vector<16xf32>
        %parallel_loop3A_266 = arith.constant 1.500000e+00 : f32
        %parallel_loop3A_267 = vector.broadcast %parallel_loop3A_266 : f32 to vector<16xf32>
        %parallel_loop3A_268 = arith.subf %parallel_loop3A_267, %parallel_loop3A_265 : vector<16xf32>
        %parallel_loop3A_269 = arith.mulf %parallel_loop3A_260, %parallel_loop3A_268 : vector<16xf32>
        %parallel_loop3A_270 = arith.constant 5.000000e-01 : f32
        %parallel_loop3A_271 = vector.broadcast %parallel_loop3A_270 : f32 to vector<16xf32>
        %parallel_loop3A_272 = arith.mulf %parallel_loop3A_271, %parallel_loop3A_252 : vector<16xf32>
        %parallel_loop3A_273 = arith.mulf %parallel_loop3A_272, %parallel_loop3A_269 : vector<16xf32>
        %parallel_loop3A_274 = arith.mulf %parallel_loop3A_273, %parallel_loop3A_269 : vector<16xf32>
        %parallel_loop3A_275 = arith.constant 1.500000e+00 : f32
        %parallel_loop3A_276 = vector.broadcast %parallel_loop3A_275 : f32 to vector<16xf32>
        %parallel_loop3A_277 = arith.subf %parallel_loop3A_276, %parallel_loop3A_274 : vector<16xf32>
        %parallel_loop3A_278 = arith.mulf %parallel_loop3A_269, %parallel_loop3A_277 : vector<16xf32>
        %parallel_loop3A_279 = arith.constant 5.000000e-01 : f32
        %parallel_loop3A_280 = vector.broadcast %parallel_loop3A_279 : f32 to vector<16xf32>
        %parallel_loop3A_281 = arith.mulf %parallel_loop3A_280, %parallel_loop3A_252 : vector<16xf32>
        %parallel_loop3A_282 = arith.mulf %parallel_loop3A_281, %parallel_loop3A_278 : vector<16xf32>
        %parallel_loop3A_283 = arith.mulf %parallel_loop3A_282, %parallel_loop3A_278 : vector<16xf32>
        %parallel_loop3A_284 = arith.constant 1.500000e+00 : f32
        %parallel_loop3A_285 = vector.broadcast %parallel_loop3A_284 : f32 to vector<16xf32>
        %parallel_loop3A_286 = arith.subf %parallel_loop3A_285, %parallel_loop3A_283 : vector<16xf32>
        %parallel_loop3A_287 = arith.mulf %parallel_loop3A_278, %parallel_loop3A_286 : vector<16xf32>
        %parallel_loop3A_288 = arith.constant 50 : i32
        %parallel_loop3A_289 = arith.divsi %parallel_loop3A_209, %parallel_loop3A_288 : i32
        %parallel_loop3A_290 = arith.constant 0 : i32
        %parallel_loop3A_291 = arith.cmpi sgt, %parallel_loop3A_209, %parallel_loop3A_290 : i32
        %parallel_loop3A_292 = arith.extui %parallel_loop3A_291 : i1 to i32
        %parallel_loop3A_293 = arith.constant 0 : i32
        %parallel_loop3A_294 = arith.cmpi slt, %parallel_loop3A_209, %parallel_loop3A_293 : i32
        %parallel_loop3A_295 = arith.extui %parallel_loop3A_294 : i1 to i32
        %parallel_loop3A_296 = arith.subi %parallel_loop3A_292, %parallel_loop3A_295 : i32
        %parallel_loop3A_297 = arith.constant 0 : i32
        %parallel_loop3A_298 = arith.cmpi sgt, %parallel_loop3A_288, %parallel_loop3A_297 : i32
        %parallel_loop3A_299 = arith.extui %parallel_loop3A_298 : i1 to i32
        %parallel_loop3A_300 = arith.constant 0 : i32
        %parallel_loop3A_301 = arith.cmpi slt, %parallel_loop3A_288, %parallel_loop3A_300 : i32
        %parallel_loop3A_302 = arith.extui %parallel_loop3A_301 : i1 to i32
        %parallel_loop3A_303 = arith.subi %parallel_loop3A_299, %parallel_loop3A_302 : i32
        %parallel_loop3A_304 = arith.cmpi ne, %parallel_loop3A_296, %parallel_loop3A_303 : i32
        %parallel_loop3A_305 = arith.remsi %parallel_loop3A_209, %parallel_loop3A_288 : i32
        %parallel_loop3A_306 = arith.constant 0 : i32
        %parallel_loop3A_307 = arith.cmpi ne, %parallel_loop3A_305, %parallel_loop3A_306 : i32
        %parallel_loop3A_308 = arith.andi %parallel_loop3A_304, %parallel_loop3A_307 : i1
        %parallel_loop3A_309 = arith.constant 1 : i32
        %parallel_loop3A_310 = arith.subi %parallel_loop3A_289, %parallel_loop3A_309 : i32
        %parallel_loop3A_311 = arith.select %parallel_loop3A_308, %parallel_loop3A_310, %parallel_loop3A_289 : i32
        %parallel_loop3A_312 = arith.constant 50 : i32
        %parallel_loop3A_313 = arith.muli %parallel_loop3A_311, %parallel_loop3A_312 : i32
        %parallel_loop3A_314 = arith.subi %parallel_loop3A_209, %parallel_loop3A_313 : i32
        %parallel_loop3A_315 = arith.mulf %parallel_loop3A_232, %parallel_loop3A_287 : vector<16xf32>
        %parallel_loop3A_316 = arith.mulf %parallel_loop3A_315, %get3A_172 : vector<16xf32>
        %parallel_loop3A_317 = arith.addf %parallel_loop3A_316, %get3A_180 : vector<16xf32>
        %parallel_loop3A_318 = arith.constant 64 : i32
        %parallel_loop3A_319 = arith.muli %parallel_loop3A_314, %parallel_loop3A_318 : i32
        %parallel_loop3A_320 = arith.constant 0 : i32
        %parallel_loop3A_321 = arith.addi %parallel_loop3A_319, %parallel_loop3A_320 : i32
        %parallel_loop3A_322 = arith.index_cast %parallel_loop3A_311 : i32 to index
        %parallel_loop3A_323 = arith.index_cast %parallel_loop3A_321 : i32 to index
        %parallel_loop3A_324 = tpu.vector_load %arg12[%parallel_loop3A_322, %parallel_loop3A_323] {strides = array<i32>} : memref<4x3200xf32, #tpu.memory_space<vmem>>, vector<16xf32>,
        tpu.vector_store %arg12[%parallel_loop3A_322, %parallel_loop3A_323], %parallel_loop3A_317 {strides = array<i32>} : memref<4x3200xf32, #tpu.memory_space<vmem>>, vector<16xf32>,
        %parallel_loop3A_325 = arith.mulf %parallel_loop3A_233, %parallel_loop3A_287 : vector<16xf32>
        %parallel_loop3A_326 = arith.mulf %parallel_loop3A_325, %get3A_174 : vector<16xf32>
        %parallel_loop3A_327 = arith.addf %parallel_loop3A_326, %get3A_182 : vector<16xf32>
        %parallel_loop3A_328 = arith.constant 64 : i32
        %parallel_loop3A_329 = arith.muli %parallel_loop3A_314, %parallel_loop3A_328 : i32
        %parallel_loop3A_330 = arith.constant 16 : i32
        %parallel_loop3A_331 = arith.addi %parallel_loop3A_329, %parallel_loop3A_330 : i32
        %parallel_loop3A_332 = arith.index_cast %parallel_loop3A_311 : i32 to index
        %parallel_loop3A_333 = arith.index_cast %parallel_loop3A_331 : i32 to index
        %parallel_loop3A_334 = tpu.vector_load %arg12[%parallel_loop3A_332, %parallel_loop3A_333] {strides = array<i32>} : memref<4x3200xf32, #tpu.memory_space<vmem>>, vector<16xf32>,
        tpu.vector_store %arg12[%parallel_loop3A_332, %parallel_loop3A_333], %parallel_loop3A_327 {strides = array<i32>} : memref<4x3200xf32, #tpu.memory_space<vmem>>, vector<16xf32>,
        %parallel_loop3A_335 = arith.mulf %parallel_loop3A_234, %parallel_loop3A_287 : vector<16xf32>
        %parallel_loop3A_336 = arith.mulf %parallel_loop3A_335, %get3A_176 : vector<16xf32>
        %parallel_loop3A_337 = arith.addf %parallel_loop3A_336, %get3A_184 : vector<16xf32>
        %parallel_loop3A_338 = arith.constant 64 : i32
        %parallel_loop3A_339 = arith.muli %parallel_loop3A_314, %parallel_loop3A_338 : i32
        %parallel_loop3A_340 = arith.constant 32 : i32
        %parallel_loop3A_341 = arith.addi %parallel_loop3A_339, %parallel_loop3A_340 : i32
        %parallel_loop3A_342 = arith.index_cast %parallel_loop3A_311 : i32 to index
        %parallel_loop3A_343 = arith.index_cast %parallel_loop3A_341 : i32 to index
        %parallel_loop3A_344 = tpu.vector_load %arg12[%parallel_loop3A_342, %parallel_loop3A_343] {strides = array<i32>} : memref<4x3200xf32, #tpu.memory_space<vmem>>, vector<16xf32>,
        tpu.vector_store %arg12[%parallel_loop3A_342, %parallel_loop3A_343], %parallel_loop3A_337 {strides = array<i32>} : memref<4x3200xf32, #tpu.memory_space<vmem>>, vector<16xf32>,
        %parallel_loop3A_345 = arith.mulf %parallel_loop3A_235, %parallel_loop3A_287 : vector<16xf32>
        %parallel_loop3A_346 = arith.mulf %parallel_loop3A_345, %get3A_178 : vector<16xf32>
        %parallel_loop3A_347 = arith.addf %parallel_loop3A_346, %get3A_186 : vector<16xf32>
        %parallel_loop3A_348 = arith.constant 64 : i32
        %parallel_loop3A_349 = arith.muli %parallel_loop3A_314, %parallel_loop3A_348 : i32
        %parallel_loop3A_350 = arith.constant 48 : i32
        %parallel_loop3A_351 = arith.addi %parallel_loop3A_349, %parallel_loop3A_350 : i32
        %parallel_loop3A_352 = arith.index_cast %parallel_loop3A_311 : i32 to index
        %parallel_loop3A_353 = arith.index_cast %parallel_loop3A_351 : i32 to index
        %parallel_loop3A_354 = tpu.vector_load %arg12[%parallel_loop3A_352, %parallel_loop3A_353] {strides = array<i32>} : memref<4x3200xf32, #tpu.memory_space<vmem>>, vector<16xf32>,
        tpu.vector_store %arg12[%parallel_loop3A_352, %parallel_loop3A_353], %parallel_loop3A_347 {strides = array<i32>} : memref<4x3200xf32, #tpu.memory_space<vmem>>, vector<16xf32>,
      } {sc.loop_unroll_factor = 8 : i64, sc.parallel_access}
      %ge3A_190 = arith.constant 2 : i32
      %ge3A_191 = arith.cmpi sge, %add3A_143, %ge3A_190 : i32
      %convert_element_type3A_192 = arith.extui %ge3A_191 : i1 to i32
      %cond3A_193 = arith.constant 0 : i32
      %cond3A_194 = arith.cmpi ne, %convert_element_type3A_192, %cond3A_193 : i32
      scf.if %cond3A_194 {
        %dma_wait3A_209 = arith.constant 0 : i32
        %dma_wait3A_210 = tpu.memref_slice %arg6[%mul3A_2, %dma_wait3A_209] : memref<16384x3200xf32, #tpu.memory_space<hbm>> -> memref<4x3200xf32, #tpu.memory_space<hbm>>
        %dma_wait3A_211 = arith.constant 0 : i32
        %dma_wait3A_212 = tpu.memref_slice %arg6[%mul3A_2, %dma_wait3A_211] : memref<16384x3200xf32, #tpu.memory_space<hbm>> -> memref<4x3200xf32, #tpu.memory_space<hbm>>
        tpu.wait_dma2 semaphore(%arg19 : memref<!tpu.dma_semaphore, #tpu.memory_space<semaphore_mem>>) src(%arg12 : memref<4x3200xf32, #tpu.memory_space<vmem>>) dst(%dma_wait3A_212 : memref<4x3200xf32, #tpu.memory_space<hbm>>)
      } else {
      }
      %mul3A_195 = arith.constant 4 : i32
      %mul3A_196 = arith.muli %add3A_143, %mul3A_195 : i32
      %add3A_197 = arith.addi %mul3A_2, %mul3A_196 : i32
      %dma_start3A_198 = arith.constant 0 : i32
      %dma_start3A_199 = tpu.memref_slice %arg6[%add3A_197, %dma_start3A_198] : memref<16384x3200xf32, #tpu.memory_space<hbm>> -> memref<4x3200xf32, #tpu.memory_space<hbm>>
      %dma_start3A_200 = arith.constant 0 : i32
      %dma_start3A_201 = tpu.memref_slice %arg6[%add3A_197, %dma_start3A_200] : memref<16384x3200xf32, #tpu.memory_space<hbm>> -> memref<4x3200xf32, #tpu.memory_space<hbm>>
      tpu.enqueue_dma source(%arg12 : memref<4x3200xf32, #tpu.memory_space<vmem>>) target(%dma_start3A_201 : memref<4x3200xf32, #tpu.memory_space<hbm>>) target_semaphore(%arg19 : memref<!tpu.dma_semaphore, #tpu.memory_space<semaphore_mem>>)
      %add3A_202 = arith.constant 2 : i32
      %add3A_203 = arith.addi %add3A_143, %add3A_202 : i32
      %lt3A_204 = arith.constant 128 : i32
      %lt3A_205 = arith.cmpi slt, %add3A_203, %lt3A_204 : i32
      %convert_element_type3A_206 = arith.extui %lt3A_205 : i1 to i32
      %cond3A_207 = arith.constant 0 : i32
      %cond3A_208 = arith.cmpi ne, %convert_element_type3A_206, %cond3A_207 : i32
      scf.if %cond3A_208 {
        %dma_wait3A_209 = arith.constant 0 : i32
        %dma_wait3A_210 = tpu.memref_slice %arg2[%mul3A_4, %dma_wait3A_209] : memref<8192x100xi32, #tpu.memory_space<hbm>> -> memref<2x100xi32, #tpu.memory_space<hbm>>
        %dma_wait3A_211 = arith.constant 0 : i32
        %dma_wait3A_212 = tpu.memref_slice %arg2[%mul3A_4, %dma_wait3A_211] : memref<8192x100xi32, #tpu.memory_space<hbm>> -> memref<2x100xi32, #tpu.memory_space<hbm>>
        tpu.wait_dma2 semaphore(%arg15 : memref<!tpu.dma_semaphore, #tpu.memory_space<semaphore_mem>>) src(%dma_wait3A_212 : memref<2x100xi32, #tpu.memory_space<hbm>>) dst(%arg8 : memref<2x100xi32, #tpu.memory_space<vmem>>)
        %dma_start3A_213 = arith.constant 0 : i32
        %dma_start3A_214 = arith.constant 0 : i32
        %dma_start3A_215 = arith.constant 0 : i32
        %dma_start3A_216 = tpu.memref_slice %arg10[%dma_start3A_214, %dma_start3A_215] : memref<200x64xf32, #tpu.memory_space<vmem>> -> memref<100x64xf32, #tpu.memory_space<vmem>>
        %dma_start3A_217 = arith.constant 0 : i32
        %dma_start3A_218 = tpu.memref_slice %arg8[%dma_start3A_213, %dma_start3A_217] : memref<2x100xi32, #tpu.memory_space<vmem>> -> memref<1x100xi32, #tpu.memory_space<vmem>>
        %dma_start3A_219 = tpu.memref_squeeze %dma_start3A_218 : memref<1x100xi32, #tpu.memory_space<vmem>> -> memref<100xi32, #tpu.memory_space<vmem>>
        %dma_start3A_220 = arith.constant 0 : i32
        %dma_start3A_221 = arith.constant 0 : i32
        %dma_start3A_222 = tpu.memref_slice %arg3[%dma_start3A_220, %dma_start3A_221] : memref<100000x64xf32, #tpu.memory_space<hbm>> -> memref<100000x64xf32, #tpu.memory_space<hbm>>
        tpu.enqueue_indirect_dma source(%dma_start3A_222 : memref<100000x64xf32, #tpu.memory_space<hbm>>) target(%dma_start3A_216 : memref<100x64xf32, #tpu.memory_space<vmem>>) offsets(%dma_start3A_219 : memref<100xi32, #tpu.memory_space<vmem>>) semaphore(%arg17 : memref<!tpu.dma_semaphore, #tpu.memory_space<semaphore_mem>>)
        %dma_start3A_223 = arith.constant 1 : i32
        %dma_start3A_224 = arith.constant 100 : i32
        %dma_start3A_225 = arith.constant 0 : i32
        %dma_start3A_226 = tpu.memref_slice %arg10[%dma_start3A_224, %dma_start3A_225] : memref<200x64xf32, #tpu.memory_space<vmem>> -> memref<100x64xf32, #tpu.memory_space<vmem>>
        %dma_start3A_227 = arith.constant 0 : i32
        %dma_start3A_228 = tpu.memref_slice %arg8[%dma_start3A_223, %dma_start3A_227] : memref<2x100xi32, #tpu.memory_space<vmem>> -> memref<1x100xi32, #tpu.memory_space<vmem>>
        %dma_start3A_229 = tpu.memref_squeeze %dma_start3A_228 : memref<1x100xi32, #tpu.memory_space<vmem>> -> memref<100xi32, #tpu.memory_space<vmem>>
        %dma_start3A_230 = arith.constant 0 : i32
        %dma_start3A_231 = arith.constant 0 : i32
        %dma_start3A_232 = tpu.memref_slice %arg3[%dma_start3A_230, %dma_start3A_231] : memref<100000x64xf32, #tpu.memory_space<hbm>> -> memref<100000x64xf32, #tpu.memory_space<hbm>>
        tpu.enqueue_indirect_dma source(%dma_start3A_232 : memref<100000x64xf32, #tpu.memory_space<hbm>>) target(%dma_start3A_226 : memref<100x64xf32, #tpu.memory_space<vmem>>) offsets(%dma_start3A_229 : memref<100xi32, #tpu.memory_space<vmem>>) semaphore(%arg17 : memref<!tpu.dma_semaphore, #tpu.memory_space<semaphore_mem>>)
      } else {
      }
    }
    %scan3A_67 = arith.constant 64 : i32
    %dma_wait3A_68 = arith.constant 0 : i32
    %dma_wait3A_69 = tpu.memref_slice %arg6[%mul3A_2, %dma_wait3A_68] : memref<16384x3200xf32, #tpu.memory_space<hbm>> -> memref<4x3200xf32, #tpu.memory_space<hbm>>
    %dma_wait3A_70 = arith.constant 0 : i32
    %dma_wait3A_71 = tpu.memref_slice %arg6[%mul3A_2, %dma_wait3A_70] : memref<16384x3200xf32, #tpu.memory_space<hbm>> -> memref<4x3200xf32, #tpu.memory_space<hbm>>
    tpu.wait_dma2 semaphore(%arg18 : memref<!tpu.dma_semaphore, #tpu.memory_space<semaphore_mem>>) src(%arg11 : memref<4x3200xf32, #tpu.memory_space<vmem>>) dst(%dma_wait3A_71 : memref<4x3200xf32, #tpu.memory_space<hbm>>)
    %dma_wait3A_72 = arith.constant 0 : i32
    %dma_wait3A_73 = tpu.memref_slice %arg6[%mul3A_2, %dma_wait3A_72] : memref<16384x3200xf32, #tpu.memory_space<hbm>> -> memref<4x3200xf32, #tpu.memory_space<hbm>>
    %dma_wait3A_74 = arith.constant 0 : i32
    %dma_wait3A_75 = tpu.memref_slice %arg6[%mul3A_2, %dma_wait3A_74] : memref<16384x3200xf32, #tpu.memory_space<hbm>> -> memref<4x3200xf32, #tpu.memory_space<hbm>>
    tpu.wait_dma2 semaphore(%arg19 : memref<!tpu.dma_semaphore, #tpu.memory_space<semaphore_mem>>) src(%arg12 : memref<4x3200xf32, #tpu.memory_space<vmem>>) dst(%dma_wait3A_75 : memref<4x3200xf32, #tpu.memory_space<hbm>>)
    return
  }
}

</mosaic_0001>

<sc_bundles>
// kernel: kernel.3.cloned.1.call-start
scs
__scs_entry_jumppad:
0x0: {  	(pc) =	sbr.rel $0x88, $3  }
0x1: {  	(tag) =	ssettag $0x0;
	lr =	simm.s32 $0x1  }
0x2: {  	[smem:$0x3F9D] =	sst lr;
	_ =	strace $0xD0000000  }
0x3: {  	_ = 	snop  }
0x4: {  	_ = 	snop  }
0x5: {  	_ = 	snop  }
0x6: {  	_ = 	snop  }
0x7: {  	_ = 	snop  }
__scs_overlays_trampoline_lowered:
0x8: {  	[smem:$0x3FAC] =	sst s0  }
0x9: {  	[smem:$0x3FAD] =	sst s1  }
0xa: {  	[smem:$0x3FAE] =	sst s2  }
0xb: {  	[smem:$0x3FAF] =	sst s3  }
0xc: {  	[smem:$0x3FB0] =	sst s4  }
0xd: {  	[smem:$0x3FB1] =	sst s5  }
0xe: {  	[smem:$0x3FB2] =	sst s6  }
0xf: {  	[smem:$0x3FB3] =	sst s7  }
0x10: {  	[smem:$0x3FB4] =	sst s8  }
0x11: {  	[smem:$0x3FB5] =	sst s9;
	s0 =	simm.s32 @!p0 $0x0  }
0x12: {  	s1 =	sld [smem:$0x3F9B];
	s0 =	simm.s32 @p0 $0x1  }
0x13: {  	[smem:$0x3FB6] =	sst s0;
	s0 =	simm.s32 @!p1 $0x0  }
0x14: {  	s2 =	sld [smem:$0x3F9A];
	s0 =	simm.s32 @p1 $0x1  }
0x15: {  	[smem:$0x3FB7] =	sst s0;
	s0 =	simm.s32 @!p2 $0x0  }
0x16: {  	s3 =	sld [smem:$0x3FDB];
	s0 =	simm.s32 @p2 $0x1  }
0x17: {  	s4 =	simm.s32 $0x1BF5;
	[smem:$0x3FB9] =	sst s0  }
0x18: {  	s0 =	sld [smem:$0x3F9C];
	_ =	swait.ge [sflag:s4], $0x0  }
0x19: {  	s7 =	sld [smem:$0x3F9D]  }
0x1a: {  	s8 =	sadd.s32 $0xFFFFE003, lr  }
0x1b: {  	s9 =	sadd.s32 $0xFFFFFEF7, lr;
	s5 =	simm.s32 $0xFFFFFFFF;
	p2 =	slt.u32 s8, $0xFFFFF086  }
0x1c: {  	p1 =	slt.u32 s9, $0xF7A;
	s5 =	simm.s32 @!p2 $0x0  }
0x1d: {  	s5 =	simm.s32 @p1 $0x1;
	p0 =	seq.s32 s7, s2  }
0x1e: {  	s7 =	smul.u32 @!p0 $0xF7A, s2;
	p2 =	seq.s32 @!p0 s5, $0x0  }
0x1f: {  	s9 =	smul.u32 $0xF7A, s1;
	s8 =	simm.s32 @!p0 $0x1BF5;
	p2 =	por !p2, p0  }
0x20: {  	[sflag:s8] =	ssyncset.s32 @!p0 $0xFFFFF086;
	s6 =	sadd.s32 @!p0 s3, s7;
	s7 =	simm.s32 @!p0 $0x108  }
0x21: {  	s3 =	sadd.s32 s3, s9;
	s6 =	sadd.s32 @!p0 $0x88, s6;
	s7 =	simm.s32 @p2 $0x1082  }
0x22: {  	[simem:s7], [sflag:s8] =	dma.local @!p0 [hbm:s6], $0xF7A  }
0x23: {  	s9 =	sor.u32 $0xD0000000, s2;
	s6 =	simm.s32 $0x108;
	_ =	swait.ge @!p0 [sflag:s8], $0x0  }
0x24: {  	s3 =	sadd.s32 $0x88, s3;
	s6 =	simm.s32 @!p1 $0x1082;
	[sflag:s4] =	ssyncset.s32 $0xFFFFF086  }
0x25: {  	[simem:s6], [sflag:s4] =	dma.local [hbm:s3], $0xF7A  }
0x26: {  	[smem:$0x3F9D] =	sst s1;
	(tag) =	ssettag s2;
	_ =	strace s9  }
0x27: {  	s1 =	sld [smem:$0x3FAD]  }
0x28: {  	s2 =	sld [smem:$0x3FAE]  }
0x29: {  	s4 =	sld [smem:$0x3FB0]  }
0x2a: {  	p0 =	seq.s32 s5, $0x0;
	s5 =	sld [smem:$0x3FB1]  }
0x2b: {  	s6 =	sld [smem:$0x3FB2]  }
0x2c: {  	s7 =	sld [smem:$0x3FB3]  }
0x2d: {  	s3 =	simm.s32 $0x108;
	s8 =	sld [smem:$0x3FB4]  }
0x2e: {  	s3 =	simm.s32 @!p0 $0x1082;
	s9 =	sld [smem:$0x3FB5]  }
0x2f: {  	lr =	sadd.s32 s0, s3;
	s0 =	sld [smem:$0x3FAC]  }
0x30: {  	s3 =	sld [smem:$0x3FAF]  }
0x31: {  	[smem:$0x3FB8] =	sst s10  }
0x32: {  	s10 =	sld [smem:$0x3FB6];
	_ =	sdelay $0x3  }
0x33: {  	p0 =	seq.s32 s10, $0x1;
	s10 =	sld [smem:$0x3FB8];
	_ =	sdelay $0x3  }
0x34: {  	[smem:$0x3FB8] =	sst s10  }
0x35: {  	s10 =	sld [smem:$0x3FB7];
	_ =	sdelay $0x3  }
0x36: {  	p1 =	seq.s32 s10, $0x1;
	s10 =	sld [smem:$0x3FB8];
	_ =	sdelay $0x3  }
0x37: {  	[smem:$0x3FB8] =	sst s10  }
0x38: {  	s10 =	sld [smem:$0x3FB9]  }
0x39: {  	_ = 	snop;
	(pc) =	sbr.ind lr, $3  }
0x3a: {  	_ = 	snop  }
0x3b: {  	_ = 	snop  }
0x3c: {  	p2 =	seq.s32 s10, $0x1;
	s10 =	sld [smem:$0x3FB8]  }
0x3d: {  	_ =	shalt  }
0x3e: {  	_ =	shalt  }
0x3f: {  	_ =	shalt  }
0x40: {  	_ =	shalt  }
0x41: {  	_ =	shalt  }
0x42: {  	_ =	shalt  }
0x43: {  	_ =	shalt  }
0x44: {  	_ =	shalt  }
0x45: {  	_ =	shalt  }
0x46: {  	_ =	shalt  }
0x47: {  	_ =	shalt  }
0x48: {  	_ =	shalt  }
0x49: {  	_ =	shalt  }
0x4a: {  	_ =	shalt  }
0x4b: {  	_ =	shalt  }
0x4c: {  	_ =	shalt  }
0x4d: {  	_ =	shalt  }
0x4e: {  	_ =	shalt  }
0x4f: {  	_ =	shalt  }
0x50: {  	_ =	shalt  }
0x51: {  	_ =	shalt  }
0x52: {  	_ =	shalt  }
0x53: {  	_ =	shalt  }
0x54: {  	_ =	shalt  }
0x55: {  	_ =	shalt  }
0x56: {  	_ =	shalt  }
0x57: {  	_ =	shalt  }
0x58: {  	_ =	shalt  }
0x59: {  	_ =	shalt  }
0x5a: {  	_ =	shalt  }
0x5b: {  	_ =	shalt  }
0x5c: {  	_ =	shalt  }
0x5d: {  	_ =	shalt  }
0x5e: {  	_ =	shalt  }
0x5f: {  	_ =	shalt  }
0x60: {  	_ =	shalt  }
0x61: {  	_ =	shalt  }
0x62: {  	_ =	shalt  }
0x63: {  	_ =	shalt  }
0x64: {  	_ =	shalt  }
0x65: {  	_ =	shalt  }
0x66: {  	_ =	shalt  }
0x67: {  	_ =	shalt  }
0x68: {  	_ =	shalt  }
0x69: {  	_ =	shalt  }
0x6a: {  	_ =	shalt  }
0x6b: {  	_ =	shalt  }
0x6c: {  	_ =	shalt  }
0x6d: {  	_ =	shalt  }
0x6e: {  	_ =	shalt  }
0x6f: {  	_ =	shalt  }
0x70: {  	_ =	shalt  }
0x71: {  	_ =	shalt  }
0x72: {  	_ =	shalt  }
0x73: {  	_ =	shalt  }
0x74: {  	_ =	shalt  }
0x75: {  	_ =	shalt  }
0x76: {  	_ =	shalt  }
0x77: {  	_ =	shalt  }
0x78: {  	_ =	shalt  }
0x79: {  	_ =	shalt  }
0x7a: {  	_ =	shalt  }
0x7b: {  	_ =	shalt  }
0x7c: {  	_ =	shalt  }
0x7d: {  	_ =	shalt  }
0x7e: {  	_ =	shalt  }
0x7f: {  	_ =	shalt  }
0x80: {  	_ =	shalt  }
0x81: {  	_ =	shalt  }
0x82: {  	_ =	shalt  }
0x83: {  	_ =	shalt  }
0x84: {  	_ =	shalt  }
0x85: {  	_ =	shalt  }
0x86: {  	_ =	shalt  }
0x87: {  	_ =	shalt  }
.Lfunc_end0:
.L_simem_size_0:
called_computation.1_lowered:
.L_overlay_start_0:
0x88: {  	s2 =	sld [smem:$0x3FD9]  }
0x89: {  	s3 =	sld [smem:$0x3FFE];
	_ =	sdelay $0x1  }
0x8a: {  	s1 =	srdreg.scid  }
0x8b: {  	s0 =	sand.u32 $0x1, s1  }
0x8c: {  	s17 =	sshll.u32 s0, $0xA;
	s2 =	sadd.s32 s3, s2  }
0x8d: {  	s2 =	sadd.s32 s2, s17  }
0x8e: {  	[smem:$0x3FC4] =	sst s2  }
0x8f: {  	_ = 	snop  }
0x90: {  	s2 =	sld [smem:$0x3FC7]  }
0x91: {  	s18 =	sld [smem:$0x3FC6]  }
0x92: {  	s4 =	sld [smem:$0x3FD0];
	(tm) =	ssettm $0x1  }
0x93: {  	s5 =	sld [smem:$0x3FFB];
	_ =	sdelay $0x3  }
0x94: {  	_ =	strace s5  }
0x95: {  	s5 =	sld [smem:$0x3FFC];
	_ =	sdelay $0x3  }
0x96: {  	_ =	strace s5  }
0x97: {  	s5 =	sld [smem:$0x3FFD];
	_ =	sdelay $0x3  }
0x98: {  	_ =	strace s5  }
0x99: {  	_ =	strace $0x8FFFFFFF  }
0x9a: {  	s19 =	sld [smem:$0x3FDB];
	_ =	sdelay $0x1  }
0x9b: {  	s6 =	simm.s32 $_scs_section_size  }
0x9c: {  	s7 =	simm.s32 $_size__tile_overlayer_lowered;
	s8 =	simm.s32 $_tile_overlayer_lowered  }
0x9d: {  	s22 =	simm.s32 $0x1BFF;
	s21 =	sshll.u32 s8, $0x1;
	s5 =	sadd.s32 s6, s19  }
0x9e: {  	s9 =	simm.s32 $0x0;
	s20 =	sshll.u32 s7, $0x1;
	s7 =	sadd.s32 s21, s5  }
0x9f: {  	[timem:s9], [sflag:s22] =	dma.local [hbm:s7], s20  }
0xa0: {  	_ =	swait.ge [sflag:s22], s20  }
0xa1: {  	s6 =	ssub.s32 $0x0, s20;
	[sflag:s22] =	ssyncset.done $0x0  }
0xa2: {  	[sflag:s22] =	ssyncadd.s32 s6;
	_ =	sdelay $0x1  }
0xa3: {  	s23 =	simm.s32 $0x1B8B  }
0xa4: {  	_ =	swait.ge [sflag:s23], $0x1  }
0xa5: {  	[sflag:s23] =	ssyncset.done $0x0  }
0xa6: {  	s25 =	simm.s32 $0x1B8E;
	s24 =	sld [smem:$0x3FFE];
	[sflag:s23] =	ssyncadd.s32 $0xFFFFFFFF  }
0xa7: {  	s26 =	simm.s32 $execute0_lowered;
	[smem:$0x3FD2] =	sst s25  }
0xa8: {  	s7 =	sshll.u32 s26, $0x1;
	_ =	strace $0x80000046;
	[dreg:$0x1] =	wrdreg $0xFFFFFFFF  }
0xa9: {  	s28 =	simm.s32 $_size_execute0_lowered;
	s5 =	sadd.s32 s5, s7;
	[dreg:$0x0] =	wrdreg $0x0  }
0xaa: {  	s7 =	sshll.u32 s28, $0x1;
	[dreg:$0x2] =	wrdreg s5  }
0xab: {  	[dreg:$0x3] =	wrdreg s7  }
0xac: {  	[dreg:$0x4] =	wrdreg $0xC0  }
0xad: {  	_ =	task [dreg:s9], $0x5FFFF  }
0xae: {  	[dreg:$0x1] =	wrdreg $0xFFFFFFFF  }
0xaf: {  	[dreg:$0x0] =	wrdreg $0x60  }
0xb0: {  	[dreg:$0x2] =	wrdreg s24  }
0xb1: {  	[dreg:$0x3] =	wrdreg s2  }
0xb2: {  	[dreg:$0x4] =	wrdreg s18  }
0xb3: {  	[dreg:$0x5] =	wrdreg s4  }
0xb4: {  	[dreg:$0x6] =	wrdreg $0x9  }
0xb5: {  	_ =	task.clear_ibuf [dreg:s9], $0x7FFFF;
	_ =	strace $0x90000046  }
0xb6: {  	s29 =	simm.s32 $0x9;
	_ =	strace $0x80000048  }
0xb7: {  	_ =	swait.ge [sflag:s29], $0x1  }
0xb8: {  	[sflag:s29] =	ssyncadd.s32 $0xFFFFFFFF  }
0xb9: {  	_ =	strace $0x90000048  }
0xba: {  	_ =	sfence  }
0xbb: {  	s30 =	sld [smem:$0x0];
	_ =	sdelay $0x2  }
0xbc: {  	s31 =	sshll.u32 s1, $0xD;
	s1 =	sshrl.u32 s1, $0x2  }
0xbd: {  	s3 =	sand.u32 $0x4000, s31;
	s1 =	sadd.s32 s1, s30  }
0xbe: {  	s0 =	sor.u32 s3, s0;
	s1 =	sshll.u32 s1, $0x11  }
0xbf: {  	s0 =	sor.u32 s1, s0  }
0xc0: {  	s0 =	sadd.s32 $0x8F2B, s0  }
0xc1: {  	[sflag:s0] =	ssyncadd.remote.s32 $0x1  }
0xc2: {  	_ =	sfence.sel $0xFFFF  }
0xc3: {  	[dreg:$0x0] =	wrdreg $0xFFFFFFFF;
	(pc) =	sbr.abs _section_cstart, $3  }
0xc4: {  	[dreg:$0x1] =	wrdreg $0xFFFFFFFF  }
0xc5: {  	_ =	task.clear_ibuf [dreg:s9], $0x2FFFF;
	_ =	strace $0x9FFFFFFF  }
0xc6: {  	(tm) =	ssettm $0x7FFFFFFF  }
0xc7: {  	_ =	shalt  }
tec
execute0_lowered:
.L_overlay_start_1:
0x0: {  	(tag) =	ssettag $0x1  }
0x1: {  	s0 =	rddreg [dreg:$0x0]  }
0x2: {  	s4 =	rddreg [dreg:$0x3];
	s1 =	srdreg.scid  }
0x3: {  	s2 =	stileid.u32;
	s5 =	simm.s32 $0x0;
	s15 =	simm.s32 $0x7  }
0x4: {  	s17 =	simm.s32 $0x1;
	s18 =	simm.s32 $0x64;
	s22 =	simm.s32 $0xD0  }
0x5: {  	s23 =	simm.s32 $0x2;
	s28 =	simm.s32 $0x3;
	s29 =	simm.s32 $0x65A0  }
0x6: {  	s30 =	simm.s32 $0x97A0;
	s31 =	simm.s32 $0x5;
	s1 =	sand.u32 $0x1, s1  }
0x7: {  	s2 =	sshll.u32 s2, $0x1;
	[smem:$0x7FF] =	sst s5;
	s6 =	sadd.s32 $0x800, s0  }
0x8: {  	s7 =	sadd.s32 $0x1A800, s0;
	s2 =	sor.u32 s1, s2;
	s1 =	ssub.s32 $0x2, s1  }
0x9: {  	_ =	strace $0x80000047;
	s3 =	smul.u32 $0xD00, s2;
	s24 =	sshrl.u32 s1, $0x1  }
.Ltmp0:
0xa: {  	s25 =	sshll.u32 s2, $0x8;
	s9 =	sshll.u32 s2, $0x9;
	(pc) =	sbr.rel .LBB2_1-.Ltmp0, $4  }
0xb: {  	s2 =	simm.s32 $0x0;
	s0 =	ssub.s32 s1, s24;
	s11 =	sor.u32 $0x4, s25  }
0xc: {  	s12 =	sor.u32 $0x6, s25;
	s24 =	simm.s32 $0x33A0;
	s8 =	sadd.s32 s6, s3  }
0xd: {  	s25 =	simm.s32 $0x138;
	s13 =	smax.u32 s0, $0x1;
	s26 =	sadd.s32 $0x1A, s8  }
0xe: {  	s0 =	simm.s32 $0x6;
	[dreg:$0x5] =	wrdreg s26;
	s26 =	simm.s32 $0x4CA0  }
.LBB2_8:
0xf: {  	s2 =	sadd.s32 $0x1, s2  }
0x10: {  	_ =	swait.ge [sflag:s31], $0x3200;
	p0 =	sne.s32 s2, s13  }
.Ltmp1:
0x11: {  	[sflag:s31] =	ssyncset.done $0x0;
	(pc) =	sbr.rel @!p0 .LBB2_9-.Ltmp1, $4  }
0x12: {  	[sflag:s31] =	ssyncadd.s32 $0xFFFFCE00  }
0x13: {  	_ =	swait.ge [sflag:s0], $0x3200  }
0x14: {  	[sflag:s0] =	ssyncset.done $0x0  }
0x15: {  	[sflag:s0] =	ssyncadd.s32 $0xFFFFCE00  }
.LBB2_1:
0x16: {  	s1 =	rddreg [dreg:$0x1];
	s3 =	simm.s32 $0xC9A0  }
0x17: {  	[tilespmem:s3], [sflag:$0x7] =	stream.linear.gather [hbm4b:s1+s5], $0x40, $0x38;
	[tilespmem:$0xCA20] =	vst v63  }
0x18: {  	_ =	swait.ge [sflag:s15], $0x40  }
0x19: {  	[sflag:s15] =	ssyncset.done $0x0  }
0x1a: {  	[sflag:s15] =	ssyncadd.s32 $0xFFFFFFC0  }
0x1b: {  	s14 =	simm.s32 $0xC9E0;
	s10 =	rddreg [dreg:$0x2]  }
0x1c: {  	[tilespmem:s14], [sflag:$0x7] =	stream.linear.gather [hbm4b:s10+s5], $0x40, $0x38;
	[tilespmem:$0xCA20] =	vst v63  }
0x1d: {  	_ =	swait.ge [sflag:s15], $0x40  }
0x1e: {  	[sflag:s15] =	ssyncset.done $0x0  }
0x1f: {  	[sflag:s15] =	ssyncadd.s32 $0xFFFFFFC0  }
0x20: {  	[tilespmem:s5], [sflag:$0x1] =	stream.linear.gather [hbm4b:s8+s5], $0xD0, $0x38;
	[tilespmem:$0xCA20] =	vst v63  }
0x21: {  	_ =	swait.ge [sflag:s17], $0xD0  }
0x22: {  	[sflag:s17] =	ssyncset.done $0x0  }
0x23: {  	s16 =	simm.s32 $0x1A0;
	[sflag:s17] =	ssyncadd.s32 $0xFFFFFF30  }
0x24: {  	[tilespmem:s16], [sflag:$0x3] =	stream.indirect.gather [hbm4b:s7+s18], $0x40, s5, s18, $0xb8;
	[tilespmem:$0xCA20] =	vst v63  }
0x25: {  	s19 =	simm.s32 $0x68;
	s20 =	simm.s32 $0x1AA0  }
0x26: {  	[tilespmem:s20], [sflag:$0x3] =	stream.indirect.gather [hbm4b:s7+s18], $0x40, s19, s18, $0xb8;
	[tilespmem:$0xCA20] =	vst v63  }
0x27: {  	s21 =	rddreg [dreg:$0x5]  }
0x28: {  	[tilespmem:s22], [sflag:$0x2] =	stream.linear.gather [hbm4b:s21+s5], $0xD0, $0x38;
	[tilespmem:$0xCA20] =	vst v63  }
0x29: {  	_ =	swait.ge [sflag:s23], $0xD0  }
0x2a: {  	[sflag:s23] =	ssyncset.done $0x0  }
0x2b: {  	[sflag:s23] =	ssyncadd.s32 $0xFFFFFF30  }
0x2c: {  	[tilespmem:s24], [sflag:$0x4] =	stream.indirect.gather [hbm4b:s7+s18], $0x40, s22, s18, $0xb8;
	[tilespmem:$0xCA20] =	vst v63  }
0x2d: {  	s1 =	simm.s32 $0x0  }
0x2e: {  	[tilespmem:s26], [sflag:$0x4] =	stream.indirect.gather [hbm4b:s7+s18], $0x40, s25, s18, $0xb8;
	[tilespmem:$0xCA20] =	vst v63  }
.LBB2_2:
0x2f: {  	_ =	swait.ge [sflag:s28], $0x1900;
	p0 =	seq.s32 s1, $0x3F  }
0x30: {  	[sflag:s28] =	ssyncset.done $0x0;
	s3 =	sshll.u32 @!p0 s1, $0x2  }
0x31: {  	[sflag:s28] =	ssyncadd.s32 $0xFFFFE700;
	s14 =	sadd.s32 @!p0 s3, s11  }
0x32: {  	_ =	swait.ge [sflag:s28], $0x1900;
	s14 =	smul.u32 @!p0 $0xD, s14  }
0x33: {  	s21 =	simm.s32 $0x2A0;
	[sflag:s28] =	ssyncset.done $0x0  }
0x34: {  	s16 =	simm.s32 @!p0 $0x0;
	[sflag:s28] =	ssyncadd.s32 $0xFFFFE700;
	s14 =	sadd.s32 @!p0 s6, s14  }
0x35: {  	[tilespmem:s16], [sflag:$0x1] =	stream.linear.gather @!p0 [hbm4b:s14+s16], $0xD0, $0x38;
	[tilespmem:$0xCA20] =	vst v63  }
0x36: {  	v0 =	vld [tilespmem:s21+$0xC0]  }
0x37: {  	v1 =	vld [tilespmem:s21+$0xD0]  }
0x38: {  	v7 =	vld [tilespmem:s21+$0xE0]  }
0x39: {  	v19 =	vld [tilespmem:s21+$0xF0];
	_ =	sdelay $0x4  }
0x3a: {  	v2 =	vadd.f32 v1, v0;
	v3 =	vadd.f32 v19, v7  }
0x3b: {  	v8 =	vld [tilespmem:s21+$0xFFFFFF10]  }
0x3c: {  	v10 =	vld [tilespmem:s21+$0xFFFFFF20];
	v2 =	vadd.f32 v3, v2  }
0x3d: {  	v11 =	vld [tilespmem:s21+$0xFFFFFF30]  }
0x3e: {  	v20 =	vld [tilespmem:s21+$0xFFFFFF40];
	(xrf2) =	vadd.scan.msk.f32 $0xffff, v2  }
0x3f: {  	v21 =	vld [tilespmem:s21+$0xFFFFFF50]  }
0x40: {  	v22 =	vld [tilespmem:s21+$0xFFFFFF60]  }
0x41: {  	v23 =	vld [tilespmem:s21+$0xFFFFFF70]  }
0x42: {  	v24 =	vld [tilespmem:s21+$0xFFFFFF80]  }
0x43: {  	v25 =	vld [tilespmem:s21+$0xFFFFFF90]  }
0x44: {  	v26 =	vld [tilespmem:s21+$0xFFFFFFA0]  }
0x45: {  	v27 =	vld [tilespmem:s21+$0xFFFFFFB0]  }
0x46: {  	v28 =	vld [tilespmem:s21+$0xFFFFFFC0]  }
0x47: {  	v29 =	vld [tilespmem:s21+$0xFFFFFFD0]  }
0x48: {  	v30 =	vld [tilespmem:s21+$0xFFFFFFE0];
	v2, _, _ =	vpop (xrf2)  }
0x49: {  	v32 =	vld [tilespmem:s21+$0xFFFFFFF0];
	(v2sf) =	vpush v2, $0xF  }
0x4a: {  	v15 =	vld [tilespmem:s21+$0x0];
	v3 =	vadd.f32 v23, v22;
	v2 =	vadd.f32 v21, v20  }
0x4b: {  	v17 =	vld [tilespmem:s21+$0x10];
	v4 =	vadd.f32 v27, v26  }
0x4c: {  	v18 =	vld [tilespmem:s21+$0x20];
	v2 =	vadd.f32 v3, v2;
	v3 =	vadd.f32 v25, v24  }
0x4d: {  	v12 =	vld [tilespmem:s21+$0x30]  }
0x4e: {  	v13 =	vld [tilespmem:s21+$0x40];
	(xrf2) =	vadd.scan.msk.f32 $0xffff, v2;
	v2 =	vadd.f32 v4, v3  }
0x4f: {  	v16 =	vld [tilespmem:s21+$0x50]  }
0x50: {  	v9 =	vld [tilespmem:s21+$0x60];
	(xrf2) =	vadd.scan.msk.f32 $0xffff, v2  }
0x51: {  	v14 =	vld [tilespmem:s21+$0x70];
	v3 =	vadd.f32 v29, v28;
	v4 =	vadd.f32 v32, v30  }
0x52: {  	v33 =	vld [tilespmem:s21+$0xFFFFFF00]  }
0x53: {  	v2 =	vadd.f32 v4, v3  }
0x54: {  	v5 =	vadd.f32 v11, v10  }
0x55: {  	v3 =	vadd.f32 v17, v15;
	v4 =	vadd.f32 v12, v18;
	(xrf2) =	vadd.scan.msk.f32 $0xffff, v2  }
0x56: {  	v6 =	vadd.f32 v14, v9;
	v2 =	vadd.f32 v16, v13  }
0x57: {  	v3 =	vadd.f32 v4, v3;
	v4 =	vadd.f32 v8, v33  }
0x58: {  	v6 =	vadd.f32 v6, v2;
	v2 =	vld [tilespmem:s21+$0x80];
	s10 =	spop (v2sf)  }
0x59: {  	(xrf2) =	vadd.scan.msk.f32 $0xffff, v3;
	v5 =	vadd.f32 v5, v4;
	v3 =	vld [tilespmem:s21+$0x90];
	v31, _, _ =	vpop (xrf2);
	s16 =	smul.f32 $1.562500000e-02, s10  }
0x5a: {  	v4 =	vld [tilespmem:s21+$0xA0];
	(xrf2) =	vadd.scan.msk.f32 $0xffff, v6;
	(v2sf) =	vpush v31, $0xF;
	v34, _, _ =	vpop (xrf2)  }
0x5b: {  	(xrf2) =	vadd.scan.msk.f32 $0xffff, v5;
	v5 =	vld [tilespmem:s21+$0xB0];
	(v2sf) =	vpush v34, $0xF;
	v31 =	vmov s16  }
0x5c: {  	v6 =	vsub.f32 v0, v31;
	v1 =	vsub.f32 v1, v31  }
0x5d: {  	v0 =	vsub.f32 v7, v31;
	v7 =	vsub.f32 v19, v31  }
0x5e: {  	v19 =	vmul.f32 v6, v6;
	v31 =	vmul.f32 v1, v1  }
0x5f: {  	v60 =	vadd.f32 v3, v2;
	v35, _, _ =	vpop (xrf2);
	v36 =	vmul.f32 v0, v0;
	v37 =	vmul.f32 v7, v7  }
0x60: {  	v38 =	vadd.f32 v5, v4;
	(v2sf) =	vpush v35, $0xF  }
0x61: {  	v19 =	vadd.f32 v31, v19;
	v31 =	vadd.f32 v37, v36  }
0x62: {  	v34 =	vadd.f32 v38, v60  }
0x63: {  	v61, _, _ =	vpop (xrf2)  }
0x64: {  	(v2sf) =	vpush v61, $0xF;
	v62, _, _ =	vpop (xrf2);
	(xrf2) =	vadd.scan.msk.f32 $0xffff, v34;
	v19 =	vadd.f32 v31, v19  }
0x65: {  	(v2sf) =	vpush v62, $0xF;
	v31, _, _ =	vpop (xrf2)  }
0x66: {  	(xrf2) =	vadd.scan.msk.f32 $0xffff, v19;
	(v2sf) =	vpush v31, $0xF;
	_ =	sdelay $0x2  }
0x67: {  	s19 =	spop (v2sf)  }
0x68: {  	s14 =	smul.f32 $1.562500000e-02, s19;
	_ =	sdelay $0x1  }
0x69: {  	s20 =	spop (v2sf);
	v19 =	vmov s14  }
0x6a: {  	s14 =	smul.f32 $1.562500000e-02, s20;
	v63 =	vsub.f32 v20, v19  }
0x6b: {  	v21 =	vsub.f32 v21, v19;
	v31 =	vsub.f32 v22, v19;
	v20, _, _ =	vpop (xrf2)  }
0x6c: {  	v23 =	vsub.f32 v23, v19;
	(v2sf) =	vpush v20, $0xF;
	v22 =	vmov s14  }
0x6d: {  	s21 =	spop (v2sf);
	[tilespmem:$0x1FE60] =	vst v21;
	v19 =	vmul.f32 v63, v63;
	v21 =	vmul.f32 v21, v21;
	v24 =	vsub.f32 v24, v22;
	v20, _, _ =	vpop (xrf2)  }
0x6e: {  	s14 =	smul.f32 $1.562500000e-02, s21;
	[tilespmem:$0x1FE90] =	vst v23;
	v25 =	vsub.f32 v25, v22;
	v23 =	vmul.f32 v23, v23;
	(v2sf) =	vpush v20, $0xF  }
0x6f: {  	v26 =	vsub.f32 v26, v22;
	v27 =	vsub.f32 v27, v22;
	v20 =	vmul.f32 v31, v31;
	[tilespmem:$0x1FEA0] =	vst v24  }
0x70: {  	s10 =	spop (v2sf);
	[tilespmem:$0x1FEB0] =	vst v25;
	v22 =	vmul.f32 v24, v24;
	v24 =	vmul.f32 v25, v25;
	v25 =	vmov s14  }
0x71: {  	[tilespmem:$0x1FEC0] =	vst v26;
	s20 =	spop (v2sf);
	v19 =	vadd.f32 v21, v19;
	v21 =	vmul.f32 v26, v26;
	v28 =	vsub.f32 v28, v25  }
0x72: {  	[tilespmem:$0x1FED0] =	vst v27;
	v26 =	vmul.f32 v27, v27;
	v27 =	vsub.f32 v29, v25;
	s14 =	smul.f32 $1.562500000e-02, s20;
	v20 =	vadd.f32 v23, v20;
	s19 =	spop (v2sf)  }
0x73: {  	v29 =	vsub.f32 v30, v25;
	v30 =	vsub.f32 v32, v25;
	v23 =	vmul.f32 v28, v28;
	s19 =	smul.f32 $1.562500000e-02, s19  }
0x74: {  	v25 =	vmul.f32 v27, v27;
	v36 =	vmov s14;
	v19 =	vadd.f32 v20, v19  }
0x75: {  	v16 =	vsub.f32 v16, v36;
	v39 =	vsub.f32 v9, v36;
	v20 =	vmov s19  }
0x76: {  	v23 =	vadd.f32 v25, v23;
	v51 =	vsub.f32 v33, v20  }
0x77: {  	v50 =	vsub.f32 v8, v20;
	v52 =	vsub.f32 v10, v20  }
0x78: {  	s16 =	smul.f32 $1.562500000e-02, s10;
	[tilespmem:$0x1FEE0] =	vst v28;
	v28 =	vmul.f32 v29, v29;
	v53 =	vsub.f32 v11, v20;
	v10 =	vadd.f32 v24, v22  }
0x79: {  	(xrf2) =	vadd.scan.msk.f32 $0xffff, v19;
	v20 =	vadd.f32 v26, v21;
	v11 =	vmul.f32 v51, v51;
	v19 =	vmul.f32 v50, v50  }
0x7a: {  	v24 =	vmov s16;
	v21 =	vmul.f32 v52, v52;
	v22 =	vmul.f32 v53, v53  }
0x7b: {  	v8 =	vmul.f32 v30, v30;
	v17 =	vsub.f32 v17, v24;
	v18 =	vsub.f32 v18, v24  }
0x7c: {  	s21 =	spop (v2sf);
	v11 =	vadd.f32 v19, v11;
	v19 =	vadd.f32 v22, v21  }
0x7d: {  	v8 =	vadd.f32 v8, v28;
	v21 =	vsub.f32 v15, v24;
	s10 =	spop (v2sf)  }
0x7e: {  	v42 =	vmul.f32 v16, v16;
	v10 =	vadd.f32 v20, v10;
	v11 =	vadd.f32 v19, v11;
	s14 =	smul.f32 $1.562500000e-02, s10  }
0x7f: {  	v44 =	vmul.f32 v39, v39;
	v22 =	vsub.f32 v12, v24;
	v8 =	vadd.f32 v8, v23;
	[tilespmem:$0x1FF20] =	vst v21  }
0x80: {  	s19 =	smul.f32 $1.562500000e-02, s21;
	v37 =	vmul.f32 v21, v21;
	v21 =	vsub.f32 v13, v36;
	(xrf2) =	vadd.scan.msk.f32 $0xffff, v11;
	v9 =	vmov s14  }
0x81: {  	v38 =	vmul.f32 v17, v17;
	v19 =	vsub.f32 v14, v36;
	v9 =	vadd.f32 $9.999999960e-13, v9  }
0x82: {  	v40 =	vmul.f32 v22, v22;
	v46 =	vmov s19;
	v11 =	vmul.f32 v18, v18  }
0x83: {  	v54 =	vsub.f32 v2, v46;
	v41 =	vmul.f32 v21, v21;
	v9 =	vbroadcast v9, $0x0  }
0x84: {  	v45 =	vmul.f32 v19, v19;
	(xrf2) =	vadd.scan.msk.f32 $0xffff, v10;
	v10 =	vadd.f32 v38, v37;
	v11 =	vadd.f32 v40, v11  }
0x85: {  	(xrf2) =	vadd.scan.msk.f32 $0xffff, v8;
	v8 =	vadd.f32 v42, v41;
	v47 =	vshrl.u32 v9, $0x1;
	v9 =	vmul.f32 $5.000000000e-01, v9  }
0x86: {  	[tilespmem:$0x1FE50] =	vst v63;
	v43, _, _ =	vpop (xrf2);
	v48 =	vadd.f32 v45, v44;
	v2 =	vadd.f32 v11, v10;
	v49 =	vsub.s32 $0x5F3759DF, v47  }
0x87: {  	[tilespmem:$0x1FE80] =	vst v31;
	v56 =	vsub.f32 v3, v46;
	(v2sf) =	vpush v43, $0xF;
	v10 =	vmul.f32 v49, v9  }
0x88: {  	[tilespmem:$0x1FEF0] =	vst v27;
	v3 =	vadd.f32 v48, v8;
	v11 =	vsub.f32 v5, v46  }
0x89: {  	v55 =	vsub.f32 v4, v46;
	v5 =	vmul.f32 v54, v54;
	(xrf2) =	vadd.scan.msk.f32 $0xffff, v2;
	v4 =	vmul.f32 v49, v10  }
0x8a: {  	[tilespmem:$0x1FF00] =	vst v29;
	v8 =	vmul.f32 v56, v56;
	(xrf2) =	vadd.scan.msk.f32 $0xffff, v3;
	v3 =	vmul.f32 v11, v11;
	v2, _, _ =	vpop (xrf2)  }
0x8b: {  	[tilespmem:$0x1FF10] =	vst v30;
	(v2sf) =	vpush v2, $0xF;
	v2 =	vmul.f32 v55, v55;
	v4 =	vsub.f32 $1.500000000e+00, v4  }
0x8c: {  	[tilespmem:$0x1FF70] =	vst v16  }
0x8d: {  	[tilespmem:$0x1FF80] =	vst v39;
	v5 =	vadd.f32 v8, v5;
	v2 =	vadd.f32 v3, v2;
	v3 =	vmul.f32 v49, v4  }
0x8e: {  	[tilespmem:$0x1FF30] =	vst v17  }
0x8f: {  	[tilespmem:$0x1FF40] =	vst v18;
	v2 =	vadd.f32 v2, v5;
	v4 =	vmul.f32 v3, v9  }
0x90: {  	[tilespmem:$0x1FF50] =	vst v22  }
0x91: {  	[tilespmem:$0x1FF60] =	vst v21;
	v10, _, _ =	vpop (xrf2);
	(xrf2) =	vadd.scan.msk.f32 $0xffff, v2;
	v2 =	vmul.f32 v4, v3  }
0x92: {  	[tilespmem:$0x1FF90] =	vst v19;
	(v2sf) =	vpush v10, $0xF  }
0x93: {  	s14 =	simm.s32 $0x4A0;
	[tilespmem:$0x1FFA0] =	vst v11;
	v2 =	vsub.f32 $1.500000000e+00, v2  }
0x94: {  	v57 =	vld [tilespmem:s14+$0xC0];
	v5, _, _ =	vpop (xrf2)  }
0x95: {  	v60 =	vld [tilespmem:s14+$0xD0];
	(v2sf) =	vpush v5, $0xF;
	v4, _, _ =	vpop (xrf2);
	v2 =	vmul.f32 v2, v3  }
0x96: {  	v59 =	vld [tilespmem:s14+$0xE0];
	s20 =	spop (v2sf);
	(v2sf) =	vpush v4, $0xF;
	v4, _, _ =	vpop (xrf2)  }
0x97: {  	v32 =	vld [tilespmem:s14+$0xF0];
	s16 =	smul.f32 $1.562500000e-02, s20;
	(v2sf) =	vpush v4, $0xF;
	v4 =	vmul.f32 v2, v9;
	_ =	sdelay $0x1  }
0x98: {  	v5 =	vmov s16;
	v4 =	vmul.f32 v4, v2  }
0x99: {  	v3 =	vadd.f32 $9.999999960e-13, v5  }
0x9a: {  	v4 =	vsub.f32 $1.500000000e+00, v4  }
0x9b: {  	v5 =	vadd.f32 v60, v57;
	v3 =	vbroadcast v3, $0x0;
	v9 =	vadd.f32 v32, v59  }
0x9c: {  	v2 =	vmul.f32 v4, v2  }
0x9d: {  	v5 =	vadd.f32 v9, v5  }
0x9e: {  	s21 =	spop (v2sf);
	v6 =	vmul.f32 v2, v6  }
0x9f: {  	v10 =	vshrl.u32 v3, $0x1;
	v25 =	vmul.f32 $5.000000000e-01, v3;
	s16 =	smul.f32 $1.562500000e-02, s21;
	v3, _, _ =	vpop (xrf2);
	(xrf2) =	vadd.scan.msk.f32 $0xffff, v5  }
0xa0: {  	v48 =	vld [tilespmem:s14+$0xFFFFFF40];
	s10 =	spop (v2sf);
	(v2sf) =	vpush v3, $0xF;
	[tilespmem:$0x1FFC0] =	vst v6;
	v6 =	vmul.f32 v2, v7  }
0xa1: {  	v9 =	vmov s16;
	s19 =	smul.f32 $1.562500000e-02, s10;
	v1 =	vmul.f32 v2, v1  }
0xa2: {  	v10 =	vsub.s32 $0x5F3759DF, v10;
	v9 =	vadd.f32 $9.999999960e-13, v9;
	[tilespmem:$0x1FFB0] =	vst v6  }
0xa3: {  	v3 =	vmul.f32 v10, v25;
	v4 =	vmov s19;
	v47 =	vld [tilespmem:s14+$0xFFFFFF50];
	[tilespmem:$0x1FFD0] =	vst v1  }
0xa4: {  	v5 =	vbroadcast v9, $0x0;
	v4 =	vadd.f32 $9.999999960e-13, v4;
	v0 =	vmul.f32 v2, v0;
	v44 =	vld [tilespmem:s14+$0xFFFFFF60]  }
0xa5: {  	v3 =	vmul.f32 v10, v3;
	s20 =	spop (v2sf);
	v42 =	vld [tilespmem:s14+$0xFFFFFF70]  }
0xa6: {  	s16 =	smul.f32 $1.562500000e-02, s20;
	v6 =	vbroadcast v4, $0x0;
	v1 =	vshrl.u32 v5, $0x1;
	v41 =	vld [tilespmem:s14+$0xFFFFFF80];
	[tilespmem:$0x1FFE0] =	vst v0  }
0xa7: {  	v3 =	vsub.f32 $1.500000000e+00, v3;
	v22 =	vmul.f32 $5.000000000e-01, v5;
	s21 =	spop (v2sf);
	v7 =	vsub.s32 $0x5F3759DF, v1;
	v38 =	vld [tilespmem:s14+$0xFFFFFF90]  }
0xa8: {  	v1 =	vmov s16;
	v58 =	vshrl.u32 v6, $0x1;
	v23 =	vmul.f32 $5.000000000e-01, v6;
	s16 =	smul.f32 $1.562500000e-02, s21;
	v27 =	vld [tilespmem:s14+$0xFFFFFFA0]  }
0xa9: {  	v20 =	vmul.f32 v10, v3;
	s10 =	spop (v2sf);
	v62, _, _ =	vpop (xrf2);
	v2 =	vmul.f32 v7, v22;
	v6 =	vsub.s32 $0x5F3759DF, v58;
	v26 =	vld [tilespmem:s14+$0xFFFFFFB0]  }
0xaa: {  	s19 =	smul.f32 $1.562500000e-02, s10;
	v28 =	vld [tilespmem:s14+$0xFFFFFFC0];
	(v2sf) =	vpush v62, $0xF;
	v3 =	vmul.f32 v6, v23;
	v10 =	vmov s16  }
0xab: {  	v34 =	vld [tilespmem:s14+$0xFFFFFFD0];
	v2 =	vmul.f32 v7, v2;
	v10 =	vadd.f32 $9.999999960e-13, v10  }
0xac: {  	v1 =	vadd.f32 $9.999999960e-13, v1;
	v35 =	vld [tilespmem:s14+$0xFFFFFFE0];
	v61 =	vmov s19;
	v3 =	vmul.f32 v6, v3  }
0xad: {  	v36 =	vld [tilespmem:s14+$0xFFFFFFF0];
	v2 =	vsub.f32 $1.500000000e+00, v2;
	v33 =	vbroadcast v10, $0x0;
	v10 =	vadd.f32 v47, v48  }
0xae: {  	v46 =	vld [tilespmem:s14+$0x0];
	v1 =	vbroadcast v1, $0x0;
	v43 =	vadd.f32 v42, v44;
	v3 =	vsub.f32 $1.500000000e+00, v3  }
0xaf: {  	v45 =	vld [tilespmem:s14+$0x10];
	v12 =	vadd.f32 $9.999999960e-13, v61;
	s19 =	spop (v2sf);
	v13 =	vmul.f32 v7, v2;
	v2 =	vadd.f32 v38, v41  }
0xb0: {  	v39 =	vld [tilespmem:s14+$0x30];
	v7 =	vadd.f32 v26, v27;
	s16 =	smul.f32 $1.562500000e-02, s19;
	v19 =	vmul.f32 v6, v3;
	v3 =	vadd.f32 v43, v10  }
0xb1: {  	v40 =	vld [tilespmem:s14+$0x40];
	v63 =	vshrl.u32 v1, $0x1;
	v21 =	vmul.f32 $5.000000000e-01, v1  }
0xb2: {  	v37 =	vld [tilespmem:s14+$0x50];
	v12 =	vbroadcast v12, $0x0;
	v7 =	vadd.f32 v7, v2;
	(xrf2) =	vadd.scan.msk.f32 $0xffff, v3;
	v3 =	vmov s16  }
0xb3: {  	v29 =	vld [tilespmem:s14+$0x60];
	v58 =	vsub.s32 $0x5F3759DF, v63;
	v18 =	vadd.f32 v34, v28;
	v3 =	vadd.f32 $9.999999960e-13, v3  }
0xb4: {  	v63 =	vadd.f32 v36, v35;
	v16 =	vmul.f32 $5.000000000e-01, v33;
	v6 =	vshrl.u32 v33, $0x1;
	v43 =	vld [tilespmem:s14+$0x20];
	(xrf2) =	vadd.scan.msk.f32 $0xffff, v7  }
0xb5: {  	v24 =	vmul.f32 $5.000000000e-01, v12;
	v33 =	vld [tilespmem:s14+$0x70];
	v61 =	vsub.s32 $0x5F3759DF, v6;
	v3 =	vbroadcast v3, $0x0  }
0xb6: {  	v63 =	vadd.f32 v63, v18;
	v49 =	vmul.f32 v61, v16;
	v7 =	vshrl.u32 v12, $0x1  }
0xb7: {  	v62 =	vsub.s32 $0x5F3759DF, v7;
	v0 =	vshrl.u32 v3, $0x1;
	v15 =	vmul.f32 $5.000000000e-01, v3  }
0xb8: {  	v31 =	vld [tilespmem:s14+$0xFFFFFF10];
	v2 =	vadd.f32 v45, v46;
	v14 =	vmul.f32 v62, v24;
	v0 =	vsub.s32 $0x5F3759DF, v0  }
0xb9: {  	v30 =	vld [tilespmem:s14+$0xFFFFFF20];
	v18 =	vmul.f32 v61, v49;
	v1 =	vadd.f32 v39, v43;
	s20 =	spop (v2sf);
	v4 =	vmul.f32 v0, v15  }
0xba: {  	v5 =	vadd.f32 v37, v40;
	(xrf2) =	vadd.scan.msk.f32 $0xffff, v63;
	v63 =	vld [tilespmem:s14+$0xA0];
	v17 =	vmul.f32 v62, v14;
	v3 =	vadd.f32 v33, v29;
	s16 =	smul.f32 $1.562500000e-02, s20  }
0xbb: {  	v7 =	vmul.f32 v58, v21;
	v6 =	vsub.f32 $1.500000000e+00, v18;
	v18 =	vld [tilespmem:s14+$0xFFFFFF30];
	v14 =	vadd.f32 v1, v2  }
0xbc: {  	v8 =	vsub.f32 $1.500000000e+00, v17;
	v17 =	vld [tilespmem:s14+$0xFFFFFF00];
	v12 =	vadd.f32 v3, v5;
	v5 =	vmov s16  }
0xbd: {  	v11 =	vmul.f32 v61, v6;
	v61 =	vld [tilespmem:s14+$0x80];
	v2 =	vmul.f32 v0, v4;
	v49 =	vsub.f32 v57, v5;
	v4, _, _ =	vpop (xrf2)  }
0xbe: {  	v9 =	vmul.f32 v62, v8;
	v62 =	vld [tilespmem:s14+$0x90];
	v57 =	vsub.f32 v60, v5;
	(v2sf) =	vpush v4, $0xF;
	v4, _, _ =	vpop (xrf2)  }
0xbf: {  	v7 =	vmul.f32 v58, v7;
	v60 =	vld [tilespmem:s14+$0xB0];
	(v2sf) =	vpush v4, $0xF;
	v4 =	vsub.f32 $1.500000000e+00, v2  }
0xc0: {  	v1 =	vmul.f32 v13, v22;
	v59 =	vsub.f32 v59, v5;
	v32 =	vsub.f32 v32, v5  }
0xc1: {  	v8 =	vmul.f32 v0, v4;
	v4 =	vadd.f32 v18, v30;
	v0 =	vadd.f32 v31, v17  }
0xc2: {  	v7 =	vsub.f32 $1.500000000e+00, v7;
	v6 =	vmul.f32 v20, v25;
	v1 =	vmul.f32 v1, v13  }
0xc3: {  	v3 =	vmul.f32 v32, v32;
	v10 =	vadd.f32 v4, v0;
	v4 =	vmul.f32 v59, v59  }
0xc4: {  	v58 =	vmul.f32 v58, v7;
	v2 =	vadd.f32 v62, v61;
	v0 =	vadd.f32 v60, v63  }
0xc5: {  	(xrf2) =	vadd.scan.msk.f32 $0xffff, v14;
	v7 =	vmul.f32 v49, v49;
	v5 =	vmul.f32 v57, v57;
	v3 =	vadd.f32 v3, v4  }
0xc6: {  	(xrf2) =	vadd.scan.msk.f32 $0xffff, v12;
	v0 =	vadd.f32 v0, v2;
	v2 =	vmul.f32 v6, v20;
	v4 =	vmul.f32 v19, v23  }
0xc7: {  	v1 =	vsub.f32 $1.500000000e+00, v1;
	v5 =	vadd.f32 v5, v7;
	(xrf2) =	vadd.scan.msk.f32 $0xffff, v10  }
0xc8: {  	(xrf2) =	vadd.scan.msk.f32 $0xffff, v0;
	v0 =	vsub.f32 $1.500000000e+00, v2;
	v2 =	vmul.f32 v4, v19;
	v4 =	vmul.f32 v11, v16  }
0xc9: {  	v6, _, _ =	vpop (xrf2);
	v3 =	vadd.f32 v3, v5;
	v5 =	vmul.f32 v58, v21  }
0xca: {  	v1 =	vmul.f32 v1, v13;
	(v2sf) =	vpush v6, $0xF;
	v4 =	vmul.f32 v4, v11  }
0xcb: {  	(xrf2) =	vadd.scan.msk.f32 $0xffff, v3;
	v3 =	vmul.f32 v5, v58;
	v5 =	vmul.f32 v9, v24  }
0xcc: {  	v7 =	vmul.f32 v1, v22;
	v6 =	vmul.f32 v8, v15;
	v4 =	vsub.f32 $1.500000000e+00, v4  }
0xcd: {  	v0 =	vmul.f32 v0, v20;
	v5 =	vmul.f32 v5, v9  }
0xce: {  	v2 =	vsub.f32 $1.500000000e+00, v2;
	v10 =	vmul.f32 v4, v11;
	v4 =	vmul.f32 v7, v1  }
0xcf: {  	v6 =	vmul.f32 v6, v8;
	v3 =	vsub.f32 $1.500000000e+00, v3;
	v5 =	vsub.f32 $1.500000000e+00, v5  }
0xd0: {  	v2 =	vmul.f32 v2, v19;
	v7 =	vmul.f32 v0, v25;
	v4 =	vsub.f32 $1.500000000e+00, v4  }
0xd1: {  	v6 =	vsub.f32 $1.500000000e+00, v6;
	v3 =	vmul.f32 v3, v58;
	v5 =	vmul.f32 v5, v9;
	v9, _, _ =	vpop (xrf2)  }
0xd2: {  	v7 =	vmul.f32 v7, v0;
	(v2sf) =	vpush v9, $0xF;
	v9 =	vmul.f32 v2, v23;
	v11, _, _ =	vpop (xrf2)  }
0xd3: {  	v6 =	vmul.f32 v6, v8;
	(v2sf) =	vpush v11, $0xF;
	v8, _, _ =	vpop (xrf2);
	v11 =	vmul.f32 v4, v1  }
0xd4: {  	s21 =	spop (v2sf);
	(v2sf) =	vpush v8, $0xF;
	v1 =	vmul.f32 v9, v2;
	v8 =	vmul.f32 v3, v21;
	v4, _, _ =	vpop (xrf2)  }
0xd5: {  	s14 =	smul.f32 $1.562500000e-02, s21;
	(v2sf) =	vpush v4, $0xF;
	v4 =	vsub.f32 $1.500000000e+00, v7  }
0xd6: {  	s10 =	spop (v2sf);
	v15 =	vmul.f32 v6, v15;
	v7, _, _ =	vpop (xrf2);
	v1 =	vsub.f32 $1.500000000e+00, v1;
	v8 =	vmul.f32 v8, v3  }
0xd7: {  	s16 =	smul.f32 $1.562500000e-02, s10;
	(v2sf) =	vpush v7, $0xF;
	v7 =	vmov s14;
	v4 =	vmul.f32 v4, v0  }
0xd8: {  	v13 =	vsub.f32 v48, v7;
	v0 =	vmul.f32 v1, v2;
	v48 =	vsub.f32 v47, v7  }
0xd9: {  	s19 =	spop (v2sf);
	v58 =	vsub.f32 v44, v7;
	v9 =	vsub.f32 v42, v7;
	v2 =	vmov s16  }
0xda: {  	v15 =	vmul.f32 v15, v6;
	v1 =	vsub.f32 $1.500000000e+00, v8;
	s20 =	smul.f32 $1.562500000e-02, s19;
	v23 =	vsub.f32 v41, v2  }
0xdb: {  	v22 =	vsub.f32 v38, v2;
	v38 =	vsub.f32 v26, v2;
	v7 =	vmul.f32 v13, v13  }
0xdc: {  	v8 =	vmul.f32 v48, v48;
	v1 =	vmul.f32 v1, v3;
	v3 =	vmov s20  }
0xdd: {  	[tilespmem:$0x1FD30] =	vst v9;
	v9 =	vmul.f32 v9, v9;
	v20 =	vsub.f32 v28, v3;
	v41 =	vsub.f32 v34, v3  }
0xde: {  	v19 =	vsub.f32 v35, v3;
	v42 =	vsub.f32 v36, v3;
	v3 =	vmul.f32 v23, v23  }
0xdf: {  	v21 =	vsub.f32 v27, v2;
	[tilespmem:$0x1FD00] =	vst v13;
	v44 =	vmul.f32 v22, v22;
	v13 =	vmul.f32 v38, v38  }
0xe0: {  	v2 =	vadd.f32 v8, v7;
	v7 =	vmul.f32 v10, v16;
	v8 =	vmul.f32 v58, v58  }
0xe1: {  	[tilespmem:$0x1FD20] =	vst v58;
	v58 =	vmul.f32 v5, v24;
	v47 =	vmul.f32 v20, v20  }
0xe2: {  	v3 =	vadd.f32 v44, v3;
	v14 =	vmul.f32 v41, v41;
	v7 =	vmul.f32 v7, v10  }
0xe3: {  	[tilespmem:$0x1FD10] =	vst v48;
	v48 =	vmul.f32 v19, v19;
	v8 =	vadd.f32 v9, v8;
	v9 =	vmul.f32 v21, v21  }
0xe4: {  	v16 =	vmul.f32 v42, v42;
	v12 =	vadd.f32 v14, v47;
	v7 =	vsub.f32 $1.500000000e+00, v7;
	s21 =	spop (v2sf)  }
0xe5: {  	v14 =	vmul.f32 v58, v5;
	v9 =	vadd.f32 v13, v9;
	v2 =	vadd.f32 v8, v2;
	s14 =	smul.f32 $1.562500000e-02, s21  }
0xe6: {  	[tilespmem:$0x1FD50] =	vst v22;
	v35 =	vsub.f32 $1.500000000e+00, v15;
	v13 =	vadd.f32 v16, v48;
	s10 =	spop (v2sf);
	v7 =	vmul.f32 v7, v10  }
0xe7: {  	v10 =	vsub.f32 $1.500000000e+00, v14;
	(xrf2) =	vadd.scan.msk.f32 $0xffff, v2;
	v2 =	vadd.f32 v9, v3;
	s21 =	smul.f32 $1.562500000e-02, s10;
	v34 =	vmov s14  }
0xe8: {  	[tilespmem:$0x1FD80] =	vst v20;
	v12 =	vadd.f32 v13, v12;
	v22 =	vsub.f32 v46, v34  }
0xe9: {  	[tilespmem:$0x1FDA0] =	vst v19;
	s19 =	spop (v2sf);
	v19 =	vsub.f32 v45, v34;
	v20 =	vsub.f32 v43, v34;
	v36 =	vmov s21  }
0xea: {  	[tilespmem:$0x1FD60] =	vst v21;
	v6 =	vmul.f32 v35, v6;
	s19 =	smul.f32 $1.562500000e-02, s19;
	v21 =	vsub.f32 v39, v34;
	v27 =	vsub.f32 v40, v36  }
0xeb: {  	[tilespmem:$0x1FD40] =	vst v23;
	v5 =	vmul.f32 v10, v5;
	s20 =	spop (v2sf);
	v26 =	vsub.f32 v37, v36;
	v23 =	vsub.f32 v29, v36  }
0xec: {  	[tilespmem:$0x1FD90] =	vst v41;
	v58 =	vsub.f32 v33, v36;
	v41 =	vmov s19;
	s21 =	smul.f32 $1.562500000e-02, s20;
	v39 =	vmul.f32 v22, v22  }
0xed: {  	[tilespmem:$0x1FDD0] =	vst v19;
	v19 =	vmul.f32 v19, v19;
	v36 =	vsub.f32 v17, v41;
	v35 =	vsub.f32 v31, v41  }
0xee: {  	[tilespmem:$0x1FDC0] =	vst v22;
	v34 =	vsub.f32 v30, v41;
	v25 =	vsub.f32 v18, v41;
	v18 =	vmov s21  }
0xef: {  	s10 =	spop (v2sf);
	v17 =	vmul.f32 v11, v50;
	[tilespmem:$0x1FDE0] =	vst v20;
	v20 =	vmul.f32 v20, v20;
	v28 =	vsub.f32 v61, v18  }
0xf0: {  	s16 =	smul.f32 $1.562500000e-02, s10;
	[tilespmem:$0x1FDF0] =	vst v21;
	v21 =	vmul.f32 v21, v21;
	v22 =	vsub.f32 v62, v18;
	v31 =	vsub.f32 v63, v18  }
0xf1: {  	[tilespmem:$0x1FD70] =	vst v38;
	v24 =	vmul.f32 v35, v35;
	v50 =	vsub.f32 v60, v18;
	v18 =	vmul.f32 v34, v34  }
0xf2: {  	v38 =	vmov s16;
	[tilespmem:$0x1FE00] =	vst v25;
	v25 =	vmul.f32 v25, v25;
	v63 =	vmovc v22;
	v22 =	vmul.f32 v36, v36  }
0xf3: {  	[tilespmem:$0x1FE20] =	vst v26;
	v26 =	vmul.f32 v26, v26;
	v8 =	vadd.f32 v19, v39;
	v10 =	vadd.f32 $9.999999960e-13, v38  }
0xf4: {  	v18 =	vadd.f32 v25, v18;
	v25 =	vmul.f32 v23, v23;
	v22 =	vadd.f32 v24, v22  }
0xf5: {  	v44 =	vld [tilespmem:$0x1FE80];
	v20 =	vadd.f32 v21, v20;
	v29 =	vmul.f32 v28, v28;
	v10 =	vbroadcast v10, $0x0  }
0xf6: {  	[tilespmem:$0x1FDB0] =	vst v42;
	v47 =	vld [tilespmem:$0x1FEC0];
	v3 =	vmul.f32 v31, v31;
	v9 =	vmul.f32 v50, v50;
	v43 =	vadd.f32 v18, v22  }
0xf7: {  	[tilespmem:$0x1FE10] =	vst v27;
	v8 =	vadd.f32 v20, v8;
	v40 =	vshrl.u32 v10, $0x1;
	v10 =	vmul.f32 $5.000000000e-01, v10;
	v22 =	vld [tilespmem:$0x1FE60]  }
0xf8: {  	v20 =	vld [tilespmem:$0x1FED0];
	v24 =	vmul.f32 v27, v27;
	v27 =	vmul.f32 v58, v58;
	v14 =	vsub.s32 $0x5F3759DF, v40;
	(xrf2) =	vadd.scan.msk.f32 $0xffff, v43  }
0xf9: {  	v30 =	vmul.f32 v63, v63;
	v3 =	vadd.f32 v9, v3;
	v9 =	vld [tilespmem:$0x1FEA0];
	v42 =	vmul.f32 v14, v10;
	(xrf2) =	vadd.scan.msk.f32 $0xffff, v2  }
0xfa: {  	v21 =	vadd.f32 v26, v24;
	v24 =	vadd.f32 v27, v25;
	v18 =	vld [tilespmem:$0x1FE50];
	(xrf2) =	vadd.scan.msk.f32 $0xffff, v12  }
0xfb: {  	v25 =	vadd.f32 v30, v29;
	v15 =	vmul.f32 v14, v42;
	(xrf2) =	vadd.scan.msk.f32 $0xffff, v8;
	v8 =	vld [tilespmem:$0x1FEB0]  }
0xfc: {  	v2 =	vadd.f32 v24, v21;
	v37 =	vmul.f32 v4, v22;
	v22 =	vld [tilespmem:$0x1FE90]  }
0xfd: {  	v3 =	vadd.f32 v3, v25;
	v21 =	vld [tilespmem:$0x1FF10];
	v15 =	vsub.f32 $1.500000000e+00, v15  }
0xfe: {  	v13 =	vmul.f32 v4, v44;
	v9 =	vmul.f32 v0, v9;
	(xrf2) =	vadd.scan.msk.f32 $0xffff, v2;
	v2 =	vld [tilespmem:$0x1FEE0]  }
0xff: {  	v14 =	vmul.f32 v14, v15;
	v15 =	vmul.f32 v0, v47;
	(xrf2) =	vadd.scan.msk.f32 $0xffff, v3;
	v3 =	vld [tilespmem:$0x1FEF0]  }
0x100: {  	v8 =	vmul.f32 v0, v8;
	v0 =	vmul.f32 v0, v20;
	v20 =	vld [tilespmem:$0x1FF00]  }
0x101: {  	v18 =	vmul.f32 v4, v18;
	v4 =	vmul.f32 v4, v22;
	v22 =	vld [tilespmem:$0x1FF40];
	_ =	sdelay $0x1  }
0x102: {  	v16 =	vmul.f32 v11, v51;
	v45 =	vmul.f32 v14, v10  }
0x103: {  	v48 =	vld [tilespmem:$0x1FF20];
	v2 =	vmul.f32 v1, v2;
	v3 =	vmul.f32 v1, v3  }
0x104: {  	v20 =	vmul.f32 v1, v20;
	v1 =	vmul.f32 v1, v21;
	v21 =	vld [tilespmem:$0x1FF30]  }
0x105: {  	v46 =	vmul.f32 v45, v14;
	v51 =	vmul.f32 v7, v22;
	v22 =	vld [tilespmem:$0x1FF50];
	_ =	sdelay $0x1  }
0x106: {  	v12 =	vsub.f32 $1.500000000e+00, v46;
	_ =	sdelay $0x1  }
0x107: {  	[tilespmem:$0x1FE30] =	vst v23;
	v23 =	vld [tilespmem:$0x1FF80];
	v12 =	vmul.f32 v12, v14;
	v14 =	vmul.f32 v7, v48  }
0x108: {  	v21 =	vmul.f32 v7, v21;
	v7 =	vmul.f32 v7, v22;
	v22 =	vld [tilespmem:$0x1FF60];
	_ =	sdelay $0x2  }
0x109: {  	v19 =	vmul.f32 v11, v52;
	v25 =	vld [tilespmem:$0xC9B0]  }
0x10a: {  	v11 =	vmul.f32 v11, v53;
	v53 =	vmul.f32 v5, v23;
	v23 =	vld [tilespmem:$0x1FF90]  }
0x10b: {  	v24 =	vld [tilespmem:$0xC9A0];
	v52 =	vmul.f32 v5, v22;
	v22, _, _ =	vpop (xrf2)  }
0x10c: {  	v54 =	vmul.f32 v6, v54;
	(v2sf) =	vpush v22, $0xF;
	v22 =	vld [tilespmem:$0x1FF70]  }
0x10d: {  	v56 =	vmul.f32 v6, v56;
	v60 =	vmul.f32 v6, v55  }
0x10e: {  	v17 =	vmul.f32 v17, v25;
	v10 =	vmul.f32 v12, v10  }
0x10f: {  	v62 =	vld [tilespmem:$0x1FFB0];
	v37 =	vmul.f32 v37, v25;
	v41 =	vmul.f32 v56, v25;
	v26, _, _ =	vpop (xrf2)  }
0x110: {  	v16 =	vmul.f32 v16, v24;
	v10 =	vmul.f32 v10, v12;
	(v2sf) =	vpush v26, $0xF;
	v26 =	vld [tilespmem:$0xC9C0]  }
0x111: {  	v40 =	vmul.f32 v5, v22;
	v5 =	vmul.f32 v5, v23;
	v23 =	vld [tilespmem:$0x1FFA0]  }
0x112: {  	v18 =	vmul.f32 v18, v24;
	v9 =	vmul.f32 v9, v24;
	v10 =	vsub.f32 $1.500000000e+00, v10;
	v27, _, _ =	vpop (xrf2);
	v22 =	vld [tilespmem:$0xC9D0]  }
0x113: {  	v42 =	vmul.f32 v54, v24;
	v8 =	vmul.f32 v8, v25;
	(v2sf) =	vpush v27, $0xF;
	v27 =	vld [tilespmem:$0xCA10];
	v29, _, _ =	vpop (xrf2)  }
0x114: {  	v2 =	vmul.f32 v2, v24;
	v10 =	vmul.f32 v10, v12;
	(v2sf) =	vpush v29, $0xF;
	v29 =	vld [tilespmem:$0xC9E0];
	v30, _, _ =	vpop (xrf2)  }
0x115: {  	v3 =	vmul.f32 v3, v25;
	v14 =	vmul.f32 v14, v24;
	(v2sf) =	vpush v30, $0xF;
	v30 =	vld [tilespmem:$0xC9F0];
	v61, _, _ =	vpop (xrf2)  }
0x116: {  	[tilespmem:$0x1FE70] =	vst v31;
	v56 =	vmul.f32 v10, v49;
	(v2sf) =	vpush v61, $0xF;
	v31, _, _ =	vpop (xrf2);
	v6 =	vmul.f32 v6, v23;
	v23 =	vld [tilespmem:$0x1FFC0]  }
0x117: {  	v21 =	vmul.f32 v21, v25;
	(v2sf) =	vpush v31, $0xF;
	v31 =	vld [tilespmem:$0xCA00];
	v12 =	vmul.f32 v62, v22  }
0x118: {  	v52 =	vmul.f32 v52, v24;
	v45 =	vmul.f32 v56, v24  }
0x119: {  	v19 =	vmul.f32 v19, v26;
	v13 =	vmul.f32 v13, v26;
	v12 =	vadd.f32 v12, v27  }
0x11a: {  	s14 =	simm.s32 $0x66A0;
	[tilespmem:$0x1FE40] =	vst v28;
	v15 =	vmul.f32 v15, v26;
	v20 =	vmul.f32 v20, v26;
	v16 =	vadd.f32 v16, v29  }
0x11b: {  	v17 =	vadd.f32 v17, v30;
	v11 =	vmul.f32 v11, v22;
	v33 =	vmul.f32 v23, v24;
	v23 =	vld [tilespmem:$0x1FFD0];
	[tilespmem:s14+$0xF0] =	vst v12  }
0x11c: {  	v38 =	vmul.f32 v51, v26;
	v18 =	vadd.f32 v18, v29;
	v19 =	vadd.f32 v19, v31;
	[tilespmem:s14+$0xFFFFFF00] =	vst v16  }
0x11d: {  	v53 =	vmul.f32 v53, v26;
	v9 =	vadd.f32 v9, v29;
	v11 =	vadd.f32 v11, v27;
	[tilespmem:s14+$0xFFFFFF10] =	vst v17  }
0x11e: {  	v39 =	vmul.f32 v60, v26;
	v2 =	vadd.f32 v2, v29;
	v14 =	vadd.f32 v14, v29;
	[tilespmem:s14+$0xFFFFFF20] =	vst v19  }
0x11f: {  	v37 =	vadd.f32 v37, v30;
	v8 =	vadd.f32 v8, v30;
	v4 =	vmul.f32 v4, v22;
	[tilespmem:s14+$0xFFFFFF30] =	vst v11  }
0x120: {  	v3 =	vadd.f32 v3, v30;
	v0 =	vmul.f32 v0, v22;
	v51 =	vadd.f32 v13, v31;
	[tilespmem:s14+$0xFFFFFF40] =	vst v18  }
0x121: {  	v1 =	vmul.f32 v1, v22;
	v15 =	vadd.f32 v15, v31;
	v4 =	vadd.f32 v4, v27;
	s10 =	spop (v2sf);
	[tilespmem:s14+$0xFFFFFF50] =	vst v37  }
0x122: {  	v40 =	vmul.f32 v40, v25;
	v55 =	vadd.f32 v38, v31;
	[tilespmem:s14+$0xFFFFFF60] =	vst v51;
	s16 =	smul.f32 $1.562500000e-02, s10;
	v44 =	vadd.f32 v33, v29  }
0x123: {  	v7 =	vmul.f32 v7, v22;
	v0 =	vadd.f32 v0, v27;
	v1 =	vadd.f32 v1, v27;
	[tilespmem:s14+$0xFFFFFF70] =	vst v4  }
0x124: {  	s19 =	spop (v2sf);
	[tilespmem:s14+$0xC0] =	vst v44;
	v44 =	vmul.f32 v5, v22;
	v5 =	vmov s16;
	v48 =	vmul.f32 v23, v25  }
0x125: {  	v60 =	vmul.f32 v10, v32;
	v7 =	vadd.f32 v7, v27;
	[tilespmem:s14+$0xFFFFFF80] =	vst v9;
	s16 =	smul.f32 $1.562500000e-02, s19;
	v5 =	vadd.f32 $9.999999960e-13, v5  }
0x126: {  	v38 =	vmul.f32 v6, v22;
	v6 =	vadd.f32 v40, v30;
	[tilespmem:s14+$0xFFFFFF90] =	vst v8;
	v46 =	vadd.f32 v48, v30  }
0x127: {  	v11 =	vadd.f32 v20, v31;
	[tilespmem:s14+$0xFFFFFFA0] =	vst v15;
	v9 =	vmov s16;
	v5 =	vbroadcast v5, $0x0  }
0x128: {  	v13 =	vmul.f32 v60, v22;
	v4 =	vadd.f32 v52, v29;
	s20 =	spop (v2sf);
	v8 =	vadd.f32 $9.999999960e-13, v9;
	[tilespmem:s14+$0xD0] =	vst v46  }
0x129: {  	v19 =	vmul.f32 v10, v57;
	s16 =	smul.f32 $1.562500000e-02, s20;
	v54 =	vshrl.u32 v5, $0x1;
	v43 =	vmul.f32 $5.000000000e-01, v5;
	v9 =	vld [tilespmem:$0x1FFE0];
	[tilespmem:s14+$0xFFFFFFB0] =	vst v0  }
0x12a: {  	v20 =	vmul.f32 v10, v59;
	v16 =	vsub.s32 $0x5F3759DF, v54;
	v0 =	vbroadcast v8, $0x0;
	[tilespmem:$0x1FFF0] =	vst v22  }
0x12b: {  	v40 =	vmul.f32 v19, v25;
	s21 =	spop (v2sf);
	v8 =	vmov s16;
	v18 =	vmul.f32 v16, v43;
	[tilespmem:s14+$0xFFFFFFC0] =	vst v2  }
0x12c: {  	s16 =	smul.f32 $1.562500000e-02, s21;
	v2 =	vadd.f32 $9.999999960e-13, v8;
	[tilespmem:s14+$0xFFFFFFD0] =	vst v3;
	v3 =	vshrl.u32 v0, $0x1;
	v46 =	vmul.f32 $5.000000000e-01, v0  }
0x12d: {  	s10 =	spop (v2sf);
	v5 =	vadd.f32 v21, v30;
	v10 =	vmul.f32 v16, v18;
	v0 =	vsub.s32 $0x5F3759DF, v3  }
0x12e: {  	[tilespmem:s14+$0xFFFFFFF0] =	vst v1;
	v3 =	vmov s16;
	s16 =	smul.f32 $1.562500000e-02, s10;
	v2 =	vbroadcast v2, $0x0;
	v1 =	vmul.f32 v0, v46  }
0x12f: {  	[tilespmem:s14+$0xFFFFFFE0] =	vst v11;
	v3 =	vadd.f32 $9.999999960e-13, v3;
	v37 =	vmul.f32 v9, v26;
	v9 =	vadd.f32 v53, v31  }
0x130: {  	[tilespmem:s14+$0x10] =	vst v5;
	v10 =	vsub.f32 $1.500000000e+00, v10;
	v5 =	vmov s16;
	v11 =	vshrl.u32 v2, $0x1  }
0x131: {  	v51 =	vmul.f32 $5.000000000e-01, v2;
	v3 =	vbroadcast v3, $0x0;
	v5 =	vadd.f32 $9.999999960e-13, v5  }
0x132: {  	s19 =	spop (v2sf);
	[tilespmem:s14+$0x0] =	vst v14;
	v48 =	vmul.f32 v16, v10;
	v2 =	vsub.s32 $0x5F3759DF, v11;
	v11 =	vmul.f32 v0, v1  }
0x133: {  	[tilespmem:s14+$0x30] =	vst v7;
	s16 =	smul.f32 $1.562500000e-02, s19;
	v10 =	vadd.f32 v13, v27;
	v61 =	vmul.f32 v2, v51;
	v52 =	vmul.f32 $5.000000000e-01, v3  }
0x134: {  	s20 =	spop (v2sf);
	[tilespmem:s14+$0x40] =	vst v4;
	v7 =	vshrl.u32 v3, $0x1;
	v4 =	vbroadcast v5, $0x0;
	v8 =	vmul.f32 v48, v43  }
0x135: {  	s21 =	smul.f32 $1.562500000e-02, s20;
	[tilespmem:s14+$0x50] =	vst v6;
	v3 =	vsub.s32 $0x5F3759DF, v7;
	v7 =	vmov s16;
	v5 =	vmul.f32 v2, v61  }
0x136: {  	[tilespmem:s14+$0x60] =	vst v9;
	s16 =	simm.s32 $0x68A0;
	v6 =	vmul.f32 v3, v52;
	v62 =	vadd.f32 $9.999999960e-13, v7;
	v9 =	vshrl.u32 v4, $0x1  }
0x137: {  	v7 =	vmul.f32 $5.000000000e-01, v4;
	[tilespmem:s16+$0xF0] =	vst v10;
	v10 =	vmov s21;
	v1 =	vmul.f32 v8, v48  }
0x138: {  	s20 =	simm.s32 $0x6A0;
	[tilespmem:s14+$0x20] =	vst v55;
	s19 =	simm.s32 $0x8;
	v8 =	vsub.f32 $1.500000000e+00, v11;
	v4 =	vsub.s32 $0x5F3759DF, v9;
	v9 =	vbroadcast v62, $0x0  }
.LBB2_3:
0x139: {  	v53 =	vld [tilespmem:s20+$0xC0];
	v12 =	vadd.f32 $9.999999960e-13, v10;
	v11 =	vmul.f32 v3, v6  }
0x13a: {  	v60 =	vld [tilespmem:s20+$0xD0];
	v6 =	vmul.f32 v4, v7;
	v13 =	vshrl.u32 v9, $0x1;
	v10 =	vmul.f32 $5.000000000e-01, v9  }
0x13b: {  	v61 =	vld [tilespmem:s20+$0xE0];
	v15 =	vmul.f32 v0, v8;
	v13 =	vsub.s32 $0x5F3759DF, v13;
	v12 =	vbroadcast v12, $0x0  }
0x13c: {  	v5 =	vsub.f32 $1.500000000e+00, v5;
	v9 =	vmul.f32 v4, v6;
	v6 =	vld [tilespmem:s20+$0xF0];
	v8 =	vmul.f32 v13, v10  }
0x13d: {  	v14 =	vmul.f32 v15, v46;
	v0 =	vsub.f32 $1.500000000e+00, v11  }
0x13e: {  	v5 =	vmul.f32 v2, v5;
	v11 =	vshrl.u32 v12, $0x1;
	v2 =	vmul.f32 v13, v8  }
0x13f: {  	[tilespmem:$0x1FCF0] =	vst v20;
	v47 =	vld [tilespmem:s20+$0xFFFFFF10];
	v20 =	vmul.f32 $5.000000000e-01, v12;
	v9 =	vsub.f32 $1.500000000e+00, v9;
	v8 =	vsub.s32 $0x5F3759DF, v11  }
0x140: {  	v56 =	vld [tilespmem:s20+$0xFFFFFF40];
	v11 =	vsub.f32 $1.500000000e+00, v1;
	v17 =	vmul.f32 v3, v0;
	v1 =	vsub.f32 $1.500000000e+00, v2  }
0x141: {  	v57 =	vld [tilespmem:s20+$0xFFFFFF50];
	v0 =	vmul.f32 v8, v20;
	v2 =	vadd.f32 v60, v53;
	v3 =	vadd.f32 v6, v61  }
0x142: {  	[tilespmem:$0x1FCC0] =	vst v58;
	v58 =	vld [tilespmem:s20+$0xFFFFFF80];
	v14 =	vmul.f32 v14, v15  }
0x143: {  	v18 =	vmul.f32 v4, v9;
	v4 =	vmul.f32 v8, v0;
	v0 =	vld [tilespmem:s20+$0xFFFFFF60];
	v2 =	vadd.f32 v3, v2  }
0x144: {  	v38 =	vadd.f32 v38, v27;
	v16 =	vadd.f32 v44, v27;
	v13 =	vmul.f32 v13, v1;
	v1 =	vld [tilespmem:s20+$0xFFFFFF70]  }
0x145: {  	v59 =	vsub.f32 $1.500000000e+00, v14;
	v14 =	vld [tilespmem:s20+$0xFFFFFFE0];
	v9 =	vmul.f32 v5, v51;
	v4 =	vsub.f32 $1.500000000e+00, v4;
	(xrf2) =	vadd.scan.msk.f32 $0xffff, v2  }
0x146: {  	v39 =	vadd.f32 v39, v31;
	v19 =	vmul.f32 v17, v52;
	v21 =	vmul.f32 v18, v7;
	v3 =	vld [tilespmem:s20+$0xFFFFFF90]  }
0x147: {  	[tilespmem:s14+$0x70] =	vst v16;
	v16 =	vadd.f32 v57, v56;
	v9 =	vmul.f32 v9, v5;
	v44 =	vmul.f32 v8, v4;
	v8 =	vld [tilespmem:s20+$0xFFFFFFA0]  }
0x148: {  	v19 =	vmul.f32 v19, v17;
	v32 =	vmul.f32 v13, v10;
	v4 =	vadd.f32 v42, v29;
	v2 =	vld [tilespmem:s20+$0xFFFFFFB0]  }
0x149: {  	[tilespmem:$0x1FCD0] =	vst v63;
	v63 =	vmul.f32 v21, v18;
	v55 =	vsub.f32 $1.500000000e+00, v9;
	v9 =	vld [tilespmem:s20+$0xFFFFFFD0];
	v54 =	vadd.f32 v1, v0  }
0x14a: {  	v48 =	vmul.f32 v11, v48;
	v19 =	vsub.f32 $1.500000000e+00, v19;
	v32 =	vmul.f32 v32, v13;
	[tilespmem:s14+$0x80] =	vst v4;
	v4 =	vld [tilespmem:s20+$0xFFFFFFC0]  }
0x14b: {  	v15 =	vmul.f32 v59, v15;
	v62 =	vsub.f32 $1.500000000e+00, v63;
	v54 =	vadd.f32 v54, v16;
	v16 =	vld [tilespmem:s20+$0xFFFFFFF0]  }
0x14c: {  	v49 =	vld [tilespmem:s20+$0xFFFFFF20];
	v55 =	vmul.f32 v55, v5;
	v23 =	vmul.f32 v19, v17;
	v11 =	vsub.f32 $1.500000000e+00, v32  }
0x14d: {  	[tilespmem:$0x1FCE0] =	vst v50;
	v50 =	vld [tilespmem:s20+$0xFFFFFF30];
	v21 =	vmul.f32 v44, v20;
	v63 =	vadd.f32 v3, v58;
	v32 =	vadd.f32 v2, v8  }
0x14e: {  	v59 =	vld [tilespmem:s20+$0x10];
	v62 =	vmul.f32 v62, v18;
	v13 =	vmul.f32 v11, v13;
	v11 =	vadd.f32 v41, v30  }
0x14f: {  	v42 =	vld [tilespmem:s20+$0x0];
	v21 =	vmul.f32 v21, v44;
	(xrf2) =	vadd.scan.msk.f32 $0xffff, v54;
	v54 =	vadd.f32 v32, v63;
	v18 =	vadd.f32 v9, v4;
	v19, _, _ =	vpop (xrf2)  }
0x150: {  	v5 =	vld [tilespmem:s20+$0x20];
	v41 =	vmul.f32 v48, v43;
	v63 =	vadd.f32 v16, v14;
	(v2sf) =	vpush v19, $0xF  }
0x151: {  	[tilespmem:s14+$0xA0] =	vst v39;
	v17 =	vld [tilespmem:s20+$0x50];
	v33 =	vmul.f32 v23, v52;
	v7 =	vmul.f32 v62, v7;
	v21 =	vsub.f32 $1.500000000e+00, v21  }
0x152: {  	v32 =	vld [tilespmem:s20+$0x30];
	v10 =	vmul.f32 v13, v10;
	v39 =	vmul.f32 v41, v48;
	(xrf2) =	vadd.scan.msk.f32 $0xffff, v54;
	v54 =	vadd.f32 v63, v18  }
0x153: {  	v45 =	vadd.f32 v45, v29;
	[tilespmem:s14+$0x90] =	vst v11;
	v11 =	vld [tilespmem:s20+$0x40];
	v44 =	vmul.f32 v21, v44;
	v21 =	vmul.f32 v15, v46  }
0x154: {  	v40 =	vadd.f32 v40, v30;
	v46 =	vmul.f32 v55, v51;
	v51 =	vmul.f32 v7, v62;
	v18 =	vld [tilespmem:s20+$0x60];
	(xrf2) =	vadd.scan.msk.f32 $0xffff, v54  }
0x155: {  	[tilespmem:s14+$0xB0] =	vst v38;
	v12 =	vadd.f32 v50, v49;
	v10 =	vmul.f32 v10, v13;
	v21 =	vmul.f32 v21, v15;
	v19 =	vld [tilespmem:s20+$0x70]  }
0x156: {  	v38 =	vld [tilespmem:s20+$0x80];
	v39 =	vsub.f32 $1.500000000e+00, v39;
	v20 =	vmul.f32 v44, v20;
	v41 =	vmul.f32 v46, v55  }
0x157: {  	v7 =	vld [tilespmem:s20+$0xB0];
	v46 =	vmul.f32 v33, v23;
	v63 =	vadd.f32 v59, v42;
	v10 =	vsub.f32 $1.500000000e+00, v10  }
0x158: {  	v22 =	vadd.f32 v32, v5;
	v21 =	vsub.f32 $1.500000000e+00, v21;
	v52 =	vmul.f32 v20, v44;
	v20 =	vld [tilespmem:s20+$0xFFFFFF00]  }
0x159: {  	[tilespmem:s16+$0xC0] =	vst v45;
	v48 =	vmul.f32 v39, v48;
	v45 =	vadd.f32 v17, v11;
	v39 =	vsub.f32 $1.500000000e+00, v46;
	v54 =	vld [tilespmem:s20+$0x90]  }
0x15a: {  	v43 =	vadd.f32 v22, v63;
	v22 =	vld [tilespmem:$0x1FE00];
	v28 =	vadd.f32 v19, v18  }
0x15b: {  	v63 =	vld [tilespmem:s20+$0xA0];
	v15 =	vmul.f32 v21, v15;
	v21 =	vsub.f32 $1.500000000e+00, v41;
	v41 =	vsub.f32 $1.500000000e+00, v51  }
0x15c: {  	v46 =	vsub.f32 $1.500000000e+00, v52;
	v52 =	vld [tilespmem:$0x1FD20];
	v33, _, _ =	vpop (xrf2);
	v28 =	vadd.f32 v28, v45  }
0x15d: {  	v23 =	vmul.f32 v39, v23;
	(xrf2) =	vadd.scan.msk.f32 $0xffff, v43;
	v39 =	vmul.f32 v15, v36;
	v36 =	vld [tilespmem:$0x1FD00];
	(v2sf) =	vpush v33, $0xF;
	v51, _, _ =	vpop (xrf2)  }
0x15e: {  	v33 =	vmul.f32 v21, v55;
	(xrf2) =	vadd.scan.msk.f32 $0xffff, v28;
	v28 =	vmul.f32 v41, v62;
	(v2sf) =	vpush v51, $0xF;
	v51 =	vld [tilespmem:$0x1FD10];
	v62, _, _ =	vpop (xrf2)  }
0x15f: {  	v55 =	vadd.f32 v47, v20;
	(v2sf) =	vpush v62, $0xF;
	v62 =	vmul.f32 v15, v22;
	v22 =	vld [tilespmem:$0x1FD30];
	s21 =	spop (v2sf)  }
0x160: {  	v43 =	vadd.f32 v54, v38;
	v45 =	vadd.f32 v7, v63;
	s21 =	smul.f32 $1.562500000e-02, s21  }
0x161: {  	v21 =	vmul.f32 v10, v13;
	v10 =	vmul.f32 v46, v44;
	v12 =	vadd.f32 v12, v55  }
0x162: {  	v55 =	vmul.f32 v15, v34;
	v13 =	vadd.f32 v45, v43;
	v34 =	vmov s21  }
0x163: {  	[tilespmem:s16+$0xD0] =	vst v40;
	v43 =	vmul.f32 v48, v36;
	v44 =	vmul.f32 v48, v51;
	v40 =	vsub.f32 v60, v34;
	v60 =	vld [tilespmem:$0x1FD50]  }
0x164: {  	v51 =	vmul.f32 v48, v52;
	v52 =	vmul.f32 v48, v22;
	v48 =	vsub.f32 v6, v34;
	v6 =	vld [tilespmem:$0x1FD60]  }
0x165: {  	v22 =	vld [tilespmem:$0x1FD40]  }
0x166: {  	v46 =	vsub.f32 v61, v34;
	v61 =	vld [tilespmem:$0x1FD70]  }
0x167: {  	v41 =	vmul.f32 v15, v35;
	v45 =	vsub.f32 v53, v34  }
0x168: {  	v15 =	vmul.f32 v40, v40;
	v53 =	vmul.f32 v33, v60  }
0x169: {  	(xrf2) =	vadd.scan.msk.f32 $0xffff, v12;
	v12 =	vadd.f32 v37, v31;
	v60 =	vmul.f32 v33, v6;
	v6 =	vmul.f32 v45, v45;
	_ =	sdelay $0x1  }
0x16a: {  	[tilespmem:s14+$0xE0] =	vst v12;
	v37 =	vmul.f32 v33, v22;
	v12 =	vmul.f32 v33, v61;
	v33 =	vadd.f32 v15, v6;
	v6 =	vld [tilespmem:$0x1FD90];
	_ =	sdelay $0x4  }
0x16b: {  	v61 =	vmul.f32 v23, v6;
	v6 =	vld [tilespmem:$0x1FDA0]  }
0x16c: {  	v35, _, _ =	vpop (xrf2)  }
0x16d: {  	(v2sf) =	vpush v35, $0xF;
	v36, _, _ =	vpop (xrf2)  }
0x16e: {  	(xrf2) =	vadd.scan.msk.f32 $0xffff, v13;
	s10 =	spop (v2sf);
	(v2sf) =	vpush v36, $0xF;
	v36 =	vld [tilespmem:$0x1FD80]  }
0x16f: {  	v34 =	vmul.f32 v46, v46;
	v35 =	vmul.f32 v48, v48;
	s21 =	smul.f32 $1.562500000e-02, s10;
	v22 =	vld [tilespmem:$0x1FDC0]  }
0x170: {  	v15 =	vmul.f32 v23, v6;
	v6 =	vld [tilespmem:$0x1FDB0]  }
0x171: {  	v34 =	vadd.f32 v35, v34;
	v35 =	vmov s21;
	s10 =	spop (v2sf)  }
0x172: {  	v57 =	vsub.f32 v57, v35;
	s21 =	smul.f32 $1.562500000e-02, s10  }
0x173: {  	v1 =	vsub.f32 v1, v35;
	v13 =	vmul.f32 v23, v36;
	v36 =	vsub.f32 v56, v35  }
0x174: {  	[tilespmem:$0x1FD10] =	vst v57;
	v56 =	vmul.f32 v28, v22;
	v22 =	vsub.f32 v0, v35;
	v35 =	vmov s21  }
0x175: {  	[tilespmem:$0x1FD00] =	vst v36;
	s10 =	spop (v2sf);
	v58 =	vsub.f32 v58, v35;
	v6 =	vmul.f32 v23, v6;
	v23 =	vadd.f32 v34, v33;
	v33, _, _ =	vpop (xrf2)  }
0x176: {  	s21 =	smul.f32 $1.562500000e-02, s10;
	[tilespmem:$0x1FD20] =	vst v22;
	v34 =	vmul.f32 v36, v36;
	v36 =	vmul.f32 v1, v1;
	(v2sf) =	vpush v33, $0xF  }
0x177: {  	v33 =	vmul.f32 v22, v22;
	v22 =	vsub.f32 v8, v35;
	(xrf2) =	vadd.scan.msk.f32 $0xffff, v23;
	v23 =	vmul.f32 v57, v57  }
0x178: {  	[tilespmem:$0x1FD30] =	vst v1;
	v0 =	vld [tilespmem:$0x1FDD0];
	v1, _, _ =	vpop (xrf2);
	v57 =	vsub.f32 v3, v35;
	v35 =	vsub.f32 v2, v35;
	v2 =	vmov s21  }
0x179: {  	[tilespmem:$0x1FD40] =	vst v58;
	(v2sf) =	vpush v1, $0xF;
	v3 =	vmul.f32 v58, v58;
	v4 =	vsub.f32 v4, v2  }
0x17a: {  	v1 =	vld [tilespmem:$0x1FDE0];
	[tilespmem:$0x1FD60] =	vst v22;
	v58 =	vsub.f32 v14, v2;
	v8 =	vmul.f32 v57, v57;
	v23 =	vadd.f32 v23, v34  }
0x17b: {  	[tilespmem:$0x1FD50] =	vst v57;
	v34 =	vmul.f32 v22, v22;
	v22 =	vsub.f32 v9, v2;
	v57 =	vsub.f32 v16, v2;
	v2 =	vld [tilespmem:$0x1FDF0]  }
0x17c: {  	v37 =	vmul.f32 v37, v24;
	v13 =	vmul.f32 v13, v24  }
0x17d: {  	v0 =	vmul.f32 v28, v0;
	[tilespmem:$0x1FD70] =	vst v35;
	v35 =	vmul.f32 v35, v35;
	v9 =	vadd.f32 v36, v33  }
0x17e: {  	v36 =	vmul.f32 v4, v4;
	[tilespmem:$0x1FDA0] =	vst v58;
	v58 =	vmul.f32 v58, v58;
	v8 =	vadd.f32 v8, v3;
	v3 =	vld [tilespmem:$0x1FE10]  }
0x17f: {  	s10 =	spop (v2sf);
	v14 =	vmul.f32 v22, v22;
	v33 =	vadd.f32 v35, v34;
	v1 =	vmul.f32 v28, v1  }
0x180: {  	s21 =	smul.f32 $1.562500000e-02, s10;
	v9 =	vadd.f32 v9, v23;
	v2 =	vmul.f32 v28, v2;
	v28 =	vmul.f32 v57, v57  }
0x181: {  	v0 =	vmul.f32 v0, v25;
	s10 =	spop (v2sf);
	[tilespmem:$0x1FD80] =	vst v4;
	v14 =	vadd.f32 v14, v36;
	v8 =	vadd.f32 v33, v8;
	v4, _, _ =	vpop (xrf2)  }
0x182: {  	s10 =	smul.f32 $1.562500000e-02, s10;
	[tilespmem:$0x1FD90] =	vst v22;
	v16 =	vadd.f32 v28, v58;
	v28 =	vmov s21;
	(v2sf) =	vpush v4, $0xF  }
0x183: {  	[tilespmem:$0x1FDB0] =	vst v57;
	v3 =	vmul.f32 v21, v3;
	v57 =	vsub.f32 v42, v28;
	v58 =	vsub.f32 v59, v28  }
0x184: {  	v22 =	vsub.f32 v5, v28;
	v59 =	vsub.f32 v32, v28;
	v5 =	vmov s10;
	(xrf2) =	vadd.scan.msk.f32 $0xffff, v9  }
0x185: {  	v9 =	vld [tilespmem:$0x1FE30];
	v42 =	vsub.f32 v11, v5;
	[tilespmem:$0x1FDC0] =	vst v57;
	v28 =	vmul.f32 v57, v57;
	v57 =	vsub.f32 v17, v5  }
0x186: {  	v4 =	vld [tilespmem:$0x1FE20];
	[tilespmem:$0x1FDD0] =	vst v58;
	v11 =	vmul.f32 v58, v58;
	v17 =	vsub.f32 v18, v5;
	v18 =	vmul.f32 v22, v22;
	s21 =	spop (v2sf)  }
0x187: {  	v5 =	vsub.f32 v19, v5;
	[tilespmem:$0x1FDE0] =	vst v22;
	v19 =	vmul.f32 v59, v59;
	v58 =	vld [tilespmem:$0x1FCC0];
	v23 =	vmul.f32 v42, v42;
	s10 =	smul.f32 $1.562500000e-02, s21  }
0x188: {  	[tilespmem:$0x1FE10] =	vst v42;
	v11 =	vadd.f32 v11, v28;
	v28 =	vmul.f32 v57, v57;
	v42 =	vmul.f32 v17, v17  }
0x189: {  	[tilespmem:$0x1FE20] =	vst v57;
	v57 =	vmul.f32 v5, v5;
	v18 =	vadd.f32 v19, v18;
	v32 =	vmov s10  }
0x18a: {  	[tilespmem:$0x1FDF0] =	vst v59;
	s21 =	spop (v2sf);
	v9 =	vmul.f32 v21, v9;
	v19 =	vadd.f32 v28, v23;
	v36 =	vsub.f32 v20, v32  }
0x18b: {  	v4 =	vmul.f32 v21, v4;
	s10 =	smul.f32 $1.562500000e-02, s21;
	v35 =	vsub.f32 v47, v32;
	v20 =	vmovc v17;
	v34 =	vsub.f32 v49, v32  }
0x18c: {  	v22 =	vsub.f32 v50, v32;
	v17 =	vmul.f32 v21, v58;
	v58 =	vmovc v5;
	v5 =	vmul.f32 v36, v36  }
0x18d: {  	[tilespmem:$0x1FE30] =	vst v20;
	v21 =	vmov s10;
	v20 =	vmul.f32 v35, v35;
	v59 =	vmul.f32 v34, v34  }
0x18e: {  	v47 =	vsub.f32 v54, v21;
	v54 =	vmul.f32 v22, v22;
	v7 =	vsub.f32 v7, v21  }
0x18f: {  	v1 =	vmul.f32 v1, v26;
	v38 =	vsub.f32 v38, v21;
	v50 =	vsub.f32 v63, v21  }
0x190: {  	v23 =	vld [tilespmem:$0x1FE40];
	v5 =	vadd.f32 v20, v5;
	v32 =	vadd.f32 v54, v59;
	v59 =	vmul.f32 v7, v7  }
0x191: {  	v14 =	vadd.f32 v16, v14;
	v20 =	vmul.f32 v38, v38;
	v21 =	vmul.f32 v47, v47;
	s21 =	spop (v2sf)  }
0x192: {  	v49 =	vmul.f32 v50, v50;
	v28 =	vmovc v38;
	v63 =	vmov v47;
	v47 =	vld [tilespmem:$0x1FE70];
	v5 =	vadd.f32 v32, v5;
	s10 =	smul.f32 $1.562500000e-02, s21  }
0x193: {  	v11 =	vadd.f32 v18, v11;
	v18 =	vmul.f32 v39, v24;
	[tilespmem:$0x1FE40] =	vst v28;
	v20 =	vadd.f32 v21, v20;
	v21 =	vld [tilespmem:$0x1FCD0]  }
0x194: {  	v28 =	vadd.f32 v57, v42;
	v57 =	vadd.f32 v59, v49;
	v59, _, _ =	vpop (xrf2);
	(xrf2) =	vadd.scan.msk.f32 $0xffff, v5;
	v5 =	vld [tilespmem:$0x1FCE0];
	v49 =	vmov s10  }
0x195: {  	v23 =	vmul.f32 v10, v23;
	(v2sf) =	vpush v59, $0xF;
	v16 =	vadd.f32 $9.999999960e-13, v49  }
0x196: {  	[tilespmem:$0x1FE00] =	vst v22;
	v22 =	vld [tilespmem:$0x1FFF0];
	v54 =	vmovc v50;
	v50 =	vmov v7;
	v7 =	vadd.f32 v28, v19;
	v19 =	vmul.f32 v41, v25  }
0x197: {  	v47 =	vmul.f32 v10, v47;
	(xrf2) =	vadd.scan.msk.f32 $0xffff, v8;
	v16 =	vbroadcast v16, $0x0  }
0x198: {  	v8 =	vadd.f32 v18, v29;
	v59 =	vmul.f32 v51, v26;
	v21 =	vmul.f32 v10, v21  }
0x199: {  	v5 =	vmul.f32 v10, v5;
	v28 =	vshrl.u32 v16, $0x1;
	v16 =	vmul.f32 $5.000000000e-01, v16  }
0x19a: {  	v10 =	vadd.f32 v57, v20;
	v57 =	vmul.f32 v43, v24;
	v28 =	vsub.s32 $0x5F3759DF, v28  }
0x19b: {  	v0 =	vadd.f32 v0, v30;
	(xrf2) =	vadd.scan.msk.f32 $0xffff, v14;
	v20 =	vmul.f32 v62, v22;
	v62 =	vmul.f32 v28, v16  }
0x19c: {  	[tilespmem:s16+$0xFFFFFF00] =	vst v8;
	v8 =	vmul.f32 v44, v25;
	(xrf2) =	vadd.scan.msk.f32 $0xffff, v11;
	v11 =	vadd.f32 v57, v29  }
0x19d: {  	v49 =	vadd.f32 v19, v30;
	v19 =	vmul.f32 v52, v22;
	v52 =	vmul.f32 v28, v62  }
0x19e: {  	v1 =	vadd.f32 v1, v31;
	v18 =	vmul.f32 v55, v26;
	[tilespmem:s16+$0xFFFFFF40] =	vst v11;
	v11 =	vadd.f32 v59, v31;
	v55, _, _ =	vpop (xrf2)  }
0x19f: {  	v15 =	vmul.f32 v15, v26;
	[tilespmem:$0x1FE70] =	vst v54;
	(v2sf) =	vpush v55, $0xF;
	v54 =	vsub.f32 $1.500000000e+00, v52  }
0x1a0: {  	v3 =	vmul.f32 v3, v24;
	(xrf2) =	vadd.scan.msk.f32 $0xffff, v7;
	[tilespmem:s16+$0xFFFFFF60] =	vst v11;
	v11 =	vadd.f32 v37, v29  }
0x1a1: {  	v4 =	vmul.f32 v4, v25;
	v7 =	vadd.f32 v8, v30;
	v8, _, _ =	vpop (xrf2);
	v28 =	vmul.f32 v28, v54  }
0x1a2: {  	v42 =	vmul.f32 v23, v24;
	v12 =	vmul.f32 v12, v22;
	(v2sf) =	vpush v8, $0xF;
	[tilespmem:s16+$0xFFFFFF80] =	vst v11;
	v11 =	vld [tilespmem:$0x1FCF0]  }
0x1a3: {  	v3 =	vadd.f32 v3, v29;
	v6 =	vmul.f32 v6, v22;
	(xrf2) =	vadd.scan.msk.f32 $0xffff, v10;
	v32 =	vmul.f32 v28, v16  }
0x1a4: {  	v4 =	vadd.f32 v4, v30;
	v2 =	vmul.f32 v2, v22;
	v51 =	vmul.f32 v53, v25;
	s21 =	spop (v2sf)  }
0x1a5: {  	[tilespmem:s16+$0xFFFFFF50] =	vst v7;
	v7 =	vadd.f32 v19, v27;
	v8 =	vmul.f32 v9, v26;
	v10, _, _ =	vpop (xrf2);
	s10 =	smul.f32 $1.562500000e-02, s21;
	v9 =	vmul.f32 v32, v28  }
0x1a6: {  	v18 =	vadd.f32 v18, v31;
	v38 =	vmul.f32 v5, v22;
	(v2sf) =	vpush v10, $0xF  }
0x1a7: {  	v5, _, _ =	vpop (xrf2);
	[tilespmem:s16+$0xFFFFFF70] =	vst v7;
	v37 =	vmul.f32 v11, v26;
	v11 =	vmov s10;
	v7 =	vsub.f32 $1.500000000e+00, v9  }
0x1a8: {  	v44 =	vmul.f32 v17, v22;
	(v2sf) =	vpush v5, $0xF;
	v5 =	vadd.f32 $9.999999960e-13, v11  }
0x1a9: {  	[tilespmem:s16+$0x10] =	vst v0;
	v6 =	vadd.f32 v6, v27;
	v39 =	vmul.f32 v47, v26;
	v7 =	vmul.f32 v7, v28  }
0x1aa: {  	v2 =	vadd.f32 v2, v27;
	[tilespmem:s16+$0xFFFFFF20] =	vst v18;
	v18 =	vmul.f32 v61, v25;
	v59, _, _ =	vpop (xrf2);
	v61 =	vbroadcast v5, $0x0  }
0x1ab: {  	[tilespmem:s16+$0x20] =	vst v1;
	(v2sf) =	vpush v59, $0xF;
	v9 =	vadd.f32 v51, v30;
	v11 =	vmul.f32 v7, v16  }
0x1ac: {  	[tilespmem:s16+$0x40] =	vst v3;
	v53 =	vadd.f32 v20, v27;
	v62 =	vshrl.u32 v61, $0x1;
	v43 =	vmul.f32 $5.000000000e-01, v61  }
0x1ad: {  	[tilespmem:s16+$0xFFFFFF90] =	vst v9;
	v9 =	vadd.f32 v12, v27;
	v5, _, _ =	vpop (xrf2);
	v12 =	vsub.s32 $0x5F3759DF, v62;
	v11 =	vmul.f32 v11, v7  }
0x1ae: {  	[tilespmem:s16+$0x50] =	vst v4;
	v20 =	vmul.f32 v60, v26;
	s21 =	spop (v2sf);
	(v2sf) =	vpush v5, $0xF;
	v5 =	vmul.f32 v12, v43  }
0x1af: {  	[tilespmem:s16+$0xFFFFFFF0] =	vst v6;
	v41 =	vmul.f32 v21, v25;
	v57 =	vmul.f32 v56, v24;
	v11 =	vsub.f32 $1.500000000e+00, v11  }
0x1b0: {  	[tilespmem:s16+$0x30] =	vst v2;
	v60 =	vadd.f32 v18, v30;
	v10 =	vadd.f32 v20, v31;
	s10 =	smul.f32 $1.562500000e-02, s21;
	v5 =	vmul.f32 v12, v5  }
0x1b1: {  	v0 =	vadd.f32 v8, v31;
	[tilespmem:s16+$0xFFFFFFB0] =	vst v9;
	v9 =	vadd.f32 v15, v31;
	s21 =	spop (v2sf);
	v6 =	vmul.f32 v11, v7  }
0x1b2: {  	[tilespmem:s16+$0xFFFFFFA0] =	vst v10;
	v10 =	vadd.f32 v13, v29;
	v1 =	vsub.f32 $1.500000000e+00, v5;
	v7 =	vmov s10;
	s10 =	smul.f32 $1.562500000e-02, s21  }
0x1b3: {  	[tilespmem:s16+$0xFFFFFFE0] =	vst v9;
	v7 =	vadd.f32 $9.999999960e-13, v7;
	v8 =	vmul.f32 v6, v45;
	v9 =	vmul.f32 v6, v48  }
0x1b4: {  	[tilespmem:s16+$0xFFFFFF10] =	vst v49;
	v5 =	vmul.f32 v6, v40;
	v20 =	vmul.f32 v6, v46;
	v6 =	vmov s10  }
0x1b5: {  	[tilespmem:s16+$0xFFFFFF30] =	vst v53;
	s21 =	spop (v2sf);
	v48 =	vmul.f32 v12, v1;
	v2 =	vbroadcast v7, $0x0;
	v1 =	vadd.f32 $9.999999960e-13, v6  }
0x1b6: {  	[tilespmem:s16+$0xFFFFFFC0] =	vst v10;
	v10 =	vadd.f32 v57, v29;
	s10 =	smul.f32 $1.562500000e-02, s21;
	v7 =	vmul.f32 v9, v22;
	v45 =	vmul.f32 v8, v24  }
0x1b7: {  	[tilespmem:s16+$0xFFFFFFD0] =	vst v60;
	v3 =	vshrl.u32 v2, $0x1;
	v46 =	vmul.f32 $5.000000000e-01, v2;
	v1 =	vbroadcast v1, $0x0  }
0x1b8: {  	[tilespmem:s16+$0x60] =	vst v0;
	s21 =	spop (v2sf);
	v2 =	vadd.f32 v7, v27;
	v0 =	vsub.s32 $0x5F3759DF, v3;
	v3 =	vmov s10  }
0x1b9: {  	s14 =	smov.u32 s16;
	[tilespmem:s16+$0x0] =	vst v10;
	s16 =	sadd.s32 $0x200, s16;
	v6 =	vmul.f32 v48, v43;
	v40 =	vmul.f32 v5, v25;
	s10 =	smul.f32 $1.562500000e-02, s21;
	v3 =	vadd.f32 $9.999999960e-13, v3  }
0x1ba: {  	s21 =	spop (v2sf);
	v4 =	vmul.f32 v0, v46;
	v51 =	vmul.f32 $5.000000000e-01, v1;
	[tilespmem:s16+$0xF0] =	vst v2;
	v2 =	vshrl.u32 v1, $0x1  }
0x1bb: {  	s19 =	sadd.s32 $0x8, s19;
	v1 =	vmov s10;
	s10 =	smul.f32 $1.562500000e-02, s21;
	v2 =	vsub.s32 $0x5F3759DF, v2;
	v3 =	vbroadcast v3, $0x0  }
0x1bc: {  	p1 =	slt.u32 s19, $0xC0;
	v4 =	vmul.f32 v0, v4;
	v7 =	vadd.f32 $9.999999960e-13, v1;
	v1 =	vmul.f32 v6, v48  }
.Ltmp2:
0x1bd: {  	s21 =	spop (v2sf);
	v5 =	vmul.f32 v2, v51;
	v8 =	vmov s10;
	v6 =	vshrl.u32 v3, $0x1;
	(pc) =	sbr.rel @p1 .LBB2_3-.Ltmp2, $4  }
0x1be: {  	s10 =	smul.f32 $1.562500000e-02, s21;
	v52 =	vmul.f32 $5.000000000e-01, v3;
	v7 =	vbroadcast v7, $0x0;
	v9 =	vadd.f32 $9.999999960e-13, v8  }
0x1bf: {  	v8 =	vsub.f32 $1.500000000e+00, v4;
	v3 =	vsub.s32 $0x5F3759DF, v6;
	v5 =	vmul.f32 v2, v5  }
0x1c0: {  	v10 =	vmov s10;
	v6 =	vmul.f32 v3, v52;
	v4 =	vshrl.u32 v7, $0x1  }
0x1c1: {  	s20 =	sadd.s32 $0x200, s20;
	v7 =	vmul.f32 $5.000000000e-01, v7;
	v9 =	vbroadcast v9, $0x0;
	v4 =	vsub.s32 $0x5F3759DF, v4  }
0x1c2: {  	v10 =	vadd.f32 $9.999999960e-13, v10  }
0x1c3: {  	v12 =	vshrl.u32 v9, $0x1;
	v9 =	vmul.f32 $5.000000000e-01, v9  }
0x1c4: {  	v6 =	vmul.f32 v3, v6;
	v10 =	vbroadcast v10, $0x0;
	v12 =	vsub.s32 $0x5F3759DF, v12  }
0x1c5: {  	v0 =	vmul.f32 v0, v8;
	v8 =	vmul.f32 v12, v9  }
0x1c6: {  	v5 =	vsub.f32 $1.500000000e+00, v5;
	v13 =	vshrl.u32 v10, $0x1;
	v10 =	vmul.f32 $5.000000000e-01, v10  }
0x1c7: {  	v15 =	vmul.f32 v0, v46;
	v13 =	vsub.s32 $0x5F3759DF, v13;
	v8 =	vmul.f32 v12, v8  }
0x1c8: {  	v11 =	vmul.f32 v4, v7;
	v6 =	vsub.f32 $1.500000000e+00, v6;
	v14 =	vmul.f32 v13, v10  }
0x1c9: {  	v2 =	vmul.f32 v2, v5;
	v5 =	vsub.f32 $1.500000000e+00, v8;
	v8 =	vmul.f32 v15, v0  }
0x1ca: {  	v3 =	vmul.f32 v3, v6;
	v14 =	vmul.f32 v13, v14  }
0x1cb: {  	v11 =	vmul.f32 v4, v11;
	v5 =	vmul.f32 v12, v5;
	v8 =	vsub.f32 $1.500000000e+00, v8  }
0x1cc: {  	v57 =	vmul.f32 v3, v52;
	v6 =	vsub.f32 $1.500000000e+00, v14  }
0x1cd: {  	v11 =	vsub.f32 $1.500000000e+00, v11;
	v0 =	vmul.f32 v8, v0;
	v8 =	vmul.f32 v5, v9  }
0x1ce: {  	v12 =	vmul.f32 v57, v3;
	v6 =	vmul.f32 v13, v6  }
0x1cf: {  	v4 =	vmul.f32 v4, v11;
	v8 =	vmul.f32 v8, v5  }
0x1d0: {  	v1 =	vsub.f32 $1.500000000e+00, v1;
	v12 =	vsub.f32 $1.500000000e+00, v12;
	v60 =	vmul.f32 v6, v10  }
0x1d1: {  	v62 =	vadd.f32 v44, v27;
	v59 =	vmul.f32 v4, v7;
	v8 =	vsub.f32 $1.500000000e+00, v8  }
0x1d2: {  	v33 =	vadd.f32 v42, v29;
	v3 =	vmul.f32 v12, v3;
	v14 =	vmul.f32 v60, v6  }
0x1d3: {  	v16 =	vadd.f32 v41, v30;
	v5 =	vmul.f32 v8, v5;
	v8 =	vmul.f32 v0, v46  }
0x1d4: {  	v17 =	vadd.f32 v39, v31;
	v11 =	vmul.f32 v2, v51;
	v13 =	vmul.f32 v59, v4  }
0x1d5: {  	v32 =	vmul.f32 v3, v52;
	v14 =	vsub.f32 $1.500000000e+00, v14;
	v8 =	vmul.f32 v8, v0  }
0x1d6: {  	v11 =	vmul.f32 v11, v2;
	v13 =	vsub.f32 $1.500000000e+00, v13;
	v9 =	vmul.f32 v5, v9  }
0x1d7: {  	v6 =	vmul.f32 v14, v6;
	v14 =	vmul.f32 v32, v3;
	v8 =	vsub.f32 $1.500000000e+00, v8  }
0x1d8: {  	v1 =	vmul.f32 v1, v48;
	v11 =	vsub.f32 $1.500000000e+00, v11;
	v9 =	vmul.f32 v9, v5  }
0x1d9: {  	[tilespmem:s14+$0x70] =	vst v62;
	v4 =	vmul.f32 v13, v4;
	v0 =	vmul.f32 v8, v0;
	v8 =	vsub.f32 $1.500000000e+00, v14  }
0x1da: {  	[tilespmem:s14+$0x80] =	vst v33;
	v2 =	vmul.f32 v11, v2;
	v11 =	vmul.f32 v1, v43;
	v9 =	vsub.f32 $1.500000000e+00, v9  }
0x1db: {  	[tilespmem:s14+$0x90] =	vst v16;
	v7 =	vmul.f32 v4, v7;
	v3 =	vmul.f32 v8, v3;
	v8 =	vadd.f32 v38, v27  }
0x1dc: {  	[tilespmem:s14+$0xA0] =	vst v17;
	v11 =	vmul.f32 v11, v1;
	v5 =	vmul.f32 v9, v5;
	v9 =	vadd.f32 v45, v29  }
0x1dd: {  	v7 =	vmul.f32 v7, v4;
	v10 =	vmul.f32 v6, v10;
	[tilespmem:s14+$0xB0] =	vst v8  }
0x1de: {  	[tilespmem:s16+$0xC0] =	vst v9  }
0x1df: {  	v11 =	vsub.f32 $1.500000000e+00, v11;
	v7 =	vsub.f32 $1.500000000e+00, v7;
	v10 =	vmul.f32 v10, v6;
	v9 =	vld [tilespmem:$0x1FE00]  }
0x1e0: {  	v61 =	vmul.f32 v2, v51  }
0x1e1: {  	v1 =	vmul.f32 v11, v1;
	v4 =	vmul.f32 v7, v4;
	v7 =	vsub.f32 $1.500000000e+00, v10  }
0x1e2: {  	v11 =	vmul.f32 v0, v35;
	v10 =	vmul.f32 v0, v36  }
0x1e3: {  	v8 =	vadd.f32 v40, v30;
	v6 =	vmul.f32 v7, v6;
	v7 =	vmul.f32 v0, v34  }
0x1e4: {  	v10 =	vmul.f32 v10, v24;
	v0 =	vmul.f32 v0, v9;
	v9 =	vadd.f32 v37, v31  }
0x1e5: {  	v41 =	vld [tilespmem:$0x1FD00];
	[tilespmem:s16+$0xD0] =	vst v8  }
0x1e6: {  	v12 =	vmul.f32 v61, v2;
	v11 =	vmul.f32 v11, v25;
	v8 =	vadd.f32 v10, v29;
	v10 =	vld [tilespmem:$0x1FD10];
	[tilespmem:s14+$0xE0] =	vst v9  }
0x1e7: {  	v13 =	vld [tilespmem:$0x1FFF0]  }
0x1e8: {  	v12 =	vsub.f32 $1.500000000e+00, v12;
	v9 =	vadd.f32 v11, v30;
	v11 =	vld [tilespmem:$0x1FD20];
	[tilespmem:s16+$0xFFFFFF00] =	vst v8  }
0x1e9: {  	v8 =	vld [tilespmem:$0x1FD30]  }
0x1ea: {  	v2 =	vmul.f32 v12, v2  }
0x1eb: {  	v7 =	vmul.f32 v7, v26;
	v12 =	vmul.f32 v1, v41  }
0x1ec: {  	v10 =	vmul.f32 v1, v10;
	v0 =	vmul.f32 v0, v13  }
0x1ed: {  	v7 =	vadd.f32 v7, v31;
	v12 =	vmul.f32 v12, v24;
	v11 =	vmul.f32 v1, v11  }
0x1ee: {  	[tilespmem:s16+$0xFFFFFF10] =	vst v9;
	v1 =	vmul.f32 v1, v8;
	v8 =	vmul.f32 v10, v25;
	v0 =	vadd.f32 v0, v27  }
0x1ef: {  	v9 =	vld [tilespmem:$0x1FD40];
	[tilespmem:s16+$0xFFFFFF20] =	vst v7;
	v10 =	vmul.f32 v11, v26;
	v11 =	vadd.f32 v12, v29  }
0x1f0: {  	v7 =	vld [tilespmem:$0x1FD50];
	[tilespmem:s16+$0xFFFFFF30] =	vst v0;
	v0 =	vadd.f32 v8, v30  }
0x1f1: {  	v1 =	vmul.f32 v1, v13;
	v8 =	vld [tilespmem:$0x1FD60];
	[tilespmem:s16+$0xFFFFFF40] =	vst v11  }
0x1f2: {  	v11 =	vld [tilespmem:$0x1FD70];
	[tilespmem:s16+$0xFFFFFF50] =	vst v0  }
0x1f3: {  	v0 =	vadd.f32 v1, v27;
	v1 =	vld [tilespmem:$0x1FD80]  }
0x1f4: {  	v9 =	vmul.f32 v2, v9  }
0x1f5: {  	v7 =	vmul.f32 v2, v7  }
0x1f6: {  	v9 =	vmul.f32 v9, v24;
	v10 =	vadd.f32 v10, v31;
	v8 =	vmul.f32 v2, v8  }
0x1f7: {  	v7 =	vmul.f32 v7, v25;
	v2 =	vmul.f32 v2, v11  }
0x1f8: {  	v9 =	vadd.f32 v9, v29;
	[tilespmem:s16+$0xFFFFFF60] =	vst v10;
	v1 =	vmul.f32 v3, v1;
	v8 =	vmul.f32 v8, v26  }
0x1f9: {  	v10 =	vld [tilespmem:$0x1FD90];
	[tilespmem:s16+$0xFFFFFF70] =	vst v0;
	v0 =	vadd.f32 v7, v30;
	v2 =	vmul.f32 v2, v13  }
0x1fa: {  	v7 =	vld [tilespmem:$0x1FDA0];
	[tilespmem:s16+$0xFFFFFF80] =	vst v9;
	v1 =	vmul.f32 v1, v24;
	v8 =	vadd.f32 v8, v31  }
0x1fb: {  	v9 =	vld [tilespmem:$0x1FDB0];
	[tilespmem:s16+$0xFFFFFF90] =	vst v0;
	v0 =	vadd.f32 v2, v27  }
0x1fc: {  	v2 =	vld [tilespmem:$0x1FDC0];
	[tilespmem:s16+$0xFFFFFFA0] =	vst v8;
	v1 =	vadd.f32 v1, v29  }
0x1fd: {  	v8 =	vld [tilespmem:$0x1FDD0];
	[tilespmem:s16+$0xFFFFFFB0] =	vst v0  }
0x1fe: {  	v10 =	vmul.f32 v3, v10;
	v0 =	vld [tilespmem:$0x1FDE0];
	[tilespmem:s16+$0xFFFFFFC0] =	vst v1  }
0x1ff: {  	v7 =	vmul.f32 v3, v7;
	v1 =	vld [tilespmem:$0x1FDF0]  }
0x200: {  	v3 =	vmul.f32 v3, v9;
	v9 =	vmul.f32 v10, v25  }
0x201: {  	v7 =	vmul.f32 v7, v26;
	v2 =	vmul.f32 v4, v2  }
0x202: {  	v3 =	vmul.f32 v3, v13;
	v9 =	vadd.f32 v9, v30;
	v8 =	vmul.f32 v4, v8  }
0x203: {  	v7 =	vadd.f32 v7, v31;
	v2 =	vmul.f32 v2, v24;
	v0 =	vmul.f32 v4, v0  }
0x204: {  	v3 =	vadd.f32 v3, v27;
	[tilespmem:s16+$0xFFFFFFD0] =	vst v9;
	v1 =	vmul.f32 v4, v1;
	v4 =	vmul.f32 v8, v25  }
0x205: {  	v8 =	vld [tilespmem:$0x1FE10];
	v2 =	vadd.f32 v2, v29;
	[tilespmem:s16+$0xFFFFFFE0] =	vst v7;
	v0 =	vmul.f32 v0, v26  }
0x206: {  	v7 =	vld [tilespmem:$0x1FE20];
	[tilespmem:s16+$0xFFFFFFF0] =	vst v3;
	v1 =	vmul.f32 v1, v13;
	v4 =	vadd.f32 v4, v30  }
0x207: {  	v3 =	vld [tilespmem:$0x1FE30];
	[tilespmem:s16+$0x0] =	vst v2;
	v0 =	vadd.f32 v0, v31  }
0x208: {  	v1 =	vadd.f32 v1, v27;
	[tilespmem:s16+$0x10] =	vst v4  }
0x209: {  	v2 =	vmul.f32 v5, v58;
	v4 =	vld [tilespmem:$0x1FE40];
	[tilespmem:s16+$0x20] =	vst v0  }
0x20a: {  	[tilespmem:s16+$0x30] =	vst v1  }
0x20b: {  	v2 =	vmul.f32 v2, v13;
	v8 =	vmul.f32 v5, v8;
	v1 =	vld [tilespmem:$0x1FE70]  }
0x20c: {  	v0 =	vmul.f32 v6, v63;
	v7 =	vmul.f32 v5, v7  }
0x20d: {  	v3 =	vmul.f32 v5, v3;
	v8 =	vmul.f32 v8, v24  }
0x20e: {  	v2 =	vadd.f32 v2, v27;
	v0 =	vmul.f32 v0, v25;
	v5 =	vmul.f32 v7, v25  }
0x20f: {  	v3 =	vmul.f32 v3, v26;
	v7 =	vadd.f32 v8, v29;
	v4 =	vmul.f32 v6, v4  }
0x210: {  	[tilespmem:s16+$0x70] =	vst v2;
	v0 =	vadd.f32 v0, v30;
	v1 =	vmul.f32 v6, v1  }
0x211: {  	v3 =	vadd.f32 v3, v31;
	[tilespmem:s16+$0x40] =	vst v7;
	v4 =	vmul.f32 v4, v24;
	v6 =	vmul.f32 v6, v50  }
0x212: {  	v5 =	vadd.f32 v5, v30;
	[tilespmem:s16+$0x90] =	vst v0;
	v1 =	vmul.f32 v1, v26  }
0x213: {  	[tilespmem:s16+$0x60] =	vst v3;
	v3 =	vadd.f32 v4, v29;
	v4 =	vmul.f32 v6, v13  }
0x214: {  	v2 =	vmul.f32 v20, v26;
	[tilespmem:s16+$0x50] =	vst v5;
	v1 =	vadd.f32 v1, v31  }
0x215: {  	[tilespmem:s16+$0x80] =	vst v3;
	v0 =	vadd.f32 v4, v27  }
0x216: {  	[tilespmem:s16+$0xA0] =	vst v1;
	v1 =	vadd.f32 v2, v31  }
0x217: {  	p1 =	seq.s32 s1, $0x0;
	s14 =	sshll.u32 s1, $0x3;
	[tilespmem:s16+$0xB0] =	vst v0  }
0x218: {  	s10 =	simm.s32 @!p1 $0x5;
	s21 =	sadd.s32 s9, s14;
	[tilespmem:s16+$0xE0] =	vst v1  }
0x219: {  	s16 =	smul.u32 $0x190, s21;
	_ =	swait.ge @!p1 [sflag:s10], $0x3200  }
0x21a: {  	[sflag:s10] =	ssyncset.done @!p1 $0x0  }
0x21b: {  	s19 =	sadd.s32 s4, s16;
	[sflag:s10] =	ssyncadd.s32 @!p1 $0xFFFFCE00;
	s10 =	simm.s32 @p0 $0x4  }
0x21c: {  	[hbm4b:s19+s5] =	stream.linear.scatter [tilespmem:s29], [sflag:$0x5], $0x3200, $0x38;
	[tilespmem:$0xCA20] =	vst v63  }
0x21d: {  	_ =	swait.ge @p0 [sflag:s10], $0x1900  }
0x21e: {  	[sflag:s10] =	ssyncset.done @p0 $0x0  }
0x21f: {  	[sflag:s10] =	ssyncadd.s32 @p0 $0xFFFFE700  }
0x220: {  	_ =	swait.ge @p0 [sflag:s10], $0x1900  }
0x221: {  	[sflag:s10] =	ssyncset.done @p0 $0x0  }
0x222: {  	[sflag:s10] =	ssyncadd.s32 @p0 $0xFFFFE700;
	s10 =	simm.s32 @!p0 $0x1  }
0x223: {  	_ =	swait.ge @!p0 [sflag:s10], $0xD0  }
0x224: {  	s16 =	simm.s32 @!p0 $0x0;
	[sflag:s10] =	ssyncset.done @!p0 $0x0  }
0x225: {  	s19 =	simm.s32 @!p0 $0x1A0;
	[sflag:s10] =	ssyncadd.s32 @!p0 $0xFFFFFF30;
	s10 =	simm.s32 @!p0 $0x64  }
0x226: {  	[tilespmem:s19], [sflag:$0x3] =	stream.indirect.gather @!p0 [hbm4b:s7+s10], $0x40, s16, s10, $0xb8;
	[tilespmem:$0xCA20] =	vst v63  }
0x227: {  	s20 =	simm.s32 @!p0 $0x1AA0;
	s19 =	simm.s32 @!p0 $0x68  }
0x228: {  	[tilespmem:s20], [sflag:$0x3] =	stream.indirect.gather @!p0 [hbm4b:s7+s10], $0x40, s19, s10, $0xb8;
	[tilespmem:$0xCA20] =	vst v63  }
0x229: {  	s10 =	simm.s32 @!p0 $0x4  }
0x22a: {  	_ =	swait.ge @!p0 [sflag:s10], $0x1900  }
0x22b: {  	s3 =	sadd.s32 @!p0 s3, s12;
	[sflag:s10] =	ssyncset.done @!p0 $0x0  }
0x22c: {  	s3 =	smul.u32 @!p0 $0xD, s3;
	[sflag:s10] =	ssyncadd.s32 @!p0 $0xFFFFE700  }
0x22d: {  	_ =	swait.ge @!p0 [sflag:s10], $0x1900  }
0x22e: {  	s3 =	sadd.s32 @!p0 s6, s3;
	[sflag:s10] =	ssyncset.done @!p0 $0x0  }
0x22f: {  	s20 =	simm.s32 $0x34A0;
	[sflag:s10] =	ssyncadd.s32 @!p0 $0xFFFFE700;
	s10 =	simm.s32 @!p0 $0xD0  }
0x230: {  	[tilespmem:s10], [sflag:$0x2] =	stream.linear.gather @!p0 [hbm4b:s3+s16], $0xD0, $0x38;
	[tilespmem:$0xCA20] =	vst v63  }
0x231: {  	v0 =	vld [tilespmem:s20+$0xC0]  }
0x232: {  	v1 =	vld [tilespmem:s20+$0xD0]  }
0x233: {  	v7 =	vld [tilespmem:s20+$0xE0]  }
0x234: {  	v19 =	vld [tilespmem:s20+$0xF0];
	_ =	sdelay $0x4  }
0x235: {  	v2 =	vadd.f32 v1, v0;
	v3 =	vadd.f32 v19, v7  }
0x236: {  	v8 =	vld [tilespmem:s20+$0xFFFFFF10]  }
0x237: {  	v10 =	vld [tilespmem:s20+$0xFFFFFF20];
	v2 =	vadd.f32 v3, v2  }
0x238: {  	v11 =	vld [tilespmem:s20+$0xFFFFFF30]  }
0x239: {  	v20 =	vld [tilespmem:s20+$0xFFFFFF40];
	(xrf2) =	vadd.scan.msk.f32 $0xffff, v2  }
0x23a: {  	v21 =	vld [tilespmem:s20+$0xFFFFFF50]  }
0x23b: {  	v22 =	vld [tilespmem:s20+$0xFFFFFF60]  }
0x23c: {  	v23 =	vld [tilespmem:s20+$0xFFFFFF70]  }
0x23d: {  	v24 =	vld [tilespmem:s20+$0xFFFFFF80]  }
0x23e: {  	v25 =	vld [tilespmem:s20+$0xFFFFFF90]  }
0x23f: {  	v26 =	vld [tilespmem:s20+$0xFFFFFFA0]  }
0x240: {  	v27 =	vld [tilespmem:s20+$0xFFFFFFB0]  }
0x241: {  	v28 =	vld [tilespmem:s20+$0xFFFFFFC0]  }
0x242: {  	v29 =	vld [tilespmem:s20+$0xFFFFFFD0]  }
0x243: {  	v30 =	vld [tilespmem:s20+$0xFFFFFFE0];
	v2, _, _ =	vpop (xrf2)  }
0x244: {  	v32 =	vld [tilespmem:s20+$0xFFFFFFF0];
	(v2sf) =	vpush v2, $0xF  }
0x245: {  	v42 =	vld [tilespmem:s20+$0x0];
	v3 =	vadd.f32 v23, v22;
	v2 =	vadd.f32 v21, v20  }
0x246: {  	v43 =	vld [tilespmem:s20+$0x10];
	v4 =	vadd.f32 v27, v26  }
0x247: {  	v18 =	vld [tilespmem:s20+$0x20];
	v2 =	vadd.f32 v3, v2;
	v3 =	vadd.f32 v25, v24  }
0x248: {  	v44 =	vld [tilespmem:s20+$0x30]  }
0x249: {  	v45 =	vld [tilespmem:s20+$0x40];
	(xrf2) =	vadd.scan.msk.f32 $0xffff, v2;
	v2 =	vadd.f32 v4, v3  }
0x24a: {  	v46 =	vld [tilespmem:s20+$0x50]  }
0x24b: {  	v9 =	vld [tilespmem:s20+$0x60];
	(xrf2) =	vadd.scan.msk.f32 $0xffff, v2  }
0x24c: {  	v47 =	vld [tilespmem:s20+$0x70];
	v3 =	vadd.f32 v29, v28;
	v4 =	vadd.f32 v32, v30  }
0x24d: {  	v33 =	vld [tilespmem:s20+$0xFFFFFF00]  }
0x24e: {  	v2 =	vadd.f32 v4, v3  }
0x24f: {  	v5 =	vadd.f32 v11, v10  }
0x250: {  	v3 =	vadd.f32 v43, v42;
	v4 =	vadd.f32 v44, v18;
	(xrf2) =	vadd.scan.msk.f32 $0xffff, v2  }
0x251: {  	v6 =	vadd.f32 v47, v9;
	v2 =	vadd.f32 v46, v45  }
0x252: {  	v3 =	vadd.f32 v4, v3;
	v4 =	vadd.f32 v8, v33  }
0x253: {  	v6 =	vadd.f32 v6, v2;
	v2 =	vld [tilespmem:s20+$0x80];
	s21 =	spop (v2sf)  }
0x254: {  	(xrf2) =	vadd.scan.msk.f32 $0xffff, v3;
	v5 =	vadd.f32 v5, v4;
	v3 =	vld [tilespmem:s20+$0x90];
	v31, _, _ =	vpop (xrf2);
	s10 =	smul.f32 $1.562500000e-02, s21  }
0x255: {  	v4 =	vld [tilespmem:s20+$0xA0];
	(xrf2) =	vadd.scan.msk.f32 $0xffff, v6;
	(v2sf) =	vpush v31, $0xF;
	v55, _, _ =	vpop (xrf2)  }
0x256: {  	(xrf2) =	vadd.scan.msk.f32 $0xffff, v5;
	v5 =	vld [tilespmem:s20+$0xB0];
	(v2sf) =	vpush v55, $0xF;
	v31 =	vmov s10  }
0x257: {  	v6 =	vsub.f32 v0, v31;
	v1 =	vsub.f32 v1, v31  }
0x258: {  	v0 =	vsub.f32 v7, v31;
	v7 =	vsub.f32 v19, v31  }
0x259: {  	v19 =	vmul.f32 v6, v6;
	v31 =	vmul.f32 v1, v1  }
0x25a: {  	v56 =	vadd.f32 v3, v2;
	v57, _, _ =	vpop (xrf2);
	v58 =	vmul.f32 v0, v0;
	v59 =	vmul.f32 v7, v7  }
0x25b: {  	v60 =	vadd.f32 v5, v4;
	(v2sf) =	vpush v57, $0xF  }
0x25c: {  	v19 =	vadd.f32 v31, v19;
	v31 =	vadd.f32 v59, v58  }
0x25d: {  	v34 =	vadd.f32 v60, v56  }
0x25e: {  	v61, _, _ =	vpop (xrf2)  }
0x25f: {  	(v2sf) =	vpush v61, $0xF;
	v62, _, _ =	vpop (xrf2);
	(xrf2) =	vadd.scan.msk.f32 $0xffff, v34;
	v19 =	vadd.f32 v31, v19  }
0x260: {  	(v2sf) =	vpush v62, $0xF;
	v31, _, _ =	vpop (xrf2)  }
0x261: {  	(xrf2) =	vadd.scan.msk.f32 $0xffff, v19;
	(v2sf) =	vpush v31, $0xF;
	_ =	sdelay $0x2  }
0x262: {  	s10 =	spop (v2sf)  }
0x263: {  	s3 =	smul.f32 $1.562500000e-02, s10;
	_ =	sdelay $0x1  }
0x264: {  	s16 =	spop (v2sf);
	v19 =	vmov s3  }
0x265: {  	s3 =	smul.f32 $1.562500000e-02, s16;
	v63 =	vsub.f32 v20, v19  }
0x266: {  	v21 =	vsub.f32 v21, v19;
	v31 =	vsub.f32 v22, v19;
	v20, _, _ =	vpop (xrf2)  }
0x267: {  	v23 =	vsub.f32 v23, v19;
	(v2sf) =	vpush v20, $0xF;
	v22 =	vmov s3  }
0x268: {  	s19 =	spop (v2sf);
	[tilespmem:$0x1FB20] =	vst v21;
	v19 =	vmul.f32 v63, v63;
	v21 =	vmul.f32 v21, v21;
	v24 =	vsub.f32 v24, v22;
	v20, _, _ =	vpop (xrf2)  }
0x269: {  	s3 =	smul.f32 $1.562500000e-02, s19;
	[tilespmem:$0x1FB50] =	vst v23;
	v25 =	vsub.f32 v25, v22;
	v23 =	vmul.f32 v23, v23;
	(v2sf) =	vpush v20, $0xF  }
0x26a: {  	v26 =	vsub.f32 v26, v22;
	v27 =	vsub.f32 v27, v22;
	v20 =	vmul.f32 v31, v31;
	[tilespmem:$0x1FB60] =	vst v24  }
0x26b: {  	s20 =	spop (v2sf);
	[tilespmem:$0x1FB70] =	vst v25;
	v22 =	vmul.f32 v24, v24;
	v24 =	vmul.f32 v25, v25;
	v25 =	vmov s3  }
0x26c: {  	[tilespmem:$0x1FB80] =	vst v26;
	s21 =	spop (v2sf);
	v19 =	vadd.f32 v21, v19;
	v21 =	vmul.f32 v26, v26;
	v28 =	vsub.f32 v28, v25  }
0x26d: {  	[tilespmem:$0x1FB90] =	vst v27;
	v26 =	vmul.f32 v27, v27;
	v27 =	vsub.f32 v29, v25;
	s3 =	smul.f32 $1.562500000e-02, s21;
	v20 =	vadd.f32 v23, v20;
	s19 =	spop (v2sf)  }
0x26e: {  	v29 =	vsub.f32 v30, v25;
	v30 =	vsub.f32 v32, v25;
	v23 =	vmul.f32 v28, v28;
	s16 =	smul.f32 $1.562500000e-02, s19  }
0x26f: {  	v25 =	vmul.f32 v27, v27;
	v36 =	vmov s3;
	v19 =	vadd.f32 v20, v19  }
0x270: {  	v16 =	vsub.f32 v46, v36;
	v39 =	vsub.f32 v9, v36;
	v20 =	vmov s16  }
0x271: {  	v23 =	vadd.f32 v25, v23;
	v51 =	vsub.f32 v33, v20  }
0x272: {  	v50 =	vsub.f32 v8, v20;
	v52 =	vsub.f32 v10, v20  }
0x273: {  	s10 =	smul.f32 $1.562500000e-02, s20;
	[tilespmem:$0x1FBA0] =	vst v28;
	v28 =	vmul.f32 v29, v29;
	v53 =	vsub.f32 v11, v20;
	v10 =	vadd.f32 v24, v22  }
0x274: {  	(xrf2) =	vadd.scan.msk.f32 $0xffff, v19;
	v20 =	vadd.f32 v26, v21;
	v11 =	vmul.f32 v51, v51;
	v19 =	vmul.f32 v50, v50  }
0x275: {  	v24 =	vmov s10;
	v21 =	vmul.f32 v52, v52;
	v22 =	vmul.f32 v53, v53  }
0x276: {  	v8 =	vmul.f32 v30, v30;
	v17 =	vsub.f32 v43, v24;
	v18 =	vsub.f32 v18, v24  }
0x277: {  	s20 =	spop (v2sf);
	v11 =	vadd.f32 v19, v11;
	v19 =	vadd.f32 v22, v21  }
0x278: {  	v8 =	vadd.f32 v8, v28;
	v21 =	vsub.f32 v42, v24;
	s21 =	spop (v2sf)  }
0x279: {  	v10 =	vadd.f32 v20, v10;
	v38 =	vmul.f32 v17, v17;
	v11 =	vadd.f32 v19, v11;
	s3 =	smul.f32 $1.562500000e-02, s21  }
0x27a: {  	v22 =	vsub.f32 v44, v24;
	v42 =	vmul.f32 v16, v16;
	v8 =	vadd.f32 v8, v23;
	[tilespmem:$0x1FBE0] =	vst v21  }
0x27b: {  	s16 =	smul.f32 $1.562500000e-02, s20;
	v37 =	vmul.f32 v21, v21;
	v21 =	vsub.f32 v45, v36;
	(xrf2) =	vadd.scan.msk.f32 $0xffff, v11;
	v9 =	vmov s3  }
0x27c: {  	v44 =	vmul.f32 v39, v39;
	v19 =	vsub.f32 v47, v36;
	v9 =	vadd.f32 $9.999999960e-13, v9  }
0x27d: {  	v40 =	vmul.f32 v22, v22;
	v46 =	vmov s16;
	v11 =	vmul.f32 v18, v18  }
0x27e: {  	v54 =	vsub.f32 v2, v46;
	v41 =	vmul.f32 v21, v21;
	v9 =	vbroadcast v9, $0x0  }
0x27f: {  	v45 =	vmul.f32 v19, v19;
	(xrf2) =	vadd.scan.msk.f32 $0xffff, v10;
	v10 =	vadd.f32 v38, v37;
	v11 =	vadd.f32 v40, v11  }
0x280: {  	(xrf2) =	vadd.scan.msk.f32 $0xffff, v8;
	v8 =	vadd.f32 v42, v41;
	v47 =	vshrl.u32 v9, $0x1;
	v9 =	vmul.f32 $5.000000000e-01, v9  }
0x281: {  	[tilespmem:$0x1FB10] =	vst v63;
	v43, _, _ =	vpop (xrf2);
	v48 =	vadd.f32 v45, v44;
	v2 =	vadd.f32 v11, v10;
	v49 =	vsub.s32 $0x5F3759DF, v47  }
0x282: {  	[tilespmem:$0x1FB40] =	vst v31;
	v56 =	vsub.f32 v3, v46;
	(v2sf) =	vpush v43, $0xF;
	v10 =	vmul.f32 v49, v9  }
0x283: {  	[tilespmem:$0x1FBB0] =	vst v27;
	v3 =	vadd.f32 v48, v8;
	v11 =	vsub.f32 v5, v46  }
0x284: {  	v55 =	vsub.f32 v4, v46;
	v5 =	vmul.f32 v54, v54;
	(xrf2) =	vadd.scan.msk.f32 $0xffff, v2;
	v4 =	vmul.f32 v49, v10  }
0x285: {  	[tilespmem:$0x1FBC0] =	vst v29;
	v8 =	vmul.f32 v56, v56;
	(xrf2) =	vadd.scan.msk.f32 $0xffff, v3;
	v3 =	vmul.f32 v11, v11;
	v2, _, _ =	vpop (xrf2)  }
0x286: {  	[tilespmem:$0x1FBD0] =	vst v30;
	(v2sf) =	vpush v2, $0xF;
	v2 =	vmul.f32 v55, v55;
	v4 =	vsub.f32 $1.500000000e+00, v4  }
0x287: {  	[tilespmem:$0x1FC30] =	vst v16  }
0x288: {  	[tilespmem:$0x1FC40] =	vst v39;
	v5 =	vadd.f32 v8, v5;
	v2 =	vadd.f32 v3, v2;
	v3 =	vmul.f32 v49, v4  }
0x289: {  	[tilespmem:$0x1FBF0] =	vst v17  }
0x28a: {  	[tilespmem:$0x1FC00] =	vst v18;
	v2 =	vadd.f32 v2, v5;
	v4 =	vmul.f32 v3, v9  }
0x28b: {  	[tilespmem:$0x1FC10] =	vst v22  }
0x28c: {  	[tilespmem:$0x1FC20] =	vst v21;
	v10, _, _ =	vpop (xrf2);
	(xrf2) =	vadd.scan.msk.f32 $0xffff, v2;
	v2 =	vmul.f32 v4, v3  }
0x28d: {  	[tilespmem:$0x1FC50] =	vst v19;
	(v2sf) =	vpush v10, $0xF  }
0x28e: {  	s3 =	simm.s32 $0x36A0;
	[tilespmem:$0x1FC60] =	vst v11;
	v2 =	vsub.f32 $1.500000000e+00, v2  }
0x28f: {  	v57 =	vld [tilespmem:s3+$0xC0];
	v5, _, _ =	vpop (xrf2)  }
0x290: {  	v60 =	vld [tilespmem:s3+$0xD0];
	(v2sf) =	vpush v5, $0xF;
	v4, _, _ =	vpop (xrf2);
	v2 =	vmul.f32 v2, v3  }
0x291: {  	v59 =	vld [tilespmem:s3+$0xE0];
	s19 =	spop (v2sf);
	(v2sf) =	vpush v4, $0xF;
	v4, _, _ =	vpop (xrf2)  }
0x292: {  	v32 =	vld [tilespmem:s3+$0xF0];
	s10 =	smul.f32 $1.562500000e-02, s19;
	(v2sf) =	vpush v4, $0xF;
	v4 =	vmul.f32 v2, v9;
	_ =	sdelay $0x1  }
0x293: {  	v5 =	vmov s10;
	v4 =	vmul.f32 v4, v2  }
0x294: {  	v3 =	vadd.f32 $9.999999960e-13, v5  }
0x295: {  	v4 =	vsub.f32 $1.500000000e+00, v4  }
0x296: {  	v5 =	vadd.f32 v60, v57;
	v3 =	vbroadcast v3, $0x0;
	v9 =	vadd.f32 v32, v59  }
0x297: {  	v2 =	vmul.f32 v4, v2  }
0x298: {  	v5 =	vadd.f32 v9, v5  }
0x299: {  	s20 =	spop (v2sf);
	v6 =	vmul.f32 v2, v6  }
0x29a: {  	v10 =	vshrl.u32 v3, $0x1;
	v25 =	vmul.f32 $5.000000000e-01, v3;
	s10 =	smul.f32 $1.562500000e-02, s20;
	v3, _, _ =	vpop (xrf2);
	(xrf2) =	vadd.scan.msk.f32 $0xffff, v5  }
0x29b: {  	v48 =	vld [tilespmem:s3+$0xFFFFFF40];
	s21 =	spop (v2sf);
	(v2sf) =	vpush v3, $0xF;
	[tilespmem:$0x1FC80] =	vst v6;
	v6 =	vmul.f32 v2, v7  }
0x29c: {  	v9 =	vmov s10;
	s16 =	smul.f32 $1.562500000e-02, s21;
	v1 =	vmul.f32 v2, v1  }
0x29d: {  	v10 =	vsub.s32 $0x5F3759DF, v10;
	v9 =	vadd.f32 $9.999999960e-13, v9;
	[tilespmem:$0x1FC70] =	vst v6  }
0x29e: {  	v3 =	vmul.f32 v10, v25;
	v4 =	vmov s16;
	v47 =	vld [tilespmem:s3+$0xFFFFFF50];
	[tilespmem:$0x1FC90] =	vst v1  }
0x29f: {  	v5 =	vbroadcast v9, $0x0;
	v4 =	vadd.f32 $9.999999960e-13, v4;
	v0 =	vmul.f32 v2, v0;
	v44 =	vld [tilespmem:s3+$0xFFFFFF60]  }
0x2a0: {  	v3 =	vmul.f32 v10, v3;
	s19 =	spop (v2sf);
	v42 =	vld [tilespmem:s3+$0xFFFFFF70]  }
0x2a1: {  	s10 =	smul.f32 $1.562500000e-02, s19;
	v6 =	vbroadcast v4, $0x0;
	v1 =	vshrl.u32 v5, $0x1;
	v41 =	vld [tilespmem:s3+$0xFFFFFF80];
	[tilespmem:$0x1FCA0] =	vst v0  }
0x2a2: {  	v3 =	vsub.f32 $1.500000000e+00, v3;
	v22 =	vmul.f32 $5.000000000e-01, v5;
	s20 =	spop (v2sf);
	v7 =	vsub.s32 $0x5F3759DF, v1;
	v38 =	vld [tilespmem:s3+$0xFFFFFF90]  }
0x2a3: {  	v1 =	vmov s10;
	v58 =	vshrl.u32 v6, $0x1;
	v23 =	vmul.f32 $5.000000000e-01, v6;
	s10 =	smul.f32 $1.562500000e-02, s20;
	v27 =	vld [tilespmem:s3+$0xFFFFFFA0]  }
0x2a4: {  	v20 =	vmul.f32 v10, v3;
	s21 =	spop (v2sf);
	v62, _, _ =	vpop (xrf2);
	v2 =	vmul.f32 v7, v22;
	v6 =	vsub.s32 $0x5F3759DF, v58;
	v26 =	vld [tilespmem:s3+$0xFFFFFFB0]  }
0x2a5: {  	s16 =	smul.f32 $1.562500000e-02, s21;
	v28 =	vld [tilespmem:s3+$0xFFFFFFC0];
	(v2sf) =	vpush v62, $0xF;
	v3 =	vmul.f32 v6, v23;
	v10 =	vmov s10  }
0x2a6: {  	v34 =	vld [tilespmem:s3+$0xFFFFFFD0];
	v2 =	vmul.f32 v7, v2;
	v10 =	vadd.f32 $9.999999960e-13, v10  }
0x2a7: {  	v1 =	vadd.f32 $9.999999960e-13, v1;
	v35 =	vld [tilespmem:s3+$0xFFFFFFE0];
	v61 =	vmov s16;
	v3 =	vmul.f32 v6, v3  }
0x2a8: {  	v36 =	vld [tilespmem:s3+$0xFFFFFFF0];
	v2 =	vsub.f32 $1.500000000e+00, v2;
	v33 =	vbroadcast v10, $0x0;
	v10 =	vadd.f32 v47, v48  }
0x2a9: {  	v46 =	vld [tilespmem:s3+$0x0];
	v1 =	vbroadcast v1, $0x0;
	v43 =	vadd.f32 v42, v44;
	v3 =	vsub.f32 $1.500000000e+00, v3  }
0x2aa: {  	v45 =	vld [tilespmem:s3+$0x10];
	v12 =	vadd.f32 $9.999999960e-13, v61;
	s16 =	spop (v2sf);
	v13 =	vmul.f32 v7, v2;
	v2 =	vadd.f32 v38, v41  }
0x2ab: {  	v39 =	vld [tilespmem:s3+$0x30];
	v7 =	vadd.f32 v26, v27;
	s10 =	smul.f32 $1.562500000e-02, s16;
	v19 =	vmul.f32 v6, v3;
	v3 =	vadd.f32 v43, v10  }
0x2ac: {  	v40 =	vld [tilespmem:s3+$0x40];
	v63 =	vshrl.u32 v1, $0x1;
	v21 =	vmul.f32 $5.000000000e-01, v1  }
0x2ad: {  	v37 =	vld [tilespmem:s3+$0x50];
	v12 =	vbroadcast v12, $0x0;
	v7 =	vadd.f32 v7, v2;
	(xrf2) =	vadd.scan.msk.f32 $0xffff, v3;
	v3 =	vmov s10  }
0x2ae: {  	v29 =	vld [tilespmem:s3+$0x60];
	v58 =	vsub.s32 $0x5F3759DF, v63;
	v18 =	vadd.f32 v34, v28;
	v3 =	vadd.f32 $9.999999960e-13, v3  }
0x2af: {  	v14 =	vadd.f32 v36, v35;
	v16 =	vmul.f32 $5.000000000e-01, v33;
	v6 =	vshrl.u32 v33, $0x1;
	v43 =	vld [tilespmem:s3+$0x20];
	(xrf2) =	vadd.scan.msk.f32 $0xffff, v7  }
0x2b0: {  	v24 =	vmul.f32 $5.000000000e-01, v12;
	v33 =	vld [tilespmem:s3+$0x70];
	v61 =	vsub.s32 $0x5F3759DF, v6;
	v3 =	vbroadcast v3, $0x0  }
0x2b1: {  	v63 =	vadd.f32 v14, v18;
	v49 =	vmul.f32 v61, v16;
	v7 =	vshrl.u32 v12, $0x1  }
0x2b2: {  	v62 =	vsub.s32 $0x5F3759DF, v7;
	v0 =	vshrl.u32 v3, $0x1;
	v15 =	vmul.f32 $5.000000000e-01, v3  }
0x2b3: {  	v31 =	vld [tilespmem:s3+$0xFFFFFF10];
	v2 =	vadd.f32 v45, v46;
	v12 =	vmul.f32 v62, v24;
	v0 =	vsub.s32 $0x5F3759DF, v0  }
0x2b4: {  	v30 =	vld [tilespmem:s3+$0xFFFFFF20];
	v18 =	vmul.f32 v61, v49;
	v1 =	vadd.f32 v39, v43;
	s19 =	spop (v2sf);
	v4 =	vmul.f32 v0, v15  }
0x2b5: {  	v5 =	vadd.f32 v37, v40;
	(xrf2) =	vadd.scan.msk.f32 $0xffff, v63;
	v63 =	vld [tilespmem:s3+$0xA0];
	v17 =	vmul.f32 v62, v12;
	v3 =	vadd.f32 v33, v29;
	s10 =	smul.f32 $1.562500000e-02, s19  }
0x2b6: {  	v7 =	vmul.f32 v58, v21;
	v6 =	vsub.f32 $1.500000000e+00, v18;
	v18 =	vld [tilespmem:s3+$0xFFFFFF30];
	v14 =	vadd.f32 v1, v2  }
0x2b7: {  	v8 =	vsub.f32 $1.500000000e+00, v17;
	v17 =	vld [tilespmem:s3+$0xFFFFFF00];
	v12 =	vadd.f32 v3, v5;
	v5 =	vmov s10  }
0x2b8: {  	v11 =	vmul.f32 v61, v6;
	v61 =	vld [tilespmem:s3+$0x80];
	v2 =	vmul.f32 v0, v4;
	v49 =	vsub.f32 v57, v5;
	v4, _, _ =	vpop (xrf2)  }
0x2b9: {  	v9 =	vmul.f32 v62, v8;
	v62 =	vld [tilespmem:s3+$0x90];
	v57 =	vsub.f32 v60, v5;
	(v2sf) =	vpush v4, $0xF;
	v4, _, _ =	vpop (xrf2)  }
0x2ba: {  	v7 =	vmul.f32 v58, v7;
	v60 =	vld [tilespmem:s3+$0xB0];
	(v2sf) =	vpush v4, $0xF;
	v4 =	vsub.f32 $1.500000000e+00, v2  }
0x2bb: {  	v1 =	vmul.f32 v13, v22;
	v59 =	vsub.f32 v59, v5;
	v32 =	vsub.f32 v32, v5  }
0x2bc: {  	v8 =	vmul.f32 v0, v4;
	v4 =	vadd.f32 v18, v30;
	v0 =	vadd.f32 v31, v17  }
0x2bd: {  	v7 =	vsub.f32 $1.500000000e+00, v7;
	v6 =	vmul.f32 v20, v25;
	v1 =	vmul.f32 v1, v13  }
0x2be: {  	v3 =	vmul.f32 v32, v32;
	v10 =	vadd.f32 v4, v0;
	v4 =	vmul.f32 v59, v59  }
0x2bf: {  	v58 =	vmul.f32 v58, v7;
	v2 =	vadd.f32 v62, v61;
	v0 =	vadd.f32 v60, v63  }
0x2c0: {  	(xrf2) =	vadd.scan.msk.f32 $0xffff, v14;
	v7 =	vmul.f32 v49, v49;
	v5 =	vmul.f32 v57, v57;
	v3 =	vadd.f32 v3, v4  }
0x2c1: {  	(xrf2) =	vadd.scan.msk.f32 $0xffff, v12;
	v0 =	vadd.f32 v0, v2;
	v2 =	vmul.f32 v6, v20;
	v4 =	vmul.f32 v19, v23  }
0x2c2: {  	v1 =	vsub.f32 $1.500000000e+00, v1;
	v5 =	vadd.f32 v5, v7;
	(xrf2) =	vadd.scan.msk.f32 $0xffff, v10  }
0x2c3: {  	(xrf2) =	vadd.scan.msk.f32 $0xffff, v0;
	v0 =	vsub.f32 $1.500000000e+00, v2;
	v2 =	vmul.f32 v4, v19;
	v4 =	vmul.f32 v11, v16  }
0x2c4: {  	v1 =	vmul.f32 v1, v13;
	v6, _, _ =	vpop (xrf2);
	v3 =	vadd.f32 v3, v5;
	v5 =	vmul.f32 v58, v21  }
0x2c5: {  	(v2sf) =	vpush v6, $0xF;
	v6 =	vmul.f32 v8, v15;
	v4 =	vmul.f32 v4, v11  }
0x2c6: {  	(xrf2) =	vadd.scan.msk.f32 $0xffff, v3;
	v3 =	vmul.f32 v5, v58;
	v5 =	vmul.f32 v9, v24  }
0x2c7: {  	v7 =	vmul.f32 v1, v22;
	v6 =	vmul.f32 v6, v8;
	v4 =	vsub.f32 $1.500000000e+00, v4  }
0x2c8: {  	v0 =	vmul.f32 v0, v20;
	v5 =	vmul.f32 v5, v9  }
0x2c9: {  	v2 =	vsub.f32 $1.500000000e+00, v2;
	v10 =	vmul.f32 v4, v11;
	v4 =	vmul.f32 v7, v1  }
0x2ca: {  	v5 =	vsub.f32 $1.500000000e+00, v5;
	v7 =	vmul.f32 v0, v25  }
0x2cb: {  	v6 =	vsub.f32 $1.500000000e+00, v6;
	v2 =	vmul.f32 v2, v19;
	v4 =	vsub.f32 $1.500000000e+00, v4  }
0x2cc: {  	v3 =	vsub.f32 $1.500000000e+00, v3;
	v5 =	vmul.f32 v5, v9;
	v9, _, _ =	vpop (xrf2);
	v7 =	vmul.f32 v7, v0  }
0x2cd: {  	(v2sf) =	vpush v9, $0xF;
	v9 =	vmul.f32 v2, v23;
	v11, _, _ =	vpop (xrf2)  }
0x2ce: {  	v6 =	vmul.f32 v6, v8;
	v3 =	vmul.f32 v3, v58;
	s20 =	spop (v2sf);
	(v2sf) =	vpush v11, $0xF;
	v8, _, _ =	vpop (xrf2)  }
0x2cf: {  	s3 =	smul.f32 $1.562500000e-02, s20;
	v11 =	vmul.f32 v4, v1;
	(v2sf) =	vpush v8, $0xF;
	v1 =	vmul.f32 v9, v2;
	v4, _, _ =	vpop (xrf2)  }
0x2d0: {  	v8 =	vmul.f32 v3, v21;
	(v2sf) =	vpush v4, $0xF;
	v4 =	vsub.f32 $1.500000000e+00, v7;
	v7, _, _ =	vpop (xrf2)  }
0x2d1: {  	s21 =	spop (v2sf);
	v1 =	vsub.f32 $1.500000000e+00, v1;
	(v2sf) =	vpush v7, $0xF;
	v7 =	vmov s3  }
0x2d2: {  	s10 =	smul.f32 $1.562500000e-02, s21;
	v8 =	vmul.f32 v8, v3;
	v4 =	vmul.f32 v4, v0;
	v13 =	vsub.f32 v48, v7  }
0x2d3: {  	v0 =	vmul.f32 v1, v2;
	v48 =	vsub.f32 v47, v7;
	v58 =	vsub.f32 v44, v7  }
0x2d4: {  	s16 =	spop (v2sf);
	v9 =	vsub.f32 v42, v7;
	v1 =	vsub.f32 $1.500000000e+00, v8;
	v2 =	vmov s10  }
0x2d5: {  	s19 =	smul.f32 $1.562500000e-02, s16;
	v23 =	vsub.f32 v41, v2;
	v22 =	vsub.f32 v38, v2  }
0x2d6: {  	v21 =	vsub.f32 v27, v2;
	v44 =	vsub.f32 v26, v2  }
0x2d7: {  	v38 =	vmul.f32 v5, v24;
	v1 =	vmul.f32 v1, v3;
	v3 =	vmov s19  }
0x2d8: {  	v7 =	vmul.f32 v13, v13;
	[tilespmem:$0x1F9C0] =	vst v48;
	v8 =	vmul.f32 v48, v48;
	v20 =	vsub.f32 v28, v3  }
0x2d9: {  	[tilespmem:$0x1F9E0] =	vst v9;
	v9 =	vmul.f32 v9, v9;
	v47 =	vsub.f32 v34, v3;
	v48 =	vsub.f32 v35, v3  }
0x2da: {  	[tilespmem:$0x1F9B0] =	vst v13;
	v19 =	vsub.f32 v36, v3;
	v3 =	vmul.f32 v23, v23;
	v13 =	vmul.f32 v44, v44  }
0x2db: {  	v2 =	vadd.f32 v8, v7;
	v7 =	vmul.f32 v10, v16;
	v8 =	vmul.f32 v58, v58  }
0x2dc: {  	[tilespmem:$0x1F9D0] =	vst v58;
	v58 =	vmul.f32 v22, v22;
	v34 =	vmul.f32 v20, v20  }
0x2dd: {  	v14 =	vmul.f32 v47, v47;
	v35 =	vmul.f32 v48, v48  }
0x2de: {  	v8 =	vadd.f32 v9, v8;
	v9 =	vmul.f32 v21, v21;
	v7 =	vmul.f32 v7, v10  }
0x2df: {  	v36 =	vmul.f32 v19, v19;
	v3 =	vadd.f32 v58, v3;
	v12 =	vadd.f32 v14, v34;
	s20 =	spop (v2sf)  }
0x2e0: {  	[tilespmem:$0x1FA00] =	vst v22;
	v14 =	vmul.f32 v38, v5;
	v9 =	vadd.f32 v13, v9;
	v7 =	vsub.f32 $1.500000000e+00, v7;
	s3 =	smul.f32 $1.562500000e-02, s20  }
0x2e1: {  	v15 =	vmul.f32 v6, v15;
	[tilespmem:$0x1FA10] =	vst v21;
	v13 =	vadd.f32 v36, v35;
	v2 =	vadd.f32 v8, v2;
	s21 =	spop (v2sf)  }
0x2e2: {  	[tilespmem:$0x1FA20] =	vst v44;
	v7 =	vmul.f32 v7, v10;
	v10 =	vsub.f32 $1.500000000e+00, v14;
	s16 =	spop (v2sf);
	s20 =	smul.f32 $1.562500000e-02, s21;
	v41 =	vmov s3  }
0x2e3: {  	[tilespmem:$0x1FA60] =	vst v19;
	(xrf2) =	vadd.scan.msk.f32 $0xffff, v2;
	v2 =	vadd.f32 v9, v3;
	s19 =	spop (v2sf);
	v19 =	vsub.f32 v45, v41  }
0x2e4: {  	[tilespmem:$0x1FA30] =	vst v20;
	v22 =	vsub.f32 v46, v41;
	v20 =	vsub.f32 v43, v41;
	v43 =	vmov s20;
	s21 =	spop (v2sf)  }
0x2e5: {  	v15 =	vmul.f32 v15, v6;
	v21 =	vsub.f32 v39, v41;
	v27 =	vsub.f32 v40, v43;
	s10 =	smul.f32 $1.562500000e-02, s21;
	[tilespmem:$0x1FA80] =	vst v19  }
0x2e6: {  	v26 =	vsub.f32 v37, v43;
	v45 =	vmul.f32 v22, v22;
	v19 =	vmul.f32 v19, v19;
	[tilespmem:$0x1FA90] =	vst v20  }
0x2e7: {  	v20 =	vmul.f32 v20, v20;
	[tilespmem:$0x1FAA0] =	vst v21;
	v21 =	vmul.f32 v21, v21;
	v44 =	vmov s10;
	s10 =	smul.f32 $1.562500000e-02, s16  }
0x2e8: {  	v5 =	vmul.f32 v10, v5;
	v58 =	vsub.f32 v33, v43;
	[tilespmem:$0x1FA70] =	vst v22;
	v22 =	vsub.f32 v29, v43  }
0x2e9: {  	[tilespmem:$0x1FA40] =	vst v47;
	v8 =	vadd.f32 v19, v45;
	s16 =	smul.f32 $1.562500000e-02, s19;
	v20 =	vadd.f32 v21, v20;
	v47 =	vmov s10  }
0x2ea: {  	[tilespmem:$0x1FAE0] =	vst v26;
	v26 =	vmul.f32 v26, v26;
	v10 =	vadd.f32 $9.999999960e-13, v44;
	v36 =	vsub.f32 v17, v47  }
0x2eb: {  	v24 =	vsub.f32 v31, v47;
	v25 =	vsub.f32 v18, v47;
	v18 =	vmov s16  }
0x2ec: {  	v10 =	vbroadcast v10, $0x0;
	v35 =	vsub.f32 v30, v47;
	v28 =	vsub.f32 v61, v18  }
0x2ed: {  	[tilespmem:$0x1F9F0] =	vst v23;
	v17 =	vmul.f32 v11, v50;
	v23 =	vsub.f32 v62, v18;
	v31 =	vsub.f32 v63, v18  }
0x2ee: {  	v50 =	vsub.f32 v60, v18;
	[tilespmem:$0x1FAB0] =	vst v24;
	v24 =	vmul.f32 v24, v24;
	v18 =	vmul.f32 v35, v35  }
0x2ef: {  	v42 =	vsub.f32 $1.500000000e+00, v15;
	[tilespmem:$0x1FAC0] =	vst v25;
	v25 =	vmul.f32 v25, v25;
	v63 =	vmovc v23;
	v23 =	vmul.f32 v36, v36  }
0x2f0: {  	v8 =	vadd.f32 v20, v8;
	v46 =	vshrl.u32 v10, $0x1;
	v10 =	vmul.f32 $5.000000000e-01, v10  }
0x2f1: {  	v45 =	vld [tilespmem:$0x1FB40];
	v3 =	vmul.f32 v31, v31;
	v18 =	vadd.f32 v25, v18;
	v23 =	vadd.f32 v24, v23  }
0x2f2: {  	[tilespmem:$0x1FAF0] =	vst v22;
	v14 =	vsub.s32 $0x5F3759DF, v46;
	v9 =	vmul.f32 v50, v50;
	v25 =	vmul.f32 v22, v22;
	v22 =	vld [tilespmem:$0x1FB20]  }
0x2f3: {  	[tilespmem:$0x1FA50] =	vst v48;
	v20 =	vld [tilespmem:$0x1FB90];
	v29 =	vmul.f32 v28, v28;
	v48 =	vmul.f32 v14, v10;
	v33 =	vadd.f32 v18, v23  }
0x2f4: {  	[tilespmem:$0x1FAD0] =	vst v27;
	v24 =	vmul.f32 v27, v27;
	v27 =	vmul.f32 v58, v58;
	v3 =	vadd.f32 v9, v3;
	v9 =	vld [tilespmem:$0x1FB60]  }
0x2f5: {  	v12 =	vadd.f32 v13, v12;
	v30 =	vmul.f32 v63, v63;
	v15 =	vmul.f32 v14, v48;
	v48 =	vld [tilespmem:$0x1FB80];
	(xrf2) =	vadd.scan.msk.f32 $0xffff, v33  }
0x2f6: {  	v21 =	vadd.f32 v26, v24;
	v24 =	vadd.f32 v27, v25;
	v18 =	vld [tilespmem:$0x1FB10];
	(xrf2) =	vadd.scan.msk.f32 $0xffff, v2  }
0x2f7: {  	v25 =	vadd.f32 v30, v29;
	v34 =	vmul.f32 v4, v22;
	v22 =	vld [tilespmem:$0x1FB50];
	(xrf2) =	vadd.scan.msk.f32 $0xffff, v12  }
0x2f8: {  	v15 =	vsub.f32 $1.500000000e+00, v15;
	v2 =	vadd.f32 v24, v21;
	(xrf2) =	vadd.scan.msk.f32 $0xffff, v8;
	v8 =	vld [tilespmem:$0x1FB70]  }
0x2f9: {  	v3 =	vadd.f32 v3, v25;
	v21 =	vld [tilespmem:$0x1FBD0]  }
0x2fa: {  	v13 =	vmul.f32 v4, v45;
	v14 =	vmul.f32 v14, v15;
	(xrf2) =	vadd.scan.msk.f32 $0xffff, v2;
	v2 =	vld [tilespmem:$0x1FBA0]  }
0x2fb: {  	v9 =	vmul.f32 v0, v9;
	v15 =	vmul.f32 v0, v48;
	(xrf2) =	vadd.scan.msk.f32 $0xffff, v3;
	v3 =	vld [tilespmem:$0x1FBB0]  }
0x2fc: {  	v18 =	vmul.f32 v4, v18;
	v4 =	vmul.f32 v4, v22;
	v22 =	vld [tilespmem:$0x1FC00]  }
0x2fd: {  	v8 =	vmul.f32 v0, v8;
	v0 =	vmul.f32 v0, v20;
	v20 =	vld [tilespmem:$0x1FBC0]  }
0x2fe: {  	v46 =	vmul.f32 v14, v10  }
0x2ff: {  	v16 =	vmul.f32 v11, v51;
	v19 =	vmul.f32 v11, v52  }
0x300: {  	v51 =	vld [tilespmem:$0x1FBE0];
	v47 =	vmul.f32 v46, v14;
	v2 =	vmul.f32 v1, v2  }
0x301: {  	v3 =	vmul.f32 v1, v3;
	v52 =	vmul.f32 v7, v22;
	v22 =	vld [tilespmem:$0x1FC10]  }
0x302: {  	v20 =	vmul.f32 v1, v20;
	v1 =	vmul.f32 v1, v21;
	v21 =	vld [tilespmem:$0x1FBF0];
	_ =	sdelay $0x1  }
0x303: {  	v12 =	vsub.f32 $1.500000000e+00, v47  }
0x304: {  	v23, _, _ =	vpop (xrf2)  }
0x305: {  	(v2sf) =	vpush v23, $0xF;
	v23 =	vld [tilespmem:$0x1FC40];
	v12 =	vmul.f32 v12, v14;
	v14 =	vmul.f32 v7, v51  }
0x306: {  	v21 =	vmul.f32 v7, v21;
	v7 =	vmul.f32 v7, v22;
	v22 =	vld [tilespmem:$0x1FC20];
	_ =	sdelay $0x1  }
0x307: {  	v6 =	vmul.f32 v42, v6;
	v25 =	vld [tilespmem:$0xC9A0]  }
0x308: {  	v24 =	vld [tilespmem:$0xC9B0]  }
0x309: {  	v42 =	vmul.f32 v6, v54;
	v51 =	vmul.f32 v5, v23;
	v23 =	vld [tilespmem:$0x1FC50]  }
0x30a: {  	v11 =	vmul.f32 v11, v53;
	v53 =	vmul.f32 v5, v22;
	v22 =	vld [tilespmem:$0x1FC30]  }
0x30b: {  	v44 =	vmul.f32 v6, v56;
	v56 =	vmul.f32 v6, v55  }
0x30c: {  	v16 =	vmul.f32 v16, v25;
	v18 =	vmul.f32 v18, v25  }
0x30d: {  	v61 =	vld [tilespmem:$0x1FC70];
	v9 =	vmul.f32 v9, v25;
	v42 =	vmul.f32 v42, v25;
	v26, _, _ =	vpop (xrf2)  }
0x30e: {  	v17 =	vmul.f32 v17, v24;
	v10 =	vmul.f32 v12, v10;
	(v2sf) =	vpush v26, $0xF;
	v26 =	vld [tilespmem:$0xC9C0]  }
0x30f: {  	v27, _, _ =	vpop (xrf2);
	v48 =	vmul.f32 v5, v22;
	v5 =	vmul.f32 v5, v23;
	v23 =	vld [tilespmem:$0x1FC60]  }
0x310: {  	v37 =	vmul.f32 v34, v24;
	v39 =	vmul.f32 v44, v24;
	(v2sf) =	vpush v27, $0xF;
	v29, _, _ =	vpop (xrf2);
	v22 =	vld [tilespmem:$0xC9D0]  }
0x311: {  	v8 =	vmul.f32 v8, v24;
	v10 =	vmul.f32 v10, v12;
	(v2sf) =	vpush v29, $0xF;
	v29 =	vld [tilespmem:$0xC9E0]  }
0x312: {  	v2 =	vmul.f32 v2, v25;
	v14 =	vmul.f32 v14, v25;
	v27 =	vld [tilespmem:$0xCA10];
	v30, _, _ =	vpop (xrf2)  }
0x313: {  	v3 =	vmul.f32 v3, v24;
	(v2sf) =	vpush v30, $0xF;
	v30 =	vld [tilespmem:$0xC9F0];
	v60, _, _ =	vpop (xrf2);
	v10 =	vsub.f32 $1.500000000e+00, v10  }
0x314: {  	[tilespmem:$0x1FB30] =	vst v31;
	(v2sf) =	vpush v60, $0xF;
	v31, _, _ =	vpop (xrf2);
	v19 =	vmul.f32 v19, v26;
	v6 =	vmul.f32 v6, v23;
	v23 =	vld [tilespmem:$0x1FC80]  }
0x315: {  	(v2sf) =	vpush v31, $0xF;
	v31 =	vld [tilespmem:$0xCA00];
	v10 =	vmul.f32 v10, v12;
	v12 =	vmul.f32 v61, v22  }
0x316: {  	v13 =	vmul.f32 v13, v26;
	v15 =	vmul.f32 v15, v26;
	v16 =	vadd.f32 v16, v29  }
0x317: {  	v20 =	vmul.f32 v20, v26;
	v18 =	vadd.f32 v18, v29;
	v12 =	vadd.f32 v12, v27  }
0x318: {  	s3 =	simm.s32 $0x98A0;
	[tilespmem:$0x1FB00] =	vst v28;
	v34 =	vmul.f32 v52, v26;
	v9 =	vadd.f32 v9, v29;
	v2 =	vadd.f32 v2, v29  }
0x319: {  	v17 =	vadd.f32 v17, v30;
	v11 =	vmul.f32 v11, v22;
	v62 =	vmul.f32 v23, v25;
	v23 =	vld [tilespmem:$0x1FC90];
	[tilespmem:s3+$0xF0] =	vst v12  }
0x31a: {  	v54 =	vmul.f32 v51, v26;
	v14 =	vadd.f32 v14, v29;
	v19 =	vadd.f32 v19, v31;
	[tilespmem:s3+$0xFFFFFF00] =	vst v16  }
0x31b: {  	v38 =	vmul.f32 v56, v26;
	v37 =	vadd.f32 v37, v30;
	v11 =	vadd.f32 v11, v27;
	[tilespmem:s3+$0xFFFFFF10] =	vst v17  }
0x31c: {  	v8 =	vadd.f32 v8, v30;
	v3 =	vadd.f32 v3, v30;
	v60 =	vmul.f32 v10, v49;
	[tilespmem:s3+$0xFFFFFF20] =	vst v19  }
0x31d: {  	v21 =	vmul.f32 v21, v24;
	v52 =	vadd.f32 v13, v31;
	v4 =	vmul.f32 v4, v22;
	[tilespmem:s3+$0xFFFFFF30] =	vst v11  }
0x31e: {  	v15 =	vadd.f32 v15, v31;
	v56 =	vadd.f32 v34, v31;
	v45 =	vmul.f32 v60, v25;
	[tilespmem:s3+$0xFFFFFF40] =	vst v18  }
0x31f: {  	s19 =	spop (v2sf);
	v0 =	vmul.f32 v0, v22;
	v1 =	vmul.f32 v1, v22;
	v4 =	vadd.f32 v4, v27;
	[tilespmem:s3+$0xFFFFFF50] =	vst v37  }
0x320: {  	s10 =	smul.f32 $1.562500000e-02, s19;
	v53 =	vmul.f32 v53, v25;
	v40 =	vmul.f32 v48, v24;
	[tilespmem:s3+$0xFFFFFF60] =	vst v52;
	v43 =	vadd.f32 v62, v29  }
0x321: {  	v7 =	vmul.f32 v7, v22;
	v0 =	vadd.f32 v0, v27;
	v1 =	vadd.f32 v1, v27;
	[tilespmem:s3+$0xFFFFFF70] =	vst v4  }
0x322: {  	s20 =	spop (v2sf);
	[tilespmem:s3+$0xC0] =	vst v43;
	v43 =	vmul.f32 v5, v22;
	v5 =	vmov s10;
	v33 =	vmul.f32 v23, v24  }
0x323: {  	v61 =	vmul.f32 v10, v32;
	v7 =	vadd.f32 v7, v27;
	[tilespmem:s3+$0xFFFFFF80] =	vst v9;
	s10 =	smul.f32 $1.562500000e-02, s20;
	v5 =	vadd.f32 $9.999999960e-13, v5  }
0x324: {  	v41 =	vmul.f32 v6, v22;
	v6 =	vadd.f32 v40, v30;
	[tilespmem:s3+$0xFFFFFF90] =	vst v8;
	v46 =	vadd.f32 v33, v30  }
0x325: {  	v11 =	vadd.f32 v20, v31;
	[tilespmem:s3+$0xFFFFFFA0] =	vst v15;
	v9 =	vmov s10;
	v5 =	vbroadcast v5, $0x0  }
0x326: {  	s21 =	spop (v2sf);
	v13 =	vmul.f32 v61, v22;
	v4 =	vadd.f32 v53, v29;
	v8 =	vadd.f32 $9.999999960e-13, v9;
	[tilespmem:s3+$0xD0] =	vst v46  }
0x327: {  	v19 =	vmul.f32 v10, v57;
	s10 =	smul.f32 $1.562500000e-02, s21;
	v55 =	vshrl.u32 v5, $0x1;
	v44 =	vmul.f32 $5.000000000e-01, v5;
	v9 =	vld [tilespmem:$0x1FCA0];
	[tilespmem:s3+$0xFFFFFFB0] =	vst v0  }
0x328: {  	v20 =	vmul.f32 v10, v59;
	v16 =	vsub.s32 $0x5F3759DF, v55;
	v0 =	vbroadcast v8, $0x0;
	[tilespmem:$0x1FCB0] =	vst v22  }
0x329: {  	s16 =	spop (v2sf);
	v40 =	vmul.f32 v19, v24;
	v8 =	vmov s10;
	v18 =	vmul.f32 v16, v44;
	[tilespmem:s3+$0xFFFFFFC0] =	vst v2  }
0x32a: {  	v5 =	vadd.f32 v21, v30;
	s10 =	smul.f32 $1.562500000e-02, s16;
	v2 =	vadd.f32 $9.999999960e-13, v8;
	[tilespmem:s3+$0xFFFFFFD0] =	vst v3;
	v3 =	vshrl.u32 v0, $0x1  }
0x32b: {  	s19 =	spop (v2sf);
	v46 =	vmul.f32 $5.000000000e-01, v0;
	v8 =	vadd.f32 v13, v27;
	v10 =	vmul.f32 v16, v18  }
0x32c: {  	[tilespmem:s3+$0xFFFFFFE0] =	vst v11;
	v0 =	vsub.s32 $0x5F3759DF, v3;
	v3 =	vmov s10;
	s10 =	smul.f32 $1.562500000e-02, s19;
	v2 =	vbroadcast v2, $0x0  }
0x32d: {  	[tilespmem:s3+$0xFFFFFFF0] =	vst v1;
	v1 =	vmul.f32 v0, v46;
	v3 =	vadd.f32 $9.999999960e-13, v3;
	v37 =	vmul.f32 v9, v26  }
0x32e: {  	[tilespmem:s3+$0x10] =	vst v5;
	v10 =	vsub.f32 $1.500000000e+00, v10;
	v5 =	vmov s10;
	v11 =	vshrl.u32 v2, $0x1  }
0x32f: {  	v51 =	vmul.f32 $5.000000000e-01, v2;
	v3 =	vbroadcast v3, $0x0;
	v5 =	vadd.f32 $9.999999960e-13, v5  }
0x330: {  	s20 =	spop (v2sf);
	[tilespmem:s3+$0x0] =	vst v14;
	v48 =	vmul.f32 v16, v10;
	v2 =	vsub.s32 $0x5F3759DF, v11;
	v11 =	vmul.f32 v0, v1  }
0x331: {  	[tilespmem:s3+$0x30] =	vst v7;
	v9 =	vadd.f32 v54, v31;
	s10 =	smul.f32 $1.562500000e-02, s20;
	v62 =	vmul.f32 v2, v51;
	v52 =	vmul.f32 $5.000000000e-01, v3  }
0x332: {  	[tilespmem:s3+$0x40] =	vst v4;
	v7 =	vshrl.u32 v3, $0x1;
	v4 =	vbroadcast v5, $0x0;
	v10 =	vmul.f32 v48, v44  }
0x333: {  	s21 =	spop (v2sf);
	[tilespmem:s3+$0x50] =	vst v6;
	v5 =	vmov s10;
	v3 =	vsub.s32 $0x5F3759DF, v7;
	v6 =	vmul.f32 v2, v62  }
0x334: {  	[tilespmem:s3+$0x20] =	vst v56;
	s10 =	smul.f32 $1.562500000e-02, s21;
	v7 =	vmul.f32 v3, v52;
	v1 =	vmul.f32 v10, v48;
	v10 =	vadd.f32 $9.999999960e-13, v5  }
0x335: {  	s16 =	simm.s32 $0x9AA0;
	[tilespmem:s3+$0x60] =	vst v9;
	v9 =	vshrl.u32 v4, $0x1;
	v54 =	vmul.f32 $5.000000000e-01, v4;
	v5 =	vsub.f32 $1.500000000e+00, v11  }
0x336: {  	s19 =	simm.s32 $0x8;
	[tilespmem:s16+$0xF0] =	vst v8;
	s20 =	simm.s32 $0x38A0;
	v4 =	vsub.s32 $0x5F3759DF, v9;
	v9 =	vmov s10;
	v8 =	vbroadcast v10, $0x0  }
.LBB2_5:
0x337: {  	v9 =	vadd.f32 $9.999999960e-13, v9;
	v5 =	vmul.f32 v0, v5  }
0x338: {  	v12 =	vsub.f32 $1.500000000e+00, v6;
	v10 =	vmul.f32 v3, v7;
	v11 =	vmul.f32 v4, v54  }
0x339: {  	v53 =	vld [tilespmem:s20+$0xC0];
	v6 =	vshrl.u32 v8, $0x1;
	v7 =	vmul.f32 $5.000000000e-01, v8;
	v9 =	vbroadcast v9, $0x0  }
0x33a: {  	v60 =	vld [tilespmem:s20+$0xD0];
	v14 =	vmul.f32 v5, v46;
	v8 =	vmul.f32 v4, v11;
	v11 =	vsub.s32 $0x5F3759DF, v6  }
0x33b: {  	v61 =	vld [tilespmem:s20+$0xE0];
	v17 =	vmul.f32 v2, v12;
	v0 =	vsub.f32 $1.500000000e+00, v10;
	v10 =	vmul.f32 v11, v7  }
0x33c: {  	v6 =	vld [tilespmem:s20+$0xF0];
	v13 =	vshrl.u32 v9, $0x1;
	v15 =	vmul.f32 $5.000000000e-01, v9;
	v14 =	vmul.f32 v14, v5  }
0x33d: {  	v56 =	vld [tilespmem:s20+$0xFFFFFF40];
	v8 =	vsub.f32 $1.500000000e+00, v8;
	v9 =	vsub.s32 $0x5F3759DF, v13;
	v13 =	vmul.f32 v3, v0  }
0x33e: {  	v57 =	vld [tilespmem:s20+$0xFFFFFF50];
	v2 =	vmul.f32 v11, v10;
	v0 =	vmul.f32 v9, v15  }
0x33f: {  	[tilespmem:$0x1F970] =	vst v58;
	v58 =	vld [tilespmem:s20+$0xFFFFFF80];
	v10 =	vsub.f32 $1.500000000e+00, v1;
	v18 =	vmul.f32 v4, v8;
	v8 =	vadd.f32 v43, v27  }
0x340: {  	v19 =	vmul.f32 v13, v52;
	v1 =	vsub.f32 $1.500000000e+00, v2;
	v4 =	vmul.f32 v9, v0;
	v0 =	vld [tilespmem:s20+$0xFFFFFF60]  }
0x341: {  	v2 =	vadd.f32 v60, v53;
	v3 =	vadd.f32 v6, v61;
	[tilespmem:s3+$0x70] =	vst v8;
	v8 =	vld [tilespmem:s20+$0xFFFFFFA0]  }
0x342: {  	v16 =	vmul.f32 v17, v51;
	v62 =	vmul.f32 v19, v13;
	v19 =	vsub.f32 $1.500000000e+00, v14;
	v14 =	vld [tilespmem:s20+$0xFFFFFFE0]  }
0x343: {  	v11 =	vmul.f32 v11, v1;
	v1 =	vld [tilespmem:s20+$0xFFFFFF70];
	v2 =	vadd.f32 v3, v2;
	v4 =	vsub.f32 $1.500000000e+00, v4  }
0x344: {  	[tilespmem:$0x1F9A0] =	vst v20;
	v10 =	vmul.f32 v10, v48;
	v20 =	vmul.f32 v18, v54;
	v3 =	vld [tilespmem:s20+$0xFFFFFF90]  }
0x345: {  	v21 =	vmul.f32 v11, v7;
	(xrf2) =	vadd.scan.msk.f32 $0xffff, v2;
	v32 =	vmul.f32 v9, v4;
	v4 =	vadd.f32 v42, v29;
	v2 =	vld [tilespmem:s20+$0xFFFFFFB0]  }
0x346: {  	[tilespmem:$0x1F980] =	vst v63;
	v34 =	vadd.f32 v57, v56;
	v63 =	vmul.f32 v20, v18;
	v9 =	vmul.f32 v16, v17;
	v16 =	vld [tilespmem:s20+$0xFFFFFFF0]  }
0x347: {  	v59 =	vsub.f32 $1.500000000e+00, v62;
	v20 =	vmul.f32 v32, v15;
	[tilespmem:s3+$0x80] =	vst v4;
	v4 =	vld [tilespmem:s20+$0xFFFFFFC0];
	v21 =	vmul.f32 v21, v11  }
0x348: {  	v22 =	vmul.f32 v19, v5;
	v55 =	vsub.f32 $1.500000000e+00, v9;
	v9 =	vld [tilespmem:s20+$0xFFFFFFD0];
	v33 =	vadd.f32 v1, v0  }
0x349: {  	v42 =	vld [tilespmem:s20+$0x0];
	v62 =	vsub.f32 $1.500000000e+00, v63;
	v20 =	vmul.f32 v20, v32;
	v5 =	vsub.f32 $1.500000000e+00, v21  }
0x34a: {  	v13 =	vmul.f32 v59, v13;
	v59 =	vld [tilespmem:s20+$0x10];
	v43 =	vadd.f32 v33, v34;
	v34 =	vadd.f32 v3, v58  }
0x34b: {  	v21 =	vmul.f32 v55, v17;
	v17 =	vld [tilespmem:s20+$0x50];
	v19 =	vsub.f32 $1.500000000e+00, v20;
	v20 =	vadd.f32 v2, v8  }
0x34c: {  	v48 =	vmul.f32 v5, v11;
	v11 =	vadd.f32 v39, v30;
	v5 =	vld [tilespmem:s20+$0x20];
	(xrf2) =	vadd.scan.msk.f32 $0xffff, v43;
	v43 =	vmul.f32 v62, v18  }
0x34d: {  	v18 =	vadd.f32 v9, v4;
	v62 =	vadd.f32 v16, v14;
	v55 =	vmul.f32 v19, v32;
	v32 =	vld [tilespmem:s20+$0x30]  }
0x34e: {  	v38 =	vadd.f32 v38, v31;
	v39 =	vmul.f32 v10, v44;
	v63 =	vadd.f32 v20, v34;
	[tilespmem:s3+$0x90] =	vst v11;
	v11 =	vld [tilespmem:s20+$0x40]  }
0x34f: {  	v20 =	vmul.f32 v22, v46;
	v46 =	vmul.f32 v21, v51;
	v33 =	vadd.f32 v62, v18;
	v18 =	vld [tilespmem:s20+$0x60];
	v19, _, _ =	vpop (xrf2)  }
0x350: {  	v51 =	vmul.f32 v13, v52;
	v39 =	vmul.f32 v39, v10;
	(v2sf) =	vpush v19, $0xF;
	v19 =	vld [tilespmem:s20+$0x70]  }
0x351: {  	v44 =	vadd.f32 v59, v42;
	v7 =	vmul.f32 v48, v7;
	v52 =	vmul.f32 v43, v54  }
0x352: {  	v51 =	vmul.f32 v51, v13;
	v39 =	vsub.f32 $1.500000000e+00, v39;
	v34 =	vadd.f32 v32, v5  }
0x353: {  	(xrf2) =	vadd.scan.msk.f32 $0xffff, v63;
	v63 =	vadd.f32 v41, v27;
	v23 =	vmul.f32 v20, v22;
	v41 =	vmul.f32 v46, v21  }
0x354: {  	v46 =	vmul.f32 v39, v10;
	v10 =	vsub.f32 $1.500000000e+00, v51;
	v44 =	vadd.f32 v34, v44  }
0x355: {  	[tilespmem:s3+$0xA0] =	vst v38;
	v62 =	vmul.f32 v7, v48;
	v34 =	vadd.f32 v17, v11;
	v28 =	vadd.f32 v19, v18  }
0x356: {  	(xrf2) =	vadd.scan.msk.f32 $0xffff, v33;
	[tilespmem:s3+$0xB0] =	vst v63;
	v33 =	vsub.f32 $1.500000000e+00, v23;
	v41 =	vsub.f32 $1.500000000e+00, v41  }
0x357: {  	v38 =	vld [tilespmem:s20+$0x80];
	v28 =	vadd.f32 v28, v34;
	v34 =	vmul.f32 v10, v13;
	v10 =	vsub.f32 $1.500000000e+00, v62  }
0x358: {  	v15 =	vmul.f32 v55, v15;
	v54 =	vld [tilespmem:s20+$0x90];
	v22 =	vmul.f32 v33, v22  }
0x359: {  	v33 =	vmul.f32 v41, v21;
	v21 =	vmul.f32 v10, v48;
	v10 =	vld [tilespmem:$0x1FAB0]  }
0x35a: {  	v63 =	vld [tilespmem:s20+$0xA0]  }
0x35b: {  	v15 =	vmul.f32 v15, v55;
	v7 =	vld [tilespmem:s20+$0xB0]  }
0x35c: {  	v49 =	vld [tilespmem:s20+$0xFFFFFF20]  }
0x35d: {  	[tilespmem:$0x1F990] =	vst v50;
	v50 =	vld [tilespmem:s20+$0xFFFFFF30];
	v52 =	vmul.f32 v52, v43;
	v15 =	vsub.f32 $1.500000000e+00, v15;
	v20, _, _ =	vpop (xrf2)  }
0x35e: {  	v47 =	vld [tilespmem:s20+$0xFFFFFF10];
	v45 =	vadd.f32 v45, v29;
	(v2sf) =	vpush v20, $0xF;
	v41 =	vmul.f32 v22, v10  }
0x35f: {  	v39 =	vsub.f32 $1.500000000e+00, v52;
	v10 =	vmul.f32 v15, v55;
	v55 =	vmul.f32 v22, v35;
	v35 =	vld [tilespmem:$0x1FAC0]  }
0x360: {  	(xrf2) =	vadd.scan.msk.f32 $0xffff, v44;
	v20 =	vld [tilespmem:s20+$0xFFFFFF00];
	v44 =	vadd.f32 v54, v38;
	v51 =	vadd.f32 v7, v63  }
0x361: {  	v40 =	vadd.f32 v40, v30;
	[tilespmem:s16+$0xC0] =	vst v45;
	s10 =	spop (v2sf)  }
0x362: {  	v45 =	vld [tilespmem:$0x1F9D0];
	v12 =	vadd.f32 v50, v49;
	v52, _, _ =	vpop (xrf2);
	(xrf2) =	vadd.scan.msk.f32 $0xffff, v28;
	v28 =	vmul.f32 v39, v43;
	v13 =	vadd.f32 v51, v44;
	s10 =	smul.f32 $1.562500000e-02, s10  }
0x363: {  	v39 =	vmul.f32 v22, v36;
	v36 =	vld [tilespmem:$0x1F9B0];
	v48 =	vadd.f32 v37, v31;
	(v2sf) =	vpush v52, $0xF;
	v62, _, _ =	vpop (xrf2)  }
0x364: {  	v44 =	vld [tilespmem:$0x1F9C0];
	(v2sf) =	vpush v62, $0xF;
	v62 =	vmul.f32 v22, v35;
	v22 =	vmov s10  }
0x365: {  	[tilespmem:s16+$0xD0] =	vst v40;
	v52 =	vadd.f32 v47, v20;
	v40 =	vsub.f32 v60, v22;
	v60 =	vld [tilespmem:$0x1FA00]  }
0x366: {  	[tilespmem:s3+$0xE0] =	vst v48;
	v48 =	vsub.f32 v6, v22;
	v6 =	vld [tilespmem:$0x1FA10]  }
0x367: {  	v23 =	vld [tilespmem:$0x1F9E0];
	v12 =	vadd.f32 v12, v52  }
0x368: {  	v51 =	vmul.f32 v46, v45  }
0x369: {  	v43 =	vmul.f32 v46, v36;
	v44 =	vmul.f32 v46, v44;
	(xrf2) =	vadd.scan.msk.f32 $0xffff, v12;
	v45 =	vsub.f32 v53, v22  }
0x36a: {  	v15 =	vmul.f32 v40, v40;
	v53 =	vmul.f32 v33, v60  }
0x36b: {  	v35, _, _ =	vpop (xrf2);
	(xrf2) =	vadd.scan.msk.f32 $0xffff, v13;
	v60 =	vmul.f32 v33, v6;
	v6 =	vmul.f32 v45, v45  }
0x36c: {  	v52 =	vmul.f32 v46, v23;
	v46 =	vsub.f32 v61, v22;
	(v2sf) =	vpush v35, $0xF;
	v36, _, _ =	vpop (xrf2);
	v61 =	vld [tilespmem:$0x1FA20]  }
0x36d: {  	s21 =	spop (v2sf);
	(v2sf) =	vpush v36, $0xF;
	v36 =	vadd.f32 v15, v6;
	v6 =	vld [tilespmem:$0x1FA40]  }
0x36e: {  	v22 =	vmul.f32 v46, v46;
	v35 =	vmul.f32 v48, v48;
	s10 =	smul.f32 $1.562500000e-02, s21  }
0x36f: {  	v23 =	vld [tilespmem:$0x1F9F0]  }
0x370: {  	v22 =	vadd.f32 v35, v22;
	v35 =	vmov s10  }
0x371: {  	v1 =	vsub.f32 v1, v35  }
0x372: {  	v12 =	vmul.f32 v33, v61;
	v61 =	vmul.f32 v34, v6;
	v6 =	vld [tilespmem:$0x1FA50]  }
0x373: {  	v22 =	vadd.f32 v22, v36;
	v36 =	vsub.f32 v57, v35;
	v57, _, _ =	vpop (xrf2)  }
0x374: {  	v37 =	vmul.f32 v33, v23;
	s21 =	spop (v2sf);
	[tilespmem:$0x1F9E0] =	vst v1;
	(v2sf) =	vpush v57, $0xF  }
0x375: {  	v33 =	vld [tilespmem:$0x1FA30];
	(xrf2) =	vadd.scan.msk.f32 $0xffff, v22;
	[tilespmem:$0x1F9C0] =	vst v36;
	v22 =	vmul.f32 v36, v36;
	v36 =	vmul.f32 v1, v1;
	v1, _, _ =	vpop (xrf2)  }
0x376: {  	s10 =	smul.f32 $1.562500000e-02, s21;
	s21 =	spop (v2sf);
	(v2sf) =	vpush v1, $0xF;
	v1 =	vld [tilespmem:$0x1FA90]  }
0x377: {  	v15 =	vmul.f32 v34, v6;
	v6 =	vld [tilespmem:$0x1FA60]  }
0x378: {  	v23 =	vld [tilespmem:$0x1FA70];
	_ =	sdelay $0x2  }
0x379: {  	v13 =	vmul.f32 v34, v33  }
0x37a: {  	v1 =	vmul.f32 v28, v1;
	v6 =	vmul.f32 v34, v6  }
0x37b: {  	v34 =	vsub.f32 v56, v35;
	v56 =	vmul.f32 v28, v23;
	v23 =	vsub.f32 v0, v35  }
0x37c: {  	v1 =	vmul.f32 v1, v26;
	v35 =	vmov s10;
	s10 =	smul.f32 $1.562500000e-02, s21  }
0x37d: {  	v58 =	vsub.f32 v58, v35;
	v57 =	vsub.f32 v3, v35;
	[tilespmem:$0x1F9B0] =	vst v34;
	v33 =	vmul.f32 v23, v23  }
0x37e: {  	v0 =	vld [tilespmem:$0x1FA80];
	[tilespmem:$0x1F9D0] =	vst v23;
	v23 =	vsub.f32 v8, v35;
	v35 =	vsub.f32 v2, v35;
	v2 =	vmov s10  }
0x37f: {  	v34 =	vmul.f32 v34, v34;
	[tilespmem:$0x1F9F0] =	vst v58;
	v3 =	vmul.f32 v58, v58;
	v4 =	vsub.f32 v4, v2  }
0x380: {  	[tilespmem:$0x1FA00] =	vst v57;
	v8 =	vmul.f32 v57, v57;
	v57 =	vsub.f32 v14, v2;
	v58 =	vsub.f32 v16, v2  }
0x381: {  	v22 =	vadd.f32 v22, v34;
	[tilespmem:$0x1FA10] =	vst v23;
	v34 =	vmul.f32 v23, v23;
	v23 =	vsub.f32 v9, v2;
	v2 =	vld [tilespmem:$0x1FAA0]  }
0x382: {  	v37 =	vmul.f32 v37, v25;
	v1 =	vadd.f32 v1, v31;
	[tilespmem:$0x1FA20] =	vst v35;
	v35 =	vmul.f32 v35, v35  }
0x383: {  	v9 =	vadd.f32 v36, v33;
	v0 =	vmul.f32 v28, v0;
	v36 =	vmul.f32 v4, v4  }
0x384: {  	v8 =	vadd.f32 v8, v3;
	[tilespmem:$0x1FA50] =	vst v57;
	v57 =	vmul.f32 v57, v57;
	v3 =	vld [tilespmem:$0x1FAD0];
	v14 =	vmul.f32 v23, v23  }
0x385: {  	s21 =	spop (v2sf);
	[tilespmem:$0x1FA30] =	vst v4;
	v33 =	vadd.f32 v35, v34;
	v9 =	vadd.f32 v9, v22;
	v4, _, _ =	vpop (xrf2);
	v0 =	vmul.f32 v0, v24  }
0x386: {  	s10 =	smul.f32 $1.562500000e-02, s21;
	s21 =	spop (v2sf);
	(v2sf) =	vpush v4, $0xF;
	v4 =	vld [tilespmem:$0x1FAE0];
	v2 =	vmul.f32 v28, v2;
	v28 =	vmul.f32 v58, v58  }
0x387: {  	v13 =	vmul.f32 v13, v25;
	v14 =	vadd.f32 v14, v36;
	v8 =	vadd.f32 v33, v8  }
0x388: {  	s21 =	smul.f32 $1.562500000e-02, s21;
	(xrf2) =	vadd.scan.msk.f32 $0xffff, v9;
	v9 =	vld [tilespmem:$0x1FAF0];
	v0 =	vadd.f32 v0, v30;
	v16 =	vadd.f32 v28, v57;
	v28 =	vmov s10  }
0x389: {  	[tilespmem:$0x1FA60] =	vst v58;
	v3 =	vmul.f32 v21, v3;
	v58 =	vsub.f32 v42, v28;
	v59 =	vsub.f32 v59, v28  }
0x38a: {  	[tilespmem:$0x1FA40] =	vst v23;
	v23 =	vsub.f32 v5, v28;
	v42 =	vsub.f32 v32, v28;
	v5 =	vmov s21  }
0x38b: {  	v4 =	vmul.f32 v21, v4;
	v57 =	vsub.f32 v11, v5;
	v14 =	vadd.f32 v16, v14;
	[tilespmem:$0x1FA70] =	vst v58  }
0x38c: {  	s21 =	spop (v2sf);
	v28 =	vmul.f32 v58, v58;
	v58 =	vsub.f32 v17, v5;
	[tilespmem:$0x1FA80] =	vst v59;
	v11 =	vmul.f32 v59, v59  }
0x38d: {  	s10 =	smul.f32 $1.562500000e-02, s21;
	v9 =	vmul.f32 v21, v9;
	v59 =	vsub.f32 v18, v5;
	v5 =	vsub.f32 v19, v5;
	[tilespmem:$0x1FA90] =	vst v23  }
0x38e: {  	v18 =	vmul.f32 v23, v23;
	v11 =	vadd.f32 v11, v28;
	[tilespmem:$0x1FAE0] =	vst v58;
	v28 =	vmul.f32 v58, v58;
	v58 =	vld [tilespmem:$0x1F970]  }
0x38f: {  	v19 =	vmul.f32 v42, v42;
	[tilespmem:$0x1FAD0] =	vst v57;
	v22 =	vmul.f32 v57, v57;
	v57 =	vmov s10  }
0x390: {  	s21 =	spop (v2sf);
	[tilespmem:$0x1FAA0] =	vst v42;
	v34 =	vmul.f32 v59, v59;
	v47 =	vsub.f32 v47, v57;
	v35 =	vsub.f32 v49, v57  }
0x391: {  	s10 =	smul.f32 $1.562500000e-02, s21;
	v42 =	vmul.f32 v5, v5;
	v36 =	vsub.f32 v20, v57;
	v20 =	vmovc v59;
	v23 =	vsub.f32 v50, v57  }
0x392: {  	v18 =	vadd.f32 v19, v18;
	[tilespmem:$0x1FAF0] =	vst v20;
	v20 =	vmul.f32 v47, v47;
	v59 =	vmul.f32 v35, v35  }
0x393: {  	[tilespmem:$0x1FAB0] =	vst v47;
	v19 =	vadd.f32 v28, v22;
	v22 =	vld [tilespmem:$0x1FB00];
	v17 =	vmul.f32 v21, v58;
	v21 =	vmov s10  }
0x394: {  	v58 =	vmovc v5;
	v5 =	vmul.f32 v36, v36;
	v47 =	vsub.f32 v54, v21;
	v54 =	vmul.f32 v23, v23  }
0x395: {  	v15 =	vmul.f32 v15, v26;
	v11 =	vadd.f32 v18, v11;
	v38 =	vsub.f32 v38, v21  }
0x396: {  	v3 =	vmul.f32 v3, v25;
	v49 =	vld [tilespmem:$0x1FB30];
	v5 =	vadd.f32 v20, v5;
	s21 =	spop (v2sf);
	v32 =	vadd.f32 v54, v59  }
0x397: {  	v18 =	vmul.f32 v39, v25;
	v50 =	vsub.f32 v63, v21;
	v7 =	vsub.f32 v7, v21;
	s10 =	smul.f32 $1.562500000e-02, s21  }
0x398: {  	v22 =	vmul.f32 v10, v22;
	v20 =	vmul.f32 v38, v38;
	v5 =	vadd.f32 v32, v5  }
0x399: {  	[tilespmem:$0x1FAC0] =	vst v23;
	v21 =	vmul.f32 v47, v47;
	v57 =	vmul.f32 v50, v50;
	v54 =	vmov s10  }
0x39a: {  	v28 =	vmov v38;
	v63 =	vmov v47;
	v47, _, _ =	vpop (xrf2);
	v16 =	vadd.f32 $9.999999960e-13, v54;
	(xrf2) =	vadd.scan.msk.f32 $0xffff, v5  }
0x39b: {  	v23 =	vld [tilespmem:$0x1FCB0];
	v59 =	vmul.f32 v7, v7;
	v38 =	vmul.f32 v10, v49;
	[tilespmem:$0x1FB00] =	vst v28;
	v28 =	vadd.f32 v42, v34  }
0x39c: {  	v20 =	vadd.f32 v21, v20;
	v21 =	vld [tilespmem:$0x1F980];
	(v2sf) =	vpush v47, $0xF;
	v16 =	vbroadcast v16, $0x0  }
0x39d: {  	v42 =	vadd.f32 v59, v57;
	v57 =	vmovc v50;
	v5 =	vld [tilespmem:$0x1F990];
	v50 =	vmov v7;
	v7 =	vadd.f32 v28, v19;
	(xrf2) =	vadd.scan.msk.f32 $0xffff, v8  }
0x39e: {  	v19 =	vmul.f32 v41, v24;
	v28 =	vshrl.u32 v16, $0x1;
	v16 =	vmul.f32 $5.000000000e-01, v16  }
0x39f: {  	v59 =	vmul.f32 v43, v25;
	v8 =	vadd.f32 v18, v29;
	v28 =	vsub.s32 $0x5F3759DF, v28  }
0x3a0: {  	(xrf2) =	vadd.scan.msk.f32 $0xffff, v14;
	v49 =	vadd.f32 v19, v30;
	v19 =	vmul.f32 v52, v23;
	v41 =	vmul.f32 v28, v16  }
0x3a1: {  	v3 =	vadd.f32 v3, v29;
	v21 =	vmul.f32 v10, v21;
	[tilespmem:s16+$0xFFFFFF00] =	vst v8;
	v8 =	vmul.f32 v44, v24  }
0x3a2: {  	(xrf2) =	vadd.scan.msk.f32 $0xffff, v11;
	v11 =	vadd.f32 v59, v29;
	v5 =	vmul.f32 v10, v5;
	v52 =	vmul.f32 v28, v41  }
0x3a3: {  	v10 =	vadd.f32 v42, v20;
	v20 =	vmul.f32 v62, v23;
	v62 =	vmul.f32 v51, v26  }
0x3a4: {  	v4 =	vmul.f32 v4, v24;
	v18 =	vmul.f32 v55, v26;
	v54 =	vsub.f32 $1.500000000e+00, v52;
	v55, _, _ =	vpop (xrf2)  }
0x3a5: {  	[tilespmem:s16+$0xFFFFFF40] =	vst v11;
	v11 =	vadd.f32 v62, v31;
	(xrf2) =	vadd.scan.msk.f32 $0xffff, v7;
	(v2sf) =	vpush v55, $0xF  }
0x3a6: {  	v4 =	vadd.f32 v4, v30;
	v38 =	vmul.f32 v38, v26;
	v28 =	vmul.f32 v28, v54  }
0x3a7: {  	v12 =	vmul.f32 v12, v23;
	[tilespmem:s16+$0xFFFFFF60] =	vst v11;
	v11 =	vadd.f32 v37, v29;
	v7 =	vadd.f32 v8, v30;
	v8, _, _ =	vpop (xrf2)  }
0x3a8: {  	v6 =	vmul.f32 v6, v23;
	(v2sf) =	vpush v8, $0xF;
	v32 =	vmul.f32 v28, v16  }
0x3a9: {  	v2 =	vmul.f32 v2, v23;
	v43 =	vmul.f32 v17, v23;
	(xrf2) =	vadd.scan.msk.f32 $0xffff, v10;
	[tilespmem:s16+$0xFFFFFF80] =	vst v11;
	v11 =	vld [tilespmem:$0x1F9A0]  }
0x3aa: {  	[tilespmem:s16+$0xFFFFFF50] =	vst v7;
	v7 =	vadd.f32 v19, v27;
	v8 =	vmul.f32 v9, v26;
	v10, _, _ =	vpop (xrf2);
	v9 =	vmul.f32 v32, v28  }
0x3ab: {  	[tilespmem:$0x1FB30] =	vst v57;
	v57 =	vmul.f32 v56, v25;
	v6 =	vadd.f32 v6, v27;
	s21 =	spop (v2sf);
	(v2sf) =	vpush v10, $0xF  }
0x3ac: {  	v2 =	vadd.f32 v2, v27;
	v41 =	vmul.f32 v5, v23;
	v5, _, _ =	vpop (xrf2);
	[tilespmem:s16+$0xFFFFFF70] =	vst v7;
	s10 =	smul.f32 $1.562500000e-02, s21;
	v7 =	vsub.f32 $1.500000000e+00, v9  }
0x3ad: {  	v18 =	vadd.f32 v18, v31;
	v51 =	vmul.f32 v53, v24;
	(v2sf) =	vpush v5, $0xF  }
0x3ae: {  	[tilespmem:s16+$0x20] =	vst v1;
	v37 =	vmul.f32 v11, v26;
	v11 =	vmov s10;
	v7 =	vmul.f32 v7, v28  }
0x3af: {  	[tilespmem:s16+$0xFFFFFF20] =	vst v18;
	v18 =	vmul.f32 v61, v24;
	v53 =	vadd.f32 v20, v27;
	v5 =	vadd.f32 $9.999999960e-13, v11;
	v59, _, _ =	vpop (xrf2)  }
0x3b0: {  	[tilespmem:s16+$0x10] =	vst v0;
	v20 =	vmul.f32 v60, v26;
	v11 =	vmul.f32 v7, v16;
	(v2sf) =	vpush v59, $0xF  }
0x3b1: {  	[tilespmem:s16+$0x40] =	vst v3;
	v42 =	vmul.f32 v22, v25;
	v9 =	vadd.f32 v51, v30;
	v61 =	vbroadcast v5, $0x0  }
0x3b2: {  	[tilespmem:s16+$0x50] =	vst v4;
	v39 =	vmul.f32 v21, v24;
	v10 =	vadd.f32 v20, v31;
	v11 =	vmul.f32 v11, v7  }
0x3b3: {  	[tilespmem:s16+$0xFFFFFF90] =	vst v9;
	v9 =	vadd.f32 v12, v27;
	v62 =	vshrl.u32 v61, $0x1;
	v44 =	vmul.f32 $5.000000000e-01, v61;
	v5, _, _ =	vpop (xrf2)  }
0x3b4: {  	[tilespmem:s16+$0xFFFFFFF0] =	vst v6;
	v12 =	vsub.s32 $0x5F3759DF, v62;
	v11 =	vsub.f32 $1.500000000e+00, v11;
	s21 =	spop (v2sf);
	(v2sf) =	vpush v5, $0xF  }
0x3b5: {  	v60 =	vadd.f32 v18, v30;
	[tilespmem:s16+$0xFFFFFFA0] =	vst v10;
	v10 =	vadd.f32 v13, v29;
	v5 =	vmul.f32 v12, v44;
	s10 =	smul.f32 $1.562500000e-02, s21  }
0x3b6: {  	v0 =	vadd.f32 v8, v31;
	[tilespmem:s16+$0xFFFFFFB0] =	vst v9;
	v9 =	vadd.f32 v15, v31;
	v6 =	vmul.f32 v11, v7  }
0x3b7: {  	[tilespmem:s16+$0xFFFFFFC0] =	vst v10;
	v10 =	vadd.f32 v57, v29;
	s21 =	spop (v2sf);
	v5 =	vmul.f32 v12, v5;
	v7 =	vmov s10  }
0x3b8: {  	[tilespmem:s16+$0xFFFFFFE0] =	vst v9;
	s10 =	smul.f32 $1.562500000e-02, s21;
	v8 =	vmul.f32 v6, v45;
	v9 =	vmul.f32 v6, v48;
	v7 =	vadd.f32 $9.999999960e-13, v7  }
0x3b9: {  	[tilespmem:s16+$0x30] =	vst v2;
	v20 =	vmul.f32 v6, v46;
	v1 =	vsub.f32 $1.500000000e+00, v5;
	v5 =	vmul.f32 v6, v40  }
0x3ba: {  	[tilespmem:s16+$0xFFFFFF10] =	vst v49;
	s21 =	spop (v2sf);
	v6 =	vmov s10;
	v2 =	vbroadcast v7, $0x0;
	v7 =	vmul.f32 v9, v23  }
0x3bb: {  	[tilespmem:s16+$0xFFFFFF30] =	vst v53;
	s10 =	smul.f32 $1.562500000e-02, s21;
	v45 =	vmul.f32 v8, v25;
	v48 =	vmul.f32 v12, v1;
	v1 =	vadd.f32 $9.999999960e-13, v6  }
0x3bc: {  	[tilespmem:s16+$0xFFFFFFD0] =	vst v60;
	v3 =	vshrl.u32 v2, $0x1;
	v46 =	vmul.f32 $5.000000000e-01, v2;
	v2 =	vadd.f32 v7, v27  }
0x3bd: {  	[tilespmem:s16+$0x60] =	vst v0;
	s21 =	spop (v2sf);
	v1 =	vbroadcast v1, $0x0;
	v0 =	vsub.s32 $0x5F3759DF, v3;
	v3 =	vmov s10  }
0x3be: {  	s3 =	smov.u32 s16;
	[tilespmem:s16+$0x0] =	vst v10;
	s16 =	sadd.s32 $0x200, s16;
	v40 =	vmul.f32 v5, v24;
	v6 =	vmul.f32 v48, v44;
	s10 =	smul.f32 $1.562500000e-02, s21;
	v3 =	vadd.f32 $9.999999960e-13, v3  }
0x3bf: {  	v4 =	vmul.f32 v0, v46;
	[tilespmem:s16+$0xF0] =	vst v2;
	v2 =	vshrl.u32 v1, $0x1;
	v51 =	vmul.f32 $5.000000000e-01, v1;
	s21 =	spop (v2sf)  }
0x3c0: {  	s19 =	sadd.s32 $0x8, s19;
	v2 =	vsub.s32 $0x5F3759DF, v2;
	v1 =	vmov s10;
	s10 =	smul.f32 $1.562500000e-02, s21;
	v3 =	vbroadcast v3, $0x0  }
0x3c1: {  	p2 =	slt.u32 s19, $0xC0;
	v4 =	vmul.f32 v0, v4;
	v5 =	vmul.f32 v2, v51;
	v7 =	vadd.f32 $9.999999960e-13, v1  }
.Ltmp3:
0x3c2: {  	v1 =	vmul.f32 v6, v48;
	v9 =	vmov s10;
	v6 =	vshrl.u32 v3, $0x1;
	(pc) =	sbr.rel @p2 .LBB2_5-.Ltmp3, $4  }
0x3c3: {  	v52 =	vmul.f32 $5.000000000e-01, v3;
	v8 =	vbroadcast v7, $0x0;
	v9 =	vadd.f32 $9.999999960e-13, v9;
	s21 =	spop (v2sf)  }
0x3c4: {  	v3 =	vsub.s32 $0x5F3759DF, v6;
	v6 =	vmul.f32 v2, v5;
	v5 =	vsub.f32 $1.500000000e+00, v4;
	s10 =	smul.f32 $1.562500000e-02, s21  }
0x3c5: {  	v7 =	vmul.f32 v3, v52;
	v4 =	vshrl.u32 v8, $0x1;
	v54 =	vmul.f32 $5.000000000e-01, v8  }
0x3c6: {  	s20 =	sadd.s32 $0x200, s20;
	v8 =	vbroadcast v9, $0x0;
	v4 =	vsub.s32 $0x5F3759DF, v4;
	v9 =	vmov s10  }
0x3c7: {  	v9 =	vadd.f32 $9.999999960e-13, v9;
	v7 =	vmul.f32 v3, v7;
	v10 =	vmul.f32 v4, v54  }
0x3c8: {  	v6 =	vsub.f32 $1.500000000e+00, v6;
	v0 =	vmul.f32 v0, v5;
	v23 =	vmul.f32 $5.000000000e-01, v8  }
0x3c9: {  	v11 =	vshrl.u32 v8, $0x1;
	v9 =	vbroadcast v9, $0x0;
	v10 =	vmul.f32 v4, v10  }
0x3ca: {  	v11 =	vsub.s32 $0x5F3759DF, v11;
	v7 =	vsub.f32 $1.500000000e+00, v7;
	v2 =	vmul.f32 v2, v6  }
0x3cb: {  	v12 =	vmul.f32 v11, v23;
	v28 =	vshrl.u32 v9, $0x1;
	v9 =	vmul.f32 $5.000000000e-01, v9  }
0x3cc: {  	v34 =	vmul.f32 v0, v46;
	v33 =	vmul.f32 v3, v7;
	v5 =	vsub.s32 $0x5F3759DF, v28  }
0x3cd: {  	v12 =	vmul.f32 v11, v12;
	v32 =	vmul.f32 v5, v9  }
0x3ce: {  	v10 =	vsub.f32 $1.500000000e+00, v10;
	v49 =	vmul.f32 v2, v51;
	v7 =	vmul.f32 v34, v0  }
0x3cf: {  	v13 =	vmul.f32 v33, v52;
	v12 =	vsub.f32 $1.500000000e+00, v12;
	v6 =	vmul.f32 v5, v32  }
0x3d0: {  	v47 =	vmul.f32 v4, v10;
	v10 =	vmul.f32 v49, v2;
	v53 =	vsub.f32 $1.500000000e+00, v7  }
0x3d1: {  	v55 =	vmul.f32 v13, v33;
	v11 =	vmul.f32 v11, v12;
	v6 =	vsub.f32 $1.500000000e+00, v6  }
0x3d2: {  	v10 =	vsub.f32 $1.500000000e+00, v10;
	v0 =	vmul.f32 v53, v0;
	v56 =	vmul.f32 v47, v54  }
0x3d3: {  	v1 =	vsub.f32 $1.500000000e+00, v1;
	v57 =	vmul.f32 v11, v23;
	v5 =	vmul.f32 v5, v6  }
0x3d4: {  	v19 =	vadd.f32 v43, v27;
	v2 =	vmul.f32 v10, v2;
	v6 =	vmul.f32 v56, v47  }
0x3d5: {  	v7 =	vsub.f32 $1.500000000e+00, v55;
	v10 =	vmul.f32 v57, v11;
	v59 =	vmul.f32 v5, v9  }
0x3d6: {  	v1 =	vmul.f32 v1, v48;
	v60 =	vmul.f32 v0, v46;
	v6 =	vsub.f32 $1.500000000e+00, v6  }
0x3d7: {  	v3 =	vmul.f32 v7, v33;
	v10 =	vsub.f32 $1.500000000e+00, v10;
	v7 =	vmul.f32 v59, v5  }
0x3d8: {  	v21 =	vadd.f32 v42, v29;
	v12 =	vmul.f32 v60, v0;
	v4 =	vmul.f32 v6, v47  }
0x3d9: {  	v22 =	vadd.f32 v39, v30;
	v62 =	vmul.f32 v10, v11;
	v7 =	vsub.f32 $1.500000000e+00, v7  }
0x3da: {  	[tilespmem:s3+$0x70] =	vst v19;
	v61 =	vmul.f32 v1, v44;
	v12 =	vsub.f32 $1.500000000e+00, v12;
	v18 =	vmul.f32 v4, v54  }
0x3db: {  	[tilespmem:s3+$0x80] =	vst v21;
	v8 =	vmul.f32 v62, v23;
	v23 =	vadd.f32 v38, v31;
	v5 =	vmul.f32 v7, v5  }
0x3dc: {  	v39 =	vadd.f32 v37, v31;
	[tilespmem:s3+$0x90] =	vst v22;
	v17 =	vmul.f32 v3, v52;
	v0 =	vmul.f32 v12, v0  }
0x3dd: {  	v28 =	vadd.f32 v41, v27;
	v7 =	vmul.f32 v18, v4;
	[tilespmem:s3+$0xA0] =	vst v23;
	v9 =	vmul.f32 v5, v9  }
0x3de: {  	v13 =	vmul.f32 v61, v1;
	v33 =	vadd.f32 v45, v29;
	v10 =	vmul.f32 v17, v3;
	v34 =	vld [tilespmem:$0x1FAB0]  }
0x3df: {  	v32 =	vmul.f32 v0, v36;
	v7 =	vsub.f32 $1.500000000e+00, v7;
	[tilespmem:s3+$0xB0] =	vst v28;
	v9 =	vmul.f32 v9, v5  }
0x3e0: {  	v36 =	vmul.f32 v0, v35;
	v10 =	vsub.f32 $1.500000000e+00, v10;
	v8 =	vmul.f32 v8, v62;
	[tilespmem:s16+$0xC0] =	vst v33  }
0x3e1: {  	v38 =	vadd.f32 v40, v30;
	v4 =	vmul.f32 v7, v4;
	v7 =	vld [tilespmem:$0x1FAC0];
	v9 =	vsub.f32 $1.500000000e+00, v9  }
0x3e2: {  	v3 =	vmul.f32 v10, v3;
	v10 =	vmul.f32 v32, v25;
	v8 =	vsub.f32 $1.500000000e+00, v8  }
0x3e3: {  	[tilespmem:s16+$0xD0] =	vst v38;
	v5 =	vmul.f32 v9, v5;
	v9 =	vmul.f32 v0, v34  }
0x3e4: {  	v10 =	vadd.f32 v10, v29;
	v6 =	vmul.f32 v8, v62;
	v11 =	vld [tilespmem:$0x1F9B0];
	v8 =	vmul.f32 v36, v26;
	[tilespmem:s3+$0xE0] =	vst v39  }
0x3e5: {  	v15 =	vsub.f32 $1.500000000e+00, v13;
	v40 =	vld [tilespmem:$0x1FCB0];
	v9 =	vmul.f32 v9, v24  }
0x3e6: {  	v8 =	vadd.f32 v8, v31;
	v0 =	vmul.f32 v0, v7;
	v7 =	vld [tilespmem:$0x1F9C0];
	[tilespmem:s16+$0xFFFFFF00] =	vst v10  }
0x3e7: {  	v14 =	vmul.f32 v2, v51;
	v1 =	vmul.f32 v15, v1;
	v10 =	vld [tilespmem:$0x1F9D0];
	v9 =	vadd.f32 v9, v30  }
0x3e8: {  	v12 =	vld [tilespmem:$0x1F9E0];
	[tilespmem:s16+$0xFFFFFF20] =	vst v8  }
0x3e9: {  	v14 =	vmul.f32 v14, v2;
	v11 =	vmul.f32 v1, v11;
	[tilespmem:s16+$0xFFFFFF10] =	vst v9  }
0x3ea: {  	v0 =	vmul.f32 v0, v40;
	v8 =	vld [tilespmem:$0x1F9F0]  }
0x3eb: {  	v16 =	vsub.f32 $1.500000000e+00, v14;
	v11 =	vmul.f32 v11, v25;
	v7 =	vmul.f32 v1, v7  }
0x3ec: {  	v0 =	vadd.f32 v0, v27;
	v10 =	vmul.f32 v1, v10  }
0x3ed: {  	v2 =	vmul.f32 v16, v2;
	v42 =	vadd.f32 v11, v29;
	v7 =	vmul.f32 v7, v24  }
0x3ee: {  	v1 =	vmul.f32 v1, v12;
	[tilespmem:s16+$0xFFFFFF30] =	vst v0;
	v41 =	vmul.f32 v10, v26  }
0x3ef: {  	v0 =	vld [tilespmem:$0x1FA00];
	[tilespmem:s16+$0xFFFFFF40] =	vst v42;
	v7 =	vadd.f32 v7, v30;
	v8 =	vmul.f32 v2, v8  }
0x3f0: {  	v1 =	vmul.f32 v1, v40;
	v10 =	vld [tilespmem:$0x1FA10];
	v9 =	vadd.f32 v41, v31  }
0x3f1: {  	v43 =	vld [tilespmem:$0x1FA20];
	[tilespmem:s16+$0xFFFFFF50] =	vst v7;
	v8 =	vmul.f32 v8, v25  }
0x3f2: {  	v1 =	vadd.f32 v1, v27;
	[tilespmem:s16+$0xFFFFFF60] =	vst v9  }
0x3f3: {  	v7 =	vld [tilespmem:$0x1FA30];
	v8 =	vadd.f32 v8, v29  }
0x3f4: {  	[tilespmem:s16+$0xFFFFFF70] =	vst v1  }
0x3f5: {  	v0 =	vmul.f32 v2, v0;
	v1 =	vld [tilespmem:$0x1FA40];
	[tilespmem:s16+$0xFFFFFF80] =	vst v8  }
0x3f6: {  	v10 =	vmul.f32 v2, v10;
	v8 =	vld [tilespmem:$0x1FA50]  }
0x3f7: {  	v2 =	vmul.f32 v2, v43;
	v0 =	vmul.f32 v0, v24  }
0x3f8: {  	v44 =	vmul.f32 v10, v26;
	v7 =	vmul.f32 v3, v7  }
0x3f9: {  	v2 =	vmul.f32 v2, v40;
	v0 =	vadd.f32 v0, v30  }
0x3fa: {  	v9 =	vadd.f32 v44, v31;
	v1 =	vmul.f32 v3, v1;
	v7 =	vmul.f32 v7, v25  }
0x3fb: {  	v47 =	vadd.f32 v2, v27;
	v45 =	vld [tilespmem:$0x1FA60];
	[tilespmem:s16+$0xFFFFFF90] =	vst v0;
	v8 =	vmul.f32 v3, v8  }
0x3fc: {  	[tilespmem:s16+$0xFFFFFFA0] =	vst v9;
	v46 =	vmul.f32 v1, v24;
	v7 =	vadd.f32 v7, v29  }
0x3fd: {  	v48 =	vld [tilespmem:$0x1FA70];
	[tilespmem:s16+$0xFFFFFFB0] =	vst v47;
	v8 =	vmul.f32 v8, v26  }
0x3fe: {  	v1 =	vld [tilespmem:$0x1FA80];
	v0 =	vadd.f32 v46, v30;
	[tilespmem:s16+$0xFFFFFFC0] =	vst v7  }
0x3ff: {  	v7 =	vld [tilespmem:$0x1FA90];
	v8 =	vadd.f32 v8, v31  }
0x400: {  	v9 =	vld [tilespmem:$0x1FAA0];
	[tilespmem:s16+$0xFFFFFFD0] =	vst v0  }
0x401: {  	v3 =	vmul.f32 v3, v45;
	[tilespmem:s16+$0xFFFFFFE0] =	vst v8  }
0x402: {  	v52 =	vld [tilespmem:$0x1FAD0]  }
0x403: {  	v2 =	vmul.f32 v4, v48;
	v3 =	vmul.f32 v3, v40  }
0x404: {  	v1 =	vmul.f32 v4, v1  }
0x405: {  	v2 =	vmul.f32 v2, v25;
	v51 =	vadd.f32 v3, v27;
	v7 =	vmul.f32 v4, v7  }
0x406: {  	v49 =	vmul.f32 v1, v24;
	v4 =	vmul.f32 v4, v9  }
0x407: {  	v2 =	vadd.f32 v2, v29;
	[tilespmem:s16+$0xFFFFFFF0] =	vst v51;
	v7 =	vmul.f32 v7, v26;
	v3 =	vmul.f32 v6, v52  }
0x408: {  	v0 =	vadd.f32 v49, v30;
	v1 =	vld [tilespmem:$0x1FAE0];
	v4 =	vmul.f32 v4, v40  }
0x409: {  	[tilespmem:s16+$0x0] =	vst v2;
	v7 =	vadd.f32 v7, v31;
	v3 =	vmul.f32 v3, v25  }
0x40a: {  	v2 =	vld [tilespmem:$0x1FAF0];
	[tilespmem:s16+$0x10] =	vst v0;
	v54 =	vadd.f32 v4, v27  }
0x40b: {  	[tilespmem:s16+$0x20] =	vst v7;
	v3 =	vadd.f32 v3, v29  }
0x40c: {  	v55 =	vld [tilespmem:$0x1FB00];
	[tilespmem:s16+$0x30] =	vst v54  }
0x40d: {  	v1 =	vmul.f32 v6, v1;
	[tilespmem:s16+$0x40] =	vst v3  }
0x40e: {  	v56 =	vmul.f32 v5, v63;
	v3 =	vld [tilespmem:$0x1FB30]  }
0x40f: {  	v53 =	vmul.f32 v1, v24  }
0x410: {  	v2 =	vmul.f32 v6, v2;
	v1 =	vmul.f32 v56, v24  }
0x411: {  	v61 =	vmul.f32 v20, v26;
	v6 =	vmul.f32 v6, v58;
	v0 =	vadd.f32 v53, v30  }
0x412: {  	v2 =	vmul.f32 v2, v26;
	v60 =	vadd.f32 v1, v30;
	v4 =	vmul.f32 v5, v55  }
0x413: {  	v6 =	vmul.f32 v6, v40;
	v1 =	vadd.f32 v61, v31;
	[tilespmem:s16+$0x50] =	vst v0;
	v3 =	vmul.f32 v5, v3  }
0x414: {  	v2 =	vadd.f32 v2, v31;
	[tilespmem:s16+$0x90] =	vst v60;
	v4 =	vmul.f32 v4, v25;
	v5 =	vmul.f32 v5, v50  }
0x415: {  	v57 =	vadd.f32 v6, v27;
	[tilespmem:s16+$0xE0] =	vst v1;
	v3 =	vmul.f32 v3, v26  }
0x416: {  	[tilespmem:s16+$0x60] =	vst v2;
	v58 =	vadd.f32 v4, v29;
	v59 =	vmul.f32 v5, v40  }
0x417: {  	[tilespmem:s16+$0x70] =	vst v57;
	v62 =	vadd.f32 v3, v31  }
0x418: {  	s21 =	sadd.s32 s14, s9;
	[tilespmem:s16+$0x80] =	vst v58;
	v63 =	vadd.f32 v59, v27  }
0x419: {  	s3 =	smul.u32 $0x190, s21;
	[tilespmem:s16+$0xA0] =	vst v62  }
.Ltmp4:
0x41a: {  	s10 =	simm.s32 @!p1 $0x6;
	[tilespmem:s16+$0xB0] =	vst v63;
	(pc) =	sbr.rel @p0 .LBB2_8-.Ltmp4, $4  }
0x41b: {  	_ =	swait.ge @!p1 [sflag:s10], $0x3200  }
0x41c: {  	s3 =	sadd.s32 s4, s3;
	[sflag:s10] =	ssyncset.done @!p1 $0x0  }
0x41d: {  	s3 =	sadd.s32 $0x640, s3;
	[sflag:s10] =	ssyncadd.s32 @!p1 $0xFFFFCE00  }
0x41e: {  	[hbm4b:s3+s5] =	stream.linear.scatter [tilespmem:s30], [sflag:$0x6], $0x3200, $0x38;
	[tilespmem:$0xCA20] =	vst v63  }
0x41f: {  	_ =	swait.ge [sflag:s23], $0xD0  }
.Ltmp5:
0x420: {  	[sflag:s23] =	ssyncset.done $0x0;
	(pc) =	sbr.rel .LBB2_2-.Ltmp5, $4  }
0x421: {  	[sflag:s23] =	ssyncadd.s32 $0xFFFFFF30  }
0x422: {  	[tilespmem:s24], [sflag:$0x4] =	stream.indirect.gather [hbm4b:s7+s18], $0x40, s22, s18, $0xb8;
	[tilespmem:$0xCA20] =	vst v63  }
0x423: {  	s1 =	sadd.s32 $0x1, s1  }
0x424: {  	[tilespmem:s26], [sflag:$0x4] =	stream.indirect.gather [hbm4b:s7+s18], $0x40, s25, s18, $0xb8;
	[tilespmem:$0xCA20] =	vst v63  }
.LBB2_9:
0x425: {  	_ =	sfence.sel $0x180000  }
0x426: {  	[bflag:$0x0] =	sbarrier.arrive $0xFFFF  }
0x427: {  	_ =	strace $0x90000047  }
0x428: {  	s0 =	stileid.u32;
	[bflag:$0x2] =	sbarrier.arrive $0xFFFF  }
0x429: {  	p0 =	sne.s32 s0, $0x0;
	s0 =	rddreg [dreg:$0x4]  }
0x42a: {  	s0 =	sadd.s32 @!p0 $0x100000, s0  }
0x42b: {  	[sflag:s0] =	ssyncadd.tile.s32 @!p0 $0x1;
	_ =	shalt  }
.Lfunc_end2:
_tile_overlayer_lowered:
.L_overlay_start_2:
0x42c: {  	(tag) =	ssettag $0x2  }
0x42d: {  	s0 =	rddreg [dreg:$0x0];
	s2 =	stileid.u32  }
0x42e: {  	s1 =	rddreg [dreg:$0x1];
	p0 =	sne.s32 s2, $0x0  }
0x42f: {  	s3 =	rddreg [dreg:$0x2];
	[bflag:$0x3] =	sbarrier.arrive $0xFFFF;
	s2 =	simm.s32 @!p0 $0x1C07  }
0x430: {  	[timem:s3], [sflag:s2] =	dma.local @!p0 [hbm:s0], s1  }
0x431: {  	s0 =	simm.s32 @!p0 $0x7  }
0x432: {  	_ =	swait.ge @!p0 [sflag:s0], s1  }
0x433: {  	s1 =	ssub.s32 @!p0 $0x0, s1;
	[sflag:s0] =	ssyncset.done @!p0 $0x0  }
0x434: {  	[sflag:s0] =	ssyncadd.s32 @!p0 s1  }
0x435: {  	[bflag:$0x3] =	sbarrier.arrive $0xFFFF  }
0x436: {  	_ =	shalt  }

// kernel: sparse-core-data-format-call.cloned.1.call-start
scs
called_computation_lowered:
.L_overlay_start_0:
0x0: {  	s2 =	sld [smem:$0x3FD9]  }
0x1: {  	s3 =	sld [smem:$0x3FFE];
	_ =	sdelay $0x1  }
0x2: {  	s1 =	srdreg.scid  }
0x3: {  	s0 =	sand.u32 $0x1, s1  }
0x4: {  	s18 =	sshll.u32 s0, $0xA;
	s2 =	sadd.s32 s3, s2  }
0x5: {  	s2 =	sadd.s32 s2, s18  }
0x6: {  	[smem:$0x3FC4] =	sst s2  }
0x7: {  	_ = 	snop  }
0x8: {  	s2 =	sld [smem:$0x3FD0];
	(tm) =	ssettm $0x1  }
0x9: {  	s19 =	sld [smem:$0x3FFB];
	_ =	sdelay $0x3  }
0xa: {  	_ =	strace s19  }
0xb: {  	s3 =	sld [smem:$0x3FFC];
	_ =	sdelay $0x3  }
0xc: {  	_ =	strace s3  }
0xd: {  	s3 =	sld [smem:$0x3FFD];
	_ =	sdelay $0x3  }
0xe: {  	_ =	strace s3  }
0xf: {  	_ =	strace $0x8FFFFFFF  }
0x10: {  	s20 =	sld [smem:$0x3FDB];
	_ =	sdelay $0x1  }
0x11: {  	s4 =	simm.s32 $_scs_section_size  }
0x12: {  	s5 =	simm.s32 $_size__tile_overlayer_lowered;
	s6 =	simm.s32 $_tile_overlayer_lowered  }
0x13: {  	s23 =	simm.s32 $0x1BFF;
	s22 =	sshll.u32 s6, $0x1;
	s3 =	sadd.s32 s4, s20  }
0x14: {  	s7 =	simm.s32 $0x0;
	s21 =	sshll.u32 s5, $0x1;
	s5 =	sadd.s32 s22, s3  }
0x15: {  	[timem:s7], [sflag:s23] =	dma.local [hbm:s5], s21  }
0x16: {  	_ =	swait.ge [sflag:s23], s21  }
0x17: {  	s4 =	ssub.s32 $0x0, s21;
	[sflag:s23] =	ssyncset.done $0x0  }
0x18: {  	[sflag:s23] =	ssyncadd.s32 s4;
	_ =	sdelay $0x1  }
0x19: {  	s24 =	simm.s32 $0x1B8B  }
0x1a: {  	_ =	swait.ge [sflag:s24], $0x1  }
0x1b: {  	[sflag:s24] =	ssyncset.done $0x0  }
0x1c: {  	s26 =	simm.s32 $0x1B8E;
	s25 =	sld [smem:$0x3FFE];
	[sflag:s24] =	ssyncadd.s32 $0xFFFFFFFF  }
0x1d: {  	s27 =	simm.s32 $execute0_lowered;
	[smem:$0x3FD2] =	sst s26  }
0x1e: {  	s5 =	sshll.u32 s27, $0x1;
	_ =	strace $0x80000049;
	[dreg:$0x1] =	wrdreg $0xFFFFFFFF  }
0x1f: {  	s28 =	simm.s32 $_size_execute0_lowered;
	s3 =	sadd.s32 s3, s5;
	[dreg:$0x0] =	wrdreg $0x0  }
0x20: {  	s5 =	sshll.u32 s28, $0x1;
	[dreg:$0x2] =	wrdreg s3  }
0x21: {  	[dreg:$0x3] =	wrdreg s5  }
0x22: {  	[dreg:$0x4] =	wrdreg $0xC0  }
0x23: {  	_ =	task [dreg:s7], $0x5FFFF  }
0x24: {  	[dreg:$0x1] =	wrdreg $0xFFFFFFFF  }
0x25: {  	[dreg:$0x0] =	wrdreg $0x60  }
0x26: {  	[dreg:$0x2] =	wrdreg s25  }
0x27: {  	[dreg:$0x3] =	wrdreg s2  }
0x28: {  	[dreg:$0x4] =	wrdreg $0x9  }
0x29: {  	_ =	task.clear_ibuf [dreg:s7], $0x5FFFF;
	_ =	strace $0x90000049  }
0x2a: {  	s29 =	simm.s32 $0x9;
	_ =	strace $0x8000004B  }
0x2b: {  	_ =	swait.ge [sflag:s29], $0x1  }
0x2c: {  	[sflag:s29] =	ssyncadd.s32 $0xFFFFFFFF  }
0x2d: {  	_ =	strace $0x9000004B  }
0x2e: {  	_ =	sfence  }
0x2f: {  	s30 =	sld [smem:$0x0];
	_ =	sdelay $0x2  }
0x30: {  	s31 =	sshll.u32 s1, $0xD;
	s1 =	sshrl.u32 s1, $0x2  }
0x31: {  	s3 =	sand.u32 $0x4000, s31;
	s1 =	sadd.s32 s1, s30  }
0x32: {  	s0 =	sor.u32 s3, s0;
	s1 =	sshll.u32 s1, $0x11  }
0x33: {  	s0 =	sor.u32 s1, s0  }
0x34: {  	s0 =	sadd.s32 $0x8F2B, s0  }
0x35: {  	[sflag:s0] =	ssyncadd.remote.s32 $0x1  }
0x36: {  	_ =	sfence.sel $0xFFFF  }
0x37: {  	[dreg:$0x0] =	wrdreg $0xFFFFFFFF;
	(pc) =	sbr.abs _section_cstart, $3  }
0x38: {  	[dreg:$0x1] =	wrdreg $0xFFFFFFFF  }
0x39: {  	_ =	task.clear_ibuf [dreg:s7], $0x2FFFF;
	_ =	strace $0x9FFFFFFF  }
0x3a: {  	(tm) =	ssettm $0x7FFFFFFF  }
0x3b: {  	_ =	shalt  }
tec
execute0_lowered:
.L_overlay_start_1:
0x0: {  	(tag) =	ssettag $0x1  }
0x1: {  	s0 =	srdreg.scid  }
0x2: {  	s1 =	sshll.u32 s0, $0x4  }
0x3: {  	s0 =	stileid.u32;
	s1 =	sand.u32 $0x10, s1  }
0x4: {  	s1 =	sor.u32 s0, s1  }
0x5: {  	s6 =	rddreg [dreg:$0x0];
	s4 =	simm.s32 $0x1;
	s2 =	sshll.u32 s1, $0x7  }
0x6: {  	s7 =	simm.s32 $0x2;
	s13 =	simm.s32 $0x0;
	s1 =	ssub.s32 $0x4000, s2  }
0x7: {  	s8 =	simm.s32 $0x20000;
	s12 =	simm.s32 $0x0;
	s3 =	sand.u32 $0xF80, s1  }
0x8: {  	s9 =	simm.s32 $0x0;
	s5 =	sshrl.u32 s1, $0xC;
	p0 =	sne.s32 s3, $0x0  }
.Ltmp0:
0x9: {  	s1 =	rddreg [dreg:$0x2];
	s4 =	simm.s32 @!p0 $0x0;
	(pc) =	sbr.rel .LBB1_1-.Ltmp0, $4  }
0xa: {  	s11 =	simm.s32 $0x0;
	s3 =	rddreg [dreg:$0x1];
	s5 =	sadd.s32 s4, s5  }
0xb: {  	_ =	strace $0x8000004A;
	s4 =	simm.s32 $0x1;
	s5 =	smul.u32 $0x19, s5  }
0xc: {  	s6 =	sadd.s32 $0x800, s6;
	s10 =	smov.u32 s2;
	[sflag:s4] =	ssyncpa.u1 $0x0  }
0xd: {  	p0 =	por $0x0, $0x0;
	[sflag:s7] =	ssyncpa.u1 $0x0;
	s7 =	sadd.s32 $0x1, s5  }
.LBB1_4:
0xe: {  	v5 =	vld [tilespmem:s16+$0xFFFFFFD0];
	[tilespmem:s17+$0x2040 ss:$0x81] =	vst.msk $0xffff, v3  }
0xf: {  	v58 =	vld [tilespmem:s16+$0xFFFFFFE0];
	[tilespmem:s17+$0x2850 ss:$0x81] =	vst.msk $0xffff, v4;
	s19 =	sshll.u32 s13, $0xE;
	s20 =	sshll.u32 s12, $0x3  }
0x10: {  	s18 =	sshra.s32 s18, $0x2;
	v59 =	vld [tilespmem:s16+$0xFFFFFFF0];
	[tilespmem:s17+$0x3060 ss:$0x81] =	vst.msk $0xffff, v2;
	s19 =	sand.u32 $0xFFFE0000, s19;
	s21 =	sand.u32 $0xFFFFFC00, s20  }
0x11: {  	[tilespmem:s17+$0x0 ss:$0x81] =	vst.msk $0xffff, v0;
	v60 =	vld [tilespmem:s16+$0x0];
	s15 =	sadd.s32 s18, s15;
	s25 =	sadd.s32 s21, s19  }
0x12: {  	v61 =	vld [tilespmem:s16+$0x10];
	[tilespmem:s15+$0x3870 ss:$0x81] =	vst.msk $0xffff, v1;
	s17 =	sshrl.u32 s25, $0xE  }
0x13: {  	v62 =	vld [tilespmem:s16+$0x20];
	s26 =	smulhi.u32 $0x147AE2, s17;
	[tilespmem:s15+$0x810 ss:$0x81] =	vst.msk $0xffff, v5  }
0x14: {  	v63 =	vld [tilespmem:s16+$0xFFFFFFC0];
	s27 =	sand.u32 $0x78, s12;
	s28 =	sshll.u32 s13, $0x7;
	s29 =	sand.u32 $0x3C00, s20;
	[tilespmem:s15+$0x1020 ss:$0x81] =	vst.msk $0xffff, v58  }
0x15: {  	s13 =	sand.u32 $0x380, s28;
	s16 =	sor.u32 s27, s29;
	[tilespmem:s15+$0x1830 ss:$0x81] =	vst.msk $0xffff, v59;
	s18 =	smul.u32 $0xC80, s26  }
0x16: {  	s13 =	sor.u32 s13, s16;
	[tilespmem:s15+$0x2040 ss:$0x81] =	vst.msk $0xffff, v60  }
0x17: {  	s31 =	sand.u32 $0x7, s12;
	s13 =	sshrl.u32 s13, $0x3;
	[tilespmem:s15+$0x2850 ss:$0x81] =	vst.msk $0xffff, v61;
	s30 =	ssub.s32 s17, s18  }
0x18: {  	s12 =	sshll.u32 s31, $0x12;
	[tilespmem:s15+$0x3060 ss:$0x81] =	vst.msk $0xffff, v62;
	s13 =	sadd.s32 s3, s13;
	s16 =	sshll.u32 s30, $0xB  }
0x19: {  	s12 =	sor.u32 $0x400, s12;
	[tilespmem:s15+$0x0 ss:$0x81] =	vst.msk $0xffff, v63;
	s13 =	sadd.s32 s16, s13  }
0x1a: {  	[hbm4b:s13+s12] =	stream.strided.scatter [tilespmem:s14], [sflag:$0x2], $0x4000, s8, s12, $0x20;
	[tilespmem:$0x10100] =	vst v63  }
.LBB1_5:
0x1b: {  	s14 =	sadd.s32 $0x80, s9  }
0x1c: {  	s12 =	sadd.s32 $0x1000, s10;
	s16 =	smov.u32 s10;
	p2 =	sgt.s32 s14, $0xC7F  }
0x1d: {  	s16 =	smov.u32 @p2 s12  }
0x1e: {  	s14 =	simm.s32 @p2 $0x0;
	p2 =	sgt.s32 s16, $0x3FFF  }
0x1f: {  	s16 =	smov.u32 @p2 s2;
	p2 =	sne.s32 s11, s7  }
.Ltmp1:
0x20: {  	p1 =	slt.u32 s11, $0x2;
	(pc) =	sbr.rel @!p2 .LBB1_6-.Ltmp1, $4  }
0x21: {  	s15 =	simm.s32 @!p1 $0x2  }
0x22: {  	s13 =	smov.u32 s9;
	p0 =	por !p0, !p0;
	_ =	swait.ge @!p1 [sflag:s15], $0x4000  }
0x23: {  	s12 =	smov.u32 s10;
	[sflag:s15] =	ssyncset.done @!p1 $0x0;
	s9 =	smov.u32 s14  }
0x24: {  	s11 =	sadd.s32 $0x1, s11;
	[sflag:s15] =	ssyncadd.s32 @!p1 $0xFFFFC000;
	s10 =	smov.u32 s16  }
.LBB1_1:
0x25: {  	p1 =	sge.u32 s11, s5  }
0x26: {  	s14 =	sshrl.u32 @!p1 s10, $0x3  }
0x27: {  	s15 =	sshll.u32 @!p1 s9, $0x3;
	s14 =	smul.u32 @!p1 $0x6400, s14  }
0x28: {  	s16 =	sshll.u32 @!p1 s10, $0x7;
	s15 =	sand.u32 @!p1 $0xFFFFFC00, s15  }
0x29: {  	s14 =	sadd.s32 @!p1 s14, s15;
	s15 =	sand.u32 @!p1 $0x380, s16  }
0x2a: {  	s16 =	sand.u32 @!p1 $0x7F, s9;
	s14 =	sor.u32 @!p1 s15, s14  }
0x2b: {  	s15 =	sor.u32 @!p1 s16, s14  }
0x2c: {  	s16 =	smulhi.u32 @!p1 $0x51EB851F, s15;
	_ =	sdelay $0x1  }
0x2d: {  	s14 =	smulhi.u32 @!p1 $0x51EB851F, s14;
	s16 =	sshrl.u32 @!p1 s16, $0xA  }
0x2e: {  	s16 =	smul.u32 @!p1 $0xC80, s16  }
0x2f: {  	s31 =	sadd.s32 $0xFFFFFFFF, s11;
	s17 =	sxor.u32 @!p1 $0xFFFFFFFF, s11;
	s14 =	sshrl.u32 @!p1 s14, $0xA  }
0x30: {  	s17 =	sshll.u32 @!p1 s17, $0xE;
	s14 =	sand.u32 @!p1 $0x3FFF, s14;
	s15 =	ssub.s32 @!p1 s15, s16  }
0x31: {  	s14 =	smul.u32 @!p1 $0x190, s14;
	s16 =	sshrl.u32 @!p1 s15, $0x3;
	s15 =	sand.u32 @!p1 $0x7, s15  }
0x32: {  	s17 =	sand.u32 @!p1 $0x4000, s17;
	s16 =	sadd.s32 @!p1 s6, s16;
	s15 =	sshll.u32 @!p1 s15, $0x12  }
0x33: {  	s14 =	sadd.s32 @!p1 s14, s16;
	s15 =	sor.u32 @!p1 $0x400, s15;
	s16 =	simm.s32 @!p1 $0x6400  }
0x34: {  	[tilespmem:s17], [sflag:$0x1] =	stream.strided.gather @!p1 [hbm4b:s14+s15], $0x4000, s16, s15, $0x38;
	[tilespmem:$0x10100] =	vst v63  }
0x35: {  	p1 =	sge.u32 s31, s5  }
.Ltmp2:
0x36: {  	_ = 	snop;
	(pc) =	sbr.rel @p1 .LBB1_5-.Ltmp2, $1  }
0x37: {  	_ =	sdelay $0x3  }
0x38: {  	s14 =	simm.s32 $0x1  }
0x39: {  	_ =	swait.ge [sflag:s4], $0x4000;
	s14 =	simm.s32 @!p0 $0x0  }
0x3a: {  	[sflag:s4] =	ssyncset.done $0x0;
	s15 =	sshll.u32 s14, $0xE  }
0x3b: {  	[sflag:s4] =	ssyncadd.s32 $0xFFFFC000;
	s16 =	sor.u32 $0x40, s15  }
0x3c: {  	s14 =	smul.u32 $0x10200, s14;
	v0 =	vld [tilespmem:s16+$0x30]  }
0x3d: {  	v1 =	vld [tilespmem:s16+$0xFFFFFFD0]  }
0x3e: {  	s14 =	sshrl.u32 s14, $0x2;
	v5 =	vld [tilespmem:s16+$0xFFFFFFE0]  }
0x3f: {  	v6 =	vld [tilespmem:s16+$0xFFFFFFF0];
	s15 =	sor.u32 $0x8000, s14  }
0x40: {  	s31 =	sand.u32 $0x1, s11;
	v3 =	vld [tilespmem:s16+$0x0];
	s17 =	sadd.s32 $0x0, s15  }
0x41: {  	v4 =	vld [tilespmem:s16+$0x10];
	s14 =	smul.u32 $0x10200, s31;
	[tilespmem:s17+$0x3870 ss:$0x81] =	vst.msk $0xffff, v0  }
0x42: {  	v2 =	vld [tilespmem:s16+$0x20];
	[tilespmem:s17+$0x810 ss:$0x81] =	vst.msk $0xffff, v1  }
0x43: {  	s14 =	sshrl.u32 s14, $0x2;
	v0 =	vld [tilespmem:s16+$0xFFFFFFC0];
	[tilespmem:s17+$0x1020 ss:$0x81] =	vst.msk $0xffff, v5;
	s16 =	sadd.s32 $0x80, s16  }
0x44: {  	s18 =	simm.s32 $0x4;
	s19 =	simm.s32 $0x8;
	s14 =	sor.u32 $0x8000, s14;
	[tilespmem:s17+$0x1830 ss:$0x81] =	vst.msk $0xffff, v6;
	v1 =	vld [tilespmem:s16+$0x30]  }
.LBB1_3:
0x45: {  	p1 =	sne.s32 s19, $0x1FC;
	v5 =	vld [tilespmem:s16+$0xFFFFFFD0];
	[tilespmem:s17+$0x2040 ss:$0x81] =	vst.msk $0xffff, v3  }
0x46: {  	v6 =	vld [tilespmem:s16+$0xFFFFFFE0];
	[tilespmem:s17+$0x2850 ss:$0x81] =	vst.msk $0xffff, v4  }
0x47: {  	s20 =	sshra.s32 s18, $0x2;
	s18 =	smov.u32 s19;
	v7 =	vld [tilespmem:s16+$0xFFFFFFF0];
	[tilespmem:s17+$0x3060 ss:$0x81] =	vst.msk $0xffff, v2  }
.Ltmp3:
0x48: {  	v3 =	vld [tilespmem:s16+$0x0];
	[tilespmem:s17+$0x0 ss:$0x81] =	vst.msk $0xffff, v0;
	s17 =	sadd.s32 s20, s15;
	(pc) =	sbr.rel @p1 .LBB1_3-.Ltmp3, $4  }
0x49: {  	v4 =	vld [tilespmem:s16+$0x10];
	[tilespmem:s17+$0x3870 ss:$0x81] =	vst.msk $0xffff, v1  }
0x4a: {  	[tilespmem:s17+$0x810 ss:$0x81] =	vst.msk $0xffff, v5;
	v2 =	vld [tilespmem:s16+$0x20]  }
0x4b: {  	v0 =	vld [tilespmem:s16+$0xFFFFFFC0];
	[tilespmem:s17+$0x1020 ss:$0x81] =	vst.msk $0xffff, v6;
	s16 =	sadd.s32 $0x80, s16  }
0x4c: {  	s19 =	sadd.s32 $0x4, s19;
	v1 =	vld [tilespmem:s16+$0x30];
	[tilespmem:s17+$0x1830 ss:$0x81] =	vst.msk $0xffff, v7  }
.Ltmp4:
0x4d: {  	_ = 	snop;
	(pc) =	sbr.rel .LBB1_4-.Ltmp4, $1  }
0x4e: {  	_ =	sdelay $0x3  }
.LBB1_6:
0x4f: {  	_ =	sfence.sel $0x180000  }
0x50: {  	s2 =	simm.s32 $0x1;
	[bflag:$0x0] =	sbarrier.arrive $0xFFFF  }
0x51: {  	s31 =	simm.s32 $0x2;
	[sflag:s2] =	ssyncpa.u1 $0x1  }
0x52: {  	[sflag:s31] =	ssyncpa.u1 $0x1  }
0x53: {  	p0 =	sne.s32 s0, $0x0;
	_ =	strace $0x9000004A  }
0x54: {  	s0 =	sadd.s32 @!p0 $0x100000, s1;
	[bflag:$0x2] =	sbarrier.arrive $0xFFFF  }
0x55: {  	[sflag:s0] =	ssyncadd.tile.s32 @!p0 $0x1;
	_ =	shalt  }
.Lfunc_end1:
_tile_overlayer_lowered:
.L_overlay_start_2:
0x56: {  	(tag) =	ssettag $0x2  }
0x57: {  	s0 =	rddreg [dreg:$0x0];
	s2 =	stileid.u32  }
0x58: {  	s1 =	rddreg [dreg:$0x1];
	p0 =	sne.s32 s2, $0x0  }
0x59: {  	s3 =	rddreg [dreg:$0x2];
	[bflag:$0x3] =	sbarrier.arrive $0xFFFF;
	s2 =	simm.s32 @!p0 $0x1C01  }
0x5a: {  	[timem:s3], [sflag:s2] =	dma.local @!p0 [hbm:s0], s1  }
0x5b: {  	s0 =	simm.s32 @!p0 $0x1  }
0x5c: {  	_ =	swait.ge @!p0 [sflag:s0], s1  }
0x5d: {  	s1 =	ssub.s32 @!p0 $0x0, s1;
	[sflag:s0] =	ssyncset.done @!p0 $0x0  }
0x5e: {  	[sflag:s0] =	ssyncadd.s32 @!p0 s1  }
0x5f: {  	[bflag:$0x3] =	sbarrier.arrive $0xFFFF  }
0x60: {  	_ =	shalt  }

</sc_bundles>
